<compile_context>
chip_gen: v7x
topology: tpu7x:2x2x1
jax: 0.10.2.dev20260603
libtpu: 0.0.44.dev20260713+nightly
codegen_flags: <defaults>
</compile_context>

<pallas_src>
import functools

import jax
import jax.numpy as jnp
from jax import lax
from jax.experimental import pallas as pl
from jax.experimental.pallas import tpu as pltpu
from jax.experimental.pallas import tpu_sc as plsc

_EPS = 1e-3
_NC = 2
_NS = 16
_NW = _NC * _NS


def _sc_gather_slice(table, idx_flat, edge0, nm_sl, chunk):
    d = table.shape[1]
    per_w = nm_sl // _NW
    n_ch = per_w // chunk
    assert per_w % chunk == 0 and chunk % 8 == 0 and per_w % 8 == 0

    mesh = plsc.VectorSubcoreMesh(core_axis_name="c", subcore_axis_name="s")

    @functools.partial(
        pl.kernel,
        mesh=mesh,
        out_type=jax.ShapeDtypeStruct((nm_sl, d), jnp.float32),
        scratch_types=[
            pltpu.VMEM((per_w,), jnp.int32),
            pltpu.VMEM((chunk, d), jnp.float32),
            pltpu.VMEM((chunk, d), jnp.float32),
            pltpu.SemaphoreType.DMA,
            pltpu.SemaphoreType.DMA,
        ],
    )
    def gather_kernel(table_hbm, idx_hbm, out_hbm, idx_v, rows0, rows1, sem0, sem1):
        wid = lax.axis_index("s") * _NC + lax.axis_index("c")
        out_base = wid * per_w
        idx_base = edge0 + out_base
        pltpu.sync_copy(idx_hbm.at[pl.ds(idx_base, per_w)], idx_v)
        bufs = (rows0, rows1)
        sems = (sem0, sem1)

        def start(c):
            return pltpu.async_copy(
                table_hbm.at[idx_v.at[pl.ds(c * chunk, chunk)]],
                bufs[c % 2], sems[c % 2])

        def scatter(c):
            pltpu.sync_copy(bufs[c % 2],
                            out_hbm.at[pl.ds(out_base + c * chunk, chunk)])

        h_prev = start(0)
        for c in range(1, n_ch):
            h = start(c)
            h_prev.wait()
            scatter(c - 1)
            h_prev = h
        h_prev.wait()
        scatter(n_ch - 1)

    return gather_kernel(table, idx_flat)


def _softplus_fast(x):
    return jnp.log1p(jnp.exp(x))


def _softplus(x):
    return jnp.maximum(x, 0.0) + jnp.log1p(jnp.exp(-jnp.abs(x)))


def _tc_body(m, a_len, atom_ref, g_ref, nb_ref, ws_ref, wn_ref,
             b_ref, s2_ref, b2_ref, out_ref):
    a = atom_ref[...]
    s = jnp.dot(a, ws_ref[...], preferred_element_type=jnp.float32)
    s = s + b_ref[...]
    xin = jnp.concatenate([g_ref[...], nb_ref[...]], axis=1)
    x = jnp.dot(xin, wn_ref[...], preferred_element_type=jnp.float32)
    bsz = a.shape[0]
    x = x.reshape(bsz, m, 2 * a_len) + s[:, None, :]
    t = jnp.tanh(x[:, :, :a_len])
    core = _softplus_fast(x[:, :, a_len:])
    red = jnp.sum((t + 1.0) * core, axis=1)
    red = red * s2_ref[...] + b2_ref[...]
    out_ref[...] = _softplus(a + red)


def _tc_slice(atom, g_sl, nb_flat, ws, wn, bvec, s2, b2,
              node0, n_sl, block):
    n, a_len = atom.shape
    nm_sl = g_sl.shape[0]
    m = nm_sl // n_sl
    e_len = nb_flat.shape[1]
    assert n_sl % block == 0 and node0 % block == 0
    grid = (n_sl // block,)
    blk0 = node0 // block
    body = functools.partial(_tc_body, m, a_len)
    return pl.pallas_call(
        body,
        grid=grid,
        in_specs=[
            pl.BlockSpec((block, a_len), lambda i: (blk0 + i, 0)),
            pl.BlockSpec((block * m, a_len), lambda i: (i, 0)),
            pl.BlockSpec((block * m, e_len), lambda i: (blk0 + i, 0)),
            pl.BlockSpec((a_len, 2 * a_len), lambda i: (0, 0)),
            pl.BlockSpec((a_len + e_len, 2 * a_len), lambda i: (0, 0)),
            pl.BlockSpec((1, 2 * a_len), lambda i: (0, 0)),
            pl.BlockSpec((1, a_len), lambda i: (0, 0)),
            pl.BlockSpec((1, a_len), lambda i: (0, 0)),
        ],
        out_specs=pl.BlockSpec((block, a_len), lambda i: (i, 0)),
        out_shape=jax.ShapeDtypeStruct((n_sl, a_len), jnp.float32),
        compiler_params=pltpu.CompilerParams(
            dimension_semantics=("arbitrary",),
        ),
    )(atom, g_sl, nb_flat, ws, wn, bvec, s2, b2)


def kernel(atom_in_fea, nbr_fea, nbr_fea_idx, W_fc, b_fc,
           bn1_gamma, bn1_beta, bn1_mean, bn1_var,
           bn2_gamma, bn2_beta, bn2_mean, bn2_var):
    n, m = nbr_fea_idx.shape
    a_len = atom_in_fea.shape[1]

    scale1 = bn1_gamma * lax.rsqrt(bn1_var + _EPS)
    half = jnp.concatenate([jnp.full((a_len,), 0.5, jnp.float32),
                            jnp.ones((a_len,), jnp.float32)])
    scale1h = scale1 * half
    wp = W_fc * scale1h[None, :]
    bp = b_fc * scale1h + (bn1_beta - bn1_mean * scale1) * half
    ws = wp[:a_len]
    wn = wp[a_len:]
    scale2 = bn2_gamma * lax.rsqrt(bn2_var + _EPS)
    bias2 = bn2_beta - bn2_mean * scale2

    idx_flat = nbr_fea_idx.reshape(-1).astype(jnp.int32)
    nb_flat = nbr_fea.reshape(n * m, -1)
    bvec = bp.reshape(1, -1)
    s2 = (0.5 * scale2).reshape(1, -1)
    b2 = bias2.reshape(1, -1)

    slices = [(0, 400), (400, 1600), (2000, 2000), (4000, 2000),
              (6000, 2000), (8000, 2000)]
    outs = []
    for node0, n_sl in slices:
        g_k = _sc_gather_slice(atom_in_fea, idx_flat, node0 * m, n_sl * m,
                               chunk=400)
        outs.append(_tc_slice(atom_in_fea, g_k, nb_flat, ws, wn,
                              bvec, s2, b2, node0, n_sl, block=200))
    return jnp.concatenate(outs, axis=0)

# --- scband reference (transcript-rebuilt; emitter-appended) ---
"""Pipeline reference for scband-conv-layer-38740605010103 (READ-ONLY COPY).

The authoritative reference and input builder live on the scoring server;
editing this copy changes nothing except your own understanding.
"""

import jax, jax.numpy as jnp
import numpy as np

ATOM_FEA_LEN = 128
NBR_FEA_LEN = 16
N_NODES = 10000
M_NBRS = 32
EPS = 1e-3  # keras BatchNormalization default epsilon


def setup_inputs(seed: int = 0) -> dict:
    key = jax.random.key(seed)
    ks = jax.random.split(key, 16)
    atom_in_fea = jax.random.normal(ks[0], (N_NODES, ATOM_FEA_LEN), dtype=jnp.float32)
    nbr_fea = jax.random.normal(ks[1], (N_NODES, M_NBRS, NBR_FEA_LEN), dtype=jnp.float32)
    nbr_fea_idx = jax.random.randint(ks[2], (N_NODES, M_NBRS), 0, N_NODES).astype(jnp.int64)
    in_dim = 2 * ATOM_FEA_LEN + NBR_FEA_LEN  # 272
    out_dim = 2 * ATOM_FEA_LEN  # 256
    W_fc = jax.random.normal(ks[3], (in_dim, out_dim), dtype=jnp.float32) * (1.0 / np.sqrt(in_dim))
    b_fc = jnp.zeros((out_dim,), dtype=jnp.float32)
    bn1_gamma = 1.0 + 0.1 * jax.random.normal(ks[4], (out_dim,), dtype=jnp.float32)
    bn1_beta = 0.1 * jax.random.normal(ks[5], (out_dim,), dtype=jnp.float32)
    bn1_mean = 0.1 * jax.random.normal(ks[6], (out_dim,), dtype=jnp.float32)
    bn1_var = 0.5 + jax.random.uniform(ks[7], (out_dim,), dtype=jnp.float32)
    bn2_gamma = 1.0 + 0.1 * jax.random.normal(ks[8], (ATOM_FEA_LEN,), dtype=jnp.float32)
    bn2_beta = 0.1 * jax.random.normal(ks[9], (ATOM_FEA_LEN,), dtype=jnp.float32)
    bn2_mean = 0.1 * jax.random.normal(ks[10], (ATOM_FEA_LEN,), dtype=jnp.float32)
    bn2_var = 0.5 + jax.random.uniform(ks[11], (ATOM_FEA_LEN,), dtype=jnp.float32)
    return {
        "atom_in_fea": atom_in_fea,
        "nbr_fea": nbr_fea,
        "nbr_fea_idx": nbr_fea_idx,
        "W_fc": W_fc,
        "b_fc": b_fc,
        "bn1_gamma": bn1_gamma,
        "bn1_beta": bn1_beta,
        "bn1_mean": bn1_mean,
        "bn1_var": bn1_var,
        "bn2_gamma": bn2_gamma,
        "bn2_beta": bn2_beta,
        "bn2_mean": bn2_mean,
        "bn2_var": bn2_var,
    }


def reference(atom_in_fea, nbr_fea, nbr_fea_idx, W_fc, b_fc,
              bn1_gamma, bn1_beta, bn1_mean, bn1_var,
              bn2_gamma, bn2_beta, bn2_mean, bn2_var):
    N, M = nbr_fea_idx.shape
    # gather neighbor atom features: [N, M, atom_fea_len]
    atom_nbr_fea = jnp.take(atom_in_fea, nbr_fea_idx, axis=0)
    self_fea = jnp.broadcast_to(atom_in_fea[:, None, :], (N, M, ATOM_FEA_LEN))
    total_nbr_fea = jnp.concatenate([self_fea, atom_nbr_fea, nbr_fea], axis=2)
    # fc_full: Dense(2*atom_fea_len)
    total_gated_fea = total_nbr_fea @ W_fc + b_fc  # [N, M, 2*atom_fea_len]
    # bn1 (inference mode, moving statistics)
    flat = total_gated_fea.reshape(-1, 2 * ATOM_FEA_LEN)
    flat = (flat - bn1_mean) / jnp.sqrt(bn1_var + EPS) * bn1_gamma + bn1_beta
    total_gated_fea = flat.reshape(N, M, 2 * ATOM_FEA_LEN)
    nbr_filter, nbr_core = jnp.split(total_gated_fea, 2, axis=2)
    nbr_filter = jax.nn.sigmoid(nbr_filter)
    nbr_core = jax.nn.softplus(nbr_core)
    nbr_sumed = jnp.sum(nbr_filter * nbr_core, axis=1)  # [N, atom_fea_len]
    nbr_sumed = (nbr_sumed - bn2_mean) / jnp.sqrt(bn2_var + EPS) * bn2_gamma + bn2_beta
    out = jax.nn.softplus(atom_in_fea + nbr_sumed)
    return out


if False:  # reference __main__ guard neutralized (emitter)
    inp = setup_inputs()
    out = reference(**inp)
    print(out.shape, out.dtype)

if __name__ == "__main__":
    import jax
    _d = setup_inputs()
    print(jax.jit(kernel)(*tuple(_d.values())))

</pallas_src>

<mosaic_0001>
#map = affine_map<(d0, d1) -> (0, 0)>
#map1 = affine_map<(d0, d1) -> (0)>
module attributes {stable_mosaic.version = 14 : i64} {
  func.func @gather_kernel(%arg0: i32, %arg1: i32, %arg2: memref<10000x128xf32, #tpu.memory_space<hbm>>, %arg3: memref<320000xi32, #tpu.memory_space<hbm>>, %arg4: memref<12800x128xf32, #tpu.memory_space<hbm>>, %arg5: memref<400xi32, #tpu.memory_space<vmem>>, %arg6: memref<400x128xf32, #tpu.memory_space<vmem>>, %arg7: memref<400x128xf32, #tpu.memory_space<vmem>>, %arg8: memref<!tpu.dma_semaphore, #tpu.memory_space<semaphore_mem>>, %arg9: memref<!tpu.dma_semaphore, #tpu.memory_space<semaphore_mem>>) attributes {dimension_semantics = [#tpu.dimension_semantics<core_parallel>, #tpu.dimension_semantics<subcore_parallel>], iteration_bounds = array<i64: 2, 16>, scalar_prefetch = 0 : i64, scratch_operands = 5 : i64, tpu.core_type = #tpu.core_type<sc_vector_subcore>, window_params = [{transform_indices = #map}, {transform_indices = #map1}, {transform_indices = #map}]} {
    %mul3A = arith.constant 2 : i32
    %mul3A_0 = arith.muli %arg1, %mul3A : i32
    %add3A = arith.addi %mul3A_0, %arg0 : i32
    %mul3A_1 = arith.constant 400 : i32
    %mul3A_2 = arith.muli %add3A, %mul3A_1 : i32
    %add3A_3 = arith.constant 0 : i32
    %add3A_4 = arith.addi %add3A_3, %mul3A_2 : i32
    "tpu.region"() ({
      %run_scoped3A = tpu.sem_alloc : memref<!tpu.dma_semaphore, #tpu.memory_space<semaphore_mem>>
      %dma_start3A_15 = tpu.memref_slice %arg3[%add3A_4] : memref<320000xi32, #tpu.memory_space<hbm>> -> memref<400xi32, #tpu.memory_space<hbm>>
      %dma_start3A_16 = tpu.memref_slice %arg3[%add3A_4] : memref<320000xi32, #tpu.memory_space<hbm>> -> memref<400xi32, #tpu.memory_space<hbm>>
      tpu.enqueue_dma source(%dma_start3A_16 : memref<400xi32, #tpu.memory_space<hbm>>) target(%arg5 : memref<400xi32, #tpu.memory_space<vmem>>) target_semaphore(%run_scoped3A : memref<!tpu.dma_semaphore, #tpu.memory_space<semaphore_mem>>)
      %dma_wait3A_17 = tpu.memref_slice %arg3[%add3A_4] : memref<320000xi32, #tpu.memory_space<hbm>> -> memref<400xi32, #tpu.memory_space<hbm>>
      %dma_wait3A_18 = tpu.memref_slice %arg3[%add3A_4] : memref<320000xi32, #tpu.memory_space<hbm>> -> memref<400xi32, #tpu.memory_space<hbm>>
      tpu.wait_dma2 semaphore(%run_scoped3A : memref<!tpu.dma_semaphore, #tpu.memory_space<semaphore_mem>>) src(%dma_wait3A_18 : memref<400xi32, #tpu.memory_space<hbm>>) dst(%arg5 : memref<400xi32, #tpu.memory_space<vmem>>)
      tpu.yield
    }) : () -> ()
    %dma_start3A = arith.constant 0 : i32
    %dma_start3A_5 = tpu.memref_slice %arg5[%dma_start3A] : memref<400xi32, #tpu.memory_space<vmem>> -> memref<400xi32, #tpu.memory_space<vmem>>
    %dma_start3A_6 = arith.constant 0 : i32
    %dma_start3A_7 = arith.constant 0 : i32
    %dma_start3A_8 = tpu.memref_slice %arg2[%dma_start3A_6, %dma_start3A_7] : memref<10000x128xf32, #tpu.memory_space<hbm>> -> memref<10000x128xf32, #tpu.memory_space<hbm>>
    tpu.enqueue_indirect_dma source(%dma_start3A_8 : memref<10000x128xf32, #tpu.memory_space<hbm>>) target(%arg6 : memref<400x128xf32, #tpu.memory_space<vmem>>) offsets(%dma_start3A_5 : memref<400xi32, #tpu.memory_space<vmem>>) semaphore(%arg8 : memref<!tpu.dma_semaphore, #tpu.memory_space<semaphore_mem>>)
    %dma_wait3A = arith.constant 0 : i32
    %dma_wait3A_9 = tpu.memref_slice %arg5[%dma_wait3A] : memref<400xi32, #tpu.memory_space<vmem>> -> memref<400xi32, #tpu.memory_space<vmem>>
    %dma_wait3A_10 = arith.constant 0 : i32
    %dma_wait3A_11 = arith.constant 0 : i32
    %dma_wait3A_12 = tpu.memref_slice %arg2[%dma_wait3A_10, %dma_wait3A_11] : memref<10000x128xf32, #tpu.memory_space<hbm>> -> memref<10000x128xf32, #tpu.memory_space<hbm>>
    tpu.wait_indirect_dma semaphore(%arg8 : memref<!tpu.dma_semaphore, #tpu.memory_space<semaphore_mem>>) src(%dma_wait3A_12 : memref<10000x128xf32, #tpu.memory_space<hbm>>) dst(%arg6 : memref<400x128xf32, #tpu.memory_space<vmem>>)
    %add3A_13 = arith.constant 0 : i32
    %add3A_14 = arith.addi %mul3A_2, %add3A_13 : i32
    "tpu.region"() ({
      %run_scoped3A = tpu.sem_alloc : memref<!tpu.dma_semaphore, #tpu.memory_space<semaphore_mem>>
      %dma_start3A_15 = arith.constant 0 : i32
      %dma_start3A_16 = tpu.memref_slice %arg4[%add3A_14, %dma_start3A_15] : memref<12800x128xf32, #tpu.memory_space<hbm>> -> memref<400x128xf32, #tpu.memory_space<hbm>>
      %dma_start3A_17 = arith.constant 0 : i32
      %dma_start3A_18 = tpu.memref_slice %arg4[%add3A_14, %dma_start3A_17] : memref<12800x128xf32, #tpu.memory_space<hbm>> -> memref<400x128xf32, #tpu.memory_space<hbm>>
      tpu.enqueue_dma source(%arg6 : memref<400x128xf32, #tpu.memory_space<vmem>>) target(%dma_start3A_18 : memref<400x128xf32, #tpu.memory_space<hbm>>) target_semaphore(%run_scoped3A : memref<!tpu.dma_semaphore, #tpu.memory_space<semaphore_mem>>)
      %dma_wait3A_19 = arith.constant 0 : i32
      %dma_wait3A_20 = tpu.memref_slice %arg4[%add3A_14, %dma_wait3A_19] : memref<12800x128xf32, #tpu.memory_space<hbm>> -> memref<400x128xf32, #tpu.memory_space<hbm>>
      %dma_wait3A_21 = arith.constant 0 : i32
      %dma_wait3A_22 = tpu.memref_slice %arg4[%add3A_14, %dma_wait3A_21] : memref<12800x128xf32, #tpu.memory_space<hbm>> -> memref<400x128xf32, #tpu.memory_space<hbm>>
      tpu.wait_dma2 semaphore(%run_scoped3A : memref<!tpu.dma_semaphore, #tpu.memory_space<semaphore_mem>>) src(%arg6 : memref<400x128xf32, #tpu.memory_space<vmem>>) dst(%dma_wait3A_22 : memref<400x128xf32, #tpu.memory_space<hbm>>)
      tpu.yield
    }) : () -> ()
    return
  }
}

#map = affine_map<(d0, d1) -> (0, 0)>
#map1 = affine_map<(d0, d1) -> (0)>
module attributes {stable_mosaic.version = 14 : i64} {
  func.func @gather_kernel(%arg0: i32, %arg1: i32, %arg2: memref<10000x128xf32, #tpu.memory_space<hbm>>, %arg3: memref<320000xi32, #tpu.memory_space<hbm>>, %arg4: memref<64000x128xf32, #tpu.memory_space<hbm>>, %arg5: memref<2000xi32, #tpu.memory_space<vmem>>, %arg6: memref<400x128xf32, #tpu.memory_space<vmem>>, %arg7: memref<400x128xf32, #tpu.memory_space<vmem>>, %arg8: memref<!tpu.dma_semaphore, #tpu.memory_space<semaphore_mem>>, %arg9: memref<!tpu.dma_semaphore, #tpu.memory_space<semaphore_mem>>) attributes {dimension_semantics = [#tpu.dimension_semantics<core_parallel>, #tpu.dimension_semantics<subcore_parallel>], iteration_bounds = array<i64: 2, 16>, scalar_prefetch = 0 : i64, scratch_operands = 5 : i64, tpu.core_type = #tpu.core_type<sc_vector_subcore>, window_params = [{transform_indices = #map}, {transform_indices = #map1}, {transform_indices = #map}]} {
    %mul3A = arith.constant 2 : i32
    %mul3A_0 = arith.muli %arg1, %mul3A : i32
    %add3A = arith.addi %mul3A_0, %arg0 : i32
    %mul3A_1 = arith.constant 2000 : i32
    %mul3A_2 = arith.muli %add3A, %mul3A_1 : i32
    %add3A_3 = arith.constant 128000 : i32
    %add3A_4 = arith.addi %add3A_3, %mul3A_2 : i32
    "tpu.region"() ({
      %run_scoped3A = tpu.sem_alloc : memref<!tpu.dma_semaphore, #tpu.memory_space<semaphore_mem>>
      %dma_start3A_63 = tpu.memref_slice %arg3[%add3A_4] : memref<320000xi32, #tpu.memory_space<hbm>> -> memref<2000xi32, #tpu.memory_space<hbm>>
      %dma_start3A_64 = tpu.memref_slice %arg3[%add3A_4] : memref<320000xi32, #tpu.memory_space<hbm>> -> memref<2000xi32, #tpu.memory_space<hbm>>
      tpu.enqueue_dma source(%dma_start3A_64 : memref<2000xi32, #tpu.memory_space<hbm>>) target(%arg5 : memref<2000xi32, #tpu.memory_space<vmem>>) target_semaphore(%run_scoped3A : memref<!tpu.dma_semaphore, #tpu.memory_space<semaphore_mem>>)
      %dma_wait3A_65 = tpu.memref_slice %arg3[%add3A_4] : memref<320000xi32, #tpu.memory_space<hbm>> -> memref<2000xi32, #tpu.memory_space<hbm>>
      %dma_wait3A_66 = tpu.memref_slice %arg3[%add3A_4] : memref<320000xi32, #tpu.memory_space<hbm>> -> memref<2000xi32, #tpu.memory_space<hbm>>
      tpu.wait_dma2 semaphore(%run_scoped3A : memref<!tpu.dma_semaphore, #tpu.memory_space<semaphore_mem>>) src(%dma_wait3A_66 : memref<2000xi32, #tpu.memory_space<hbm>>) dst(%arg5 : memref<2000xi32, #tpu.memory_space<vmem>>)
      tpu.yield
    }) : () -> ()
    %dma_start3A = arith.constant 0 : i32
    %dma_start3A_5 = tpu.memref_slice %arg5[%dma_start3A] : memref<2000xi32, #tpu.memory_space<vmem>> -> memref<400xi32, #tpu.memory_space<vmem>>
    %dma_start3A_6 = arith.constant 0 : i32
    %dma_start3A_7 = arith.constant 0 : i32
    %dma_start3A_8 = tpu.memref_slice %arg2[%dma_start3A_6, %dma_start3A_7] : memref<10000x128xf32, #tpu.memory_space<hbm>> -> memref<10000x128xf32, #tpu.memory_space<hbm>>
    tpu.enqueue_indirect_dma source(%dma_start3A_8 : memref<10000x128xf32, #tpu.memory_space<hbm>>) target(%arg6 : memref<400x128xf32, #tpu.memory_space<vmem>>) offsets(%dma_start3A_5 : memref<400xi32, #tpu.memory_space<vmem>>) semaphore(%arg8 : memref<!tpu.dma_semaphore, #tpu.memory_space<semaphore_mem>>)
    %dma_start3A_9 = arith.constant 400 : i32
    %dma_start3A_10 = tpu.memref_slice %arg5[%dma_start3A_9] : memref<2000xi32, #tpu.memory_space<vmem>> -> memref<400xi32, #tpu.memory_space<vmem>>
    %dma_start3A_11 = arith.constant 0 : i32
    %dma_start3A_12 = arith.constant 0 : i32
    %dma_start3A_13 = tpu.memref_slice %arg2[%dma_start3A_11, %dma_start3A_12] : memref<10000x128xf32, #tpu.memory_space<hbm>> -> memref<10000x128xf32, #tpu.memory_space<hbm>>
    tpu.enqueue_indirect_dma source(%dma_start3A_13 : memref<10000x128xf32, #tpu.memory_space<hbm>>) target(%arg7 : memref<400x128xf32, #tpu.memory_space<vmem>>) offsets(%dma_start3A_10 : memref<400xi32, #tpu.memory_space<vmem>>) semaphore(%arg9 : memref<!tpu.dma_semaphore, #tpu.memory_space<semaphore_mem>>)
    %dma_wait3A = arith.constant 0 : i32
    %dma_wait3A_14 = tpu.memref_slice %arg5[%dma_wait3A] : memref<2000xi32, #tpu.memory_space<vmem>> -> memref<400xi32, #tpu.memory_space<vmem>>
    %dma_wait3A_15 = arith.constant 0 : i32
    %dma_wait3A_16 = arith.constant 0 : i32
    %dma_wait3A_17 = tpu.memref_slice %arg2[%dma_wait3A_15, %dma_wait3A_16] : memref<10000x128xf32, #tpu.memory_space<hbm>> -> memref<10000x128xf32, #tpu.memory_space<hbm>>
    tpu.wait_indirect_dma semaphore(%arg8 : memref<!tpu.dma_semaphore, #tpu.memory_space<semaphore_mem>>) src(%dma_wait3A_17 : memref<10000x128xf32, #tpu.memory_space<hbm>>) dst(%arg6 : memref<400x128xf32, #tpu.memory_space<vmem>>)
    %add3A_18 = arith.constant 0 : i32
    %add3A_19 = arith.addi %mul3A_2, %add3A_18 : i32
    "tpu.region"() ({
      %run_scoped3A = tpu.sem_alloc : memref<!tpu.dma_semaphore, #tpu.memory_space<semaphore_mem>>
      %dma_start3A_63 = arith.constant 0 : i32
      %dma_start3A_64 = tpu.memref_slice %arg4[%add3A_19, %dma_start3A_63] : memref<64000x128xf32, #tpu.memory_space<hbm>> -> memref<400x128xf32, #tpu.memory_space<hbm>>
      %dma_start3A_65 = arith.constant 0 : i32
      %dma_start3A_66 = tpu.memref_slice %arg4[%add3A_19, %dma_start3A_65] : memref<64000x128xf32, #tpu.memory_space<hbm>> -> memref<400x128xf32, #tpu.memory_space<hbm>>
      tpu.enqueue_dma source(%arg6 : memref<400x128xf32, #tpu.memory_space<vmem>>) target(%dma_start3A_66 : memref<400x128xf32, #tpu.memory_space<hbm>>) target_semaphore(%run_scoped3A : memref<!tpu.dma_semaphore, #tpu.memory_space<semaphore_mem>>)
      %dma_wait3A_67 = arith.constant 0 : i32
      %dma_wait3A_68 = tpu.memref_slice %arg4[%add3A_19, %dma_wait3A_67] : memref<64000x128xf32, #tpu.memory_space<hbm>> -> memref<400x128xf32, #tpu.memory_space<hbm>>
      %dma_wait3A_69 = arith.constant 0 : i32
      %dma_wait3A_70 = tpu.memref_slice %arg4[%add3A_19, %dma_wait3A_69] : memref<64000x128xf32, #tpu.memory_space<hbm>> -> memref<400x128xf32, #tpu.memory_space<hbm>>
      tpu.wait_dma2 semaphore(%run_scoped3A : memref<!tpu.dma_semaphore, #tpu.memory_space<semaphore_mem>>) src(%arg6 : memref<400x128xf32, #tpu.memory_space<vmem>>) dst(%dma_wait3A_70 : memref<400x128xf32, #tpu.memory_space<hbm>>)
      tpu.yield
    }) : () -> ()
    %dma_start3A_20 = arith.constant 800 : i32
    %dma_start3A_21 = tpu.memref_slice %arg5[%dma_start3A_20] : memref<2000xi32, #tpu.memory_space<vmem>> -> memref<400xi32, #tpu.memory_space<vmem>>
    %dma_start3A_22 = arith.constant 0 : i32
    %dma_start3A_23 = arith.constant 0 : i32
    %dma_start3A_24 = tpu.memref_slice %arg2[%dma_start3A_22, %dma_start3A_23] : memref<10000x128xf32, #tpu.memory_space<hbm>> -> memref<10000x128xf32, #tpu.memory_space<hbm>>
    tpu.enqueue_indirect_dma source(%dma_start3A_24 : memref<10000x128xf32, #tpu.memory_space<hbm>>) target(%arg6 : memref<400x128xf32, #tpu.memory_space<vmem>>) offsets(%dma_start3A_21 : memref<400xi32, #tpu.memory_space<vmem>>) semaphore(%arg8 : memref<!tpu.dma_semaphore, #tpu.memory_space<semaphore_mem>>)
    %dma_wait3A_25 = arith.constant 400 : i32
    %dma_wait3A_26 = tpu.memref_slice %arg5[%dma_wait3A_25] : memref<2000xi32, #tpu.memory_space<vmem>> -> memref<400xi32, #tpu.memory_space<vmem>>
    %dma_wait3A_27 = arith.constant 0 : i32
    %dma_wait3A_28 = arith.constant 0 : i32
    %dma_wait3A_29 = tpu.memref_slice %arg2[%dma_wait3A_27, %dma_wait3A_28] : memref<10000x128xf32, #tpu.memory_space<hbm>> -> memref<10000x128xf32, #tpu.memory_space<hbm>>
    tpu.wait_indirect_dma semaphore(%arg9 : memref<!tpu.dma_semaphore, #tpu.memory_space<semaphore_mem>>) src(%dma_wait3A_29 : memref<10000x128xf32, #tpu.memory_space<hbm>>) dst(%arg7 : memref<400x128xf32, #tpu.memory_space<vmem>>)
    %add3A_30 = arith.constant 400 : i32
    %add3A_31 = arith.addi %mul3A_2, %add3A_30 : i32
    "tpu.region"() ({
      %run_scoped3A = tpu.sem_alloc : memref<!tpu.dma_semaphore, #tpu.memory_space<semaphore_mem>>
      %dma_start3A_63 = arith.constant 0 : i32
      %dma_start3A_64 = tpu.memref_slice %arg4[%add3A_31, %dma_start3A_63] : memref<64000x128xf32, #tpu.memory_space<hbm>> -> memref<400x128xf32, #tpu.memory_space<hbm>>
      %dma_start3A_65 = arith.constant 0 : i32
      %dma_start3A_66 = tpu.memref_slice %arg4[%add3A_31, %dma_start3A_65] : memref<64000x128xf32, #tpu.memory_space<hbm>> -> memref<400x128xf32, #tpu.memory_space<hbm>>
      tpu.enqueue_dma source(%arg7 : memref<400x128xf32, #tpu.memory_space<vmem>>) target(%dma_start3A_66 : memref<400x128xf32, #tpu.memory_space<hbm>>) target_semaphore(%run_scoped3A : memref<!tpu.dma_semaphore, #tpu.memory_space<semaphore_mem>>)
      %dma_wait3A_67 = arith.constant 0 : i32
      %dma_wait3A_68 = tpu.memref_slice %arg4[%add3A_31, %dma_wait3A_67] : memref<64000x128xf32, #tpu.memory_space<hbm>> -> memref<400x128xf32, #tpu.memory_space<hbm>>
      %dma_wait3A_69 = arith.constant 0 : i32
      %dma_wait3A_70 = tpu.memref_slice %arg4[%add3A_31, %dma_wait3A_69] : memref<64000x128xf32, #tpu.memory_space<hbm>> -> memref<400x128xf32, #tpu.memory_space<hbm>>
      tpu.wait_dma2 semaphore(%run_scoped3A : memref<!tpu.dma_semaphore, #tpu.memory_space<semaphore_mem>>) src(%arg7 : memref<400x128xf32, #tpu.memory_space<vmem>>) dst(%dma_wait3A_70 : memref<400x128xf32, #tpu.memory_space<hbm>>)
      tpu.yield
    }) : () -> ()
    %dma_start3A_32 = arith.constant 1200 : i32
    %dma_start3A_33 = tpu.memref_slice %arg5[%dma_start3A_32] : memref<2000xi32, #tpu.memory_space<vmem>> -> memref<400xi32, #tpu.memory_space<vmem>>
    %dma_start3A_34 = arith.constant 0 : i32
    %dma_start3A_35 = arith.constant 0 : i32
    %dma_start3A_36 = tpu.memref_slice %arg2[%dma_start3A_34, %dma_start3A_35] : memref<10000x128xf32, #tpu.memory_space<hbm>> -> memref<10000x128xf32, #tpu.memory_space<hbm>>
    tpu.enqueue_indirect_dma source(%dma_start3A_36 : memref<10000x128xf32, #tpu.memory_space<hbm>>) target(%arg7 : memref<400x128xf32, #tpu.memory_space<vmem>>) offsets(%dma_start3A_33 : memref<400xi32, #tpu.memory_space<vmem>>) semaphore(%arg9 : memref<!tpu.dma_semaphore, #tpu.memory_space<semaphore_mem>>)
    %dma_wait3A_37 = arith.constant 800 : i32
    %dma_wait3A_38 = tpu.memref_slice %arg5[%dma_wait3A_37] : memref<2000xi32, #tpu.memory_space<vmem>> -> memref<400xi32, #tpu.memory_space<vmem>>
    %dma_wait3A_39 = arith.constant 0 : i32
    %dma_wait3A_40 = arith.constant 0 : i32
    %dma_wait3A_41 = tpu.memref_slice %arg2[%dma_wait3A_39, %dma_wait3A_40] : memref<10000x128xf32, #tpu.memory_space<hbm>> -> memref<10000x128xf32, #tpu.memory_space<hbm>>
    tpu.wait_indirect_dma semaphore(%arg8 : memref<!tpu.dma_semaphore, #tpu.memory_space<semaphore_mem>>) src(%dma_wait3A_41 : memref<10000x128xf32, #tpu.memory_space<hbm>>) dst(%arg6 : memref<400x128xf32, #tpu.memory_space<vmem>>)
    %add3A_42 = arith.constant 800 : i32
    %add3A_43 = arith.addi %mul3A_2, %add3A_42 : i32
    "tpu.region"() ({
      %run_scoped3A = tpu.sem_alloc : memref<!tpu.dma_semaphore, #tpu.memory_space<semaphore_mem>>
      %dma_start3A_63 = arith.constant 0 : i32
      %dma_start3A_64 = tpu.memref_slice %arg4[%add3A_43, %dma_start3A_63] : memref<64000x128xf32, #tpu.memory_space<hbm>> -> memref<400x128xf32, #tpu.memory_space<hbm>>
      %dma_start3A_65 = arith.constant 0 : i32
      %dma_start3A_66 = tpu.memref_slice %arg4[%add3A_43, %dma_start3A_65] : memref<64000x128xf32, #tpu.memory_space<hbm>> -> memref<400x128xf32, #tpu.memory_space<hbm>>
      tpu.enqueue_dma source(%arg6 : memref<400x128xf32, #tpu.memory_space<vmem>>) target(%dma_start3A_66 : memref<400x128xf32, #tpu.memory_space<hbm>>) target_semaphore(%run_scoped3A : memref<!tpu.dma_semaphore, #tpu.memory_space<semaphore_mem>>)
      %dma_wait3A_67 = arith.constant 0 : i32
      %dma_wait3A_68 = tpu.memref_slice %arg4[%add3A_43, %dma_wait3A_67] : memref<64000x128xf32, #tpu.memory_space<hbm>> -> memref<400x128xf32, #tpu.memory_space<hbm>>
      %dma_wait3A_69 = arith.constant 0 : i32
      %dma_wait3A_70 = tpu.memref_slice %arg4[%add3A_43, %dma_wait3A_69] : memref<64000x128xf32, #tpu.memory_space<hbm>> -> memref<400x128xf32, #tpu.memory_space<hbm>>
      tpu.wait_dma2 semaphore(%run_scoped3A : memref<!tpu.dma_semaphore, #tpu.memory_space<semaphore_mem>>) src(%arg6 : memref<400x128xf32, #tpu.memory_space<vmem>>) dst(%dma_wait3A_70 : memref<400x128xf32, #tpu.memory_space<hbm>>)
      tpu.yield
    }) : () -> ()
    %dma_start3A_44 = arith.constant 1600 : i32
    %dma_start3A_45 = tpu.memref_slice %arg5[%dma_start3A_44] : memref<2000xi32, #tpu.memory_space<vmem>> -> memref<400xi32, #tpu.memory_space<vmem>>
    %dma_start3A_46 = arith.constant 0 : i32
    %dma_start3A_47 = arith.constant 0 : i32
    %dma_start3A_48 = tpu.memref_slice %arg2[%dma_start3A_46, %dma_start3A_47] : memref<10000x128xf32, #tpu.memory_space<hbm>> -> memref<10000x128xf32, #tpu.memory_space<hbm>>
    tpu.enqueue_indirect_dma source(%dma_start3A_48 : memref<10000x128xf32, #tpu.memory_space<hbm>>) target(%arg6 : memref<400x128xf32, #tpu.memory_space<vmem>>) offsets(%dma_start3A_45 : memref<400xi32, #tpu.memory_space<vmem>>) semaphore(%arg8 : memref<!tpu.dma_semaphore, #tpu.memory_space<semaphore_mem>>)
    %dma_wait3A_49 = arith.constant 1200 : i32
    %dma_wait3A_50 = tpu.memref_slice %arg5[%dma_wait3A_49] : memref<2000xi32, #tpu.memory_space<vmem>> -> memref<400xi32, #tpu.memory_space<vmem>>
    %dma_wait3A_51 = arith.constant 0 : i32
    %dma_wait3A_52 = arith.constant 0 : i32
    %dma_wait3A_53 = tpu.memref_slice %arg2[%dma_wait3A_51, %dma_wait3A_52] : memref<10000x128xf32, #tpu.memory_space<hbm>> -> memref<10000x128xf32, #tpu.memory_space<hbm>>
    tpu.wait_indirect_dma semaphore(%arg9 : memref<!tpu.dma_semaphore, #tpu.memory_space<semaphore_mem>>) src(%dma_wait3A_53 : memref<10000x128xf32, #tpu.memory_space<hbm>>) dst(%arg7 : memref<400x128xf32, #tpu.memory_space<vmem>>)
    %add3A_54 = arith.constant 1200 : i32
    %add3A_55 = arith.addi %mul3A_2, %add3A_54 : i32
    "tpu.region"() ({
      %run_scoped3A = tpu.sem_alloc : memref<!tpu.dma_semaphore, #tpu.memory_space<semaphore_mem>>
      %dma_start3A_63 = arith.constant 0 : i32
      %dma_start3A_64 = tpu.memref_slice %arg4[%add3A_55, %dma_start3A_63] : memref<64000x128xf32, #tpu.memory_space<hbm>> -> memref<400x128xf32, #tpu.memory_space<hbm>>
      %dma_start3A_65 = arith.constant 0 : i32
      %dma_start3A_66 = tpu.memref_slice %arg4[%add3A_55, %dma_start3A_65] : memref<64000x128xf32, #tpu.memory_space<hbm>> -> memref<400x128xf32, #tpu.memory_space<hbm>>
      tpu.enqueue_dma source(%arg7 : memref<400x128xf32, #tpu.memory_space<vmem>>) target(%dma_start3A_66 : memref<400x128xf32, #tpu.memory_space<hbm>>) target_semaphore(%run_scoped3A : memref<!tpu.dma_semaphore, #tpu.memory_space<semaphore_mem>>)
      %dma_wait3A_67 = arith.constant 0 : i32
      %dma_wait3A_68 = tpu.memref_slice %arg4[%add3A_55, %dma_wait3A_67] : memref<64000x128xf32, #tpu.memory_space<hbm>> -> memref<400x128xf32, #tpu.memory_space<hbm>>
      %dma_wait3A_69 = arith.constant 0 : i32
      %dma_wait3A_70 = tpu.memref_slice %arg4[%add3A_55, %dma_wait3A_69] : memref<64000x128xf32, #tpu.memory_space<hbm>> -> memref<400x128xf32, #tpu.memory_space<hbm>>
      tpu.wait_dma2 semaphore(%run_scoped3A : memref<!tpu.dma_semaphore, #tpu.memory_space<semaphore_mem>>) src(%arg7 : memref<400x128xf32, #tpu.memory_space<vmem>>) dst(%dma_wait3A_70 : memref<400x128xf32, #tpu.memory_space<hbm>>)
      tpu.yield
    }) : () -> ()
    %dma_wait3A_56 = arith.constant 1600 : i32
    %dma_wait3A_57 = tpu.memref_slice %arg5[%dma_wait3A_56] : memref<2000xi32, #tpu.memory_space<vmem>> -> memref<400xi32, #tpu.memory_space<vmem>>
    %dma_wait3A_58 = arith.constant 0 : i32
    %dma_wait3A_59 = arith.constant 0 : i32
    %dma_wait3A_60 = tpu.memref_slice %arg2[%dma_wait3A_58, %dma_wait3A_59] : memref<10000x128xf32, #tpu.memory_space<hbm>> -> memref<10000x128xf32, #tpu.memory_space<hbm>>
    tpu.wait_indirect_dma semaphore(%arg8 : memref<!tpu.dma_semaphore, #tpu.memory_space<semaphore_mem>>) src(%dma_wait3A_60 : memref<10000x128xf32, #tpu.memory_space<hbm>>) dst(%arg6 : memref<400x128xf32, #tpu.memory_space<vmem>>)
    %add3A_61 = arith.constant 1600 : i32
    %add3A_62 = arith.addi %mul3A_2, %add3A_61 : i32
    "tpu.region"() ({
      %run_scoped3A = tpu.sem_alloc : memref<!tpu.dma_semaphore, #tpu.memory_space<semaphore_mem>>
      %dma_start3A_63 = arith.constant 0 : i32
      %dma_start3A_64 = tpu.memref_slice %arg4[%add3A_62, %dma_start3A_63] : memref<64000x128xf32, #tpu.memory_space<hbm>> -> memref<400x128xf32, #tpu.memory_space<hbm>>
      %dma_start3A_65 = arith.constant 0 : i32
      %dma_start3A_66 = tpu.memref_slice %arg4[%add3A_62, %dma_start3A_65] : memref<64000x128xf32, #tpu.memory_space<hbm>> -> memref<400x128xf32, #tpu.memory_space<hbm>>
      tpu.enqueue_dma source(%arg6 : memref<400x128xf32, #tpu.memory_space<vmem>>) target(%dma_start3A_66 : memref<400x128xf32, #tpu.memory_space<hbm>>) target_semaphore(%run_scoped3A : memref<!tpu.dma_semaphore, #tpu.memory_space<semaphore_mem>>)
      %dma_wait3A_67 = arith.constant 0 : i32
      %dma_wait3A_68 = tpu.memref_slice %arg4[%add3A_62, %dma_wait3A_67] : memref<64000x128xf32, #tpu.memory_space<hbm>> -> memref<400x128xf32, #tpu.memory_space<hbm>>
      %dma_wait3A_69 = arith.constant 0 : i32
      %dma_wait3A_70 = tpu.memref_slice %arg4[%add3A_62, %dma_wait3A_69] : memref<64000x128xf32, #tpu.memory_space<hbm>> -> memref<400x128xf32, #tpu.memory_space<hbm>>
      tpu.wait_dma2 semaphore(%run_scoped3A : memref<!tpu.dma_semaphore, #tpu.memory_space<semaphore_mem>>) src(%arg6 : memref<400x128xf32, #tpu.memory_space<vmem>>) dst(%dma_wait3A_70 : memref<400x128xf32, #tpu.memory_space<hbm>>)
      tpu.yield
    }) : () -> ()
    return
  }
}

#map = affine_map<(d0, d1) -> (0, 0)>
#map1 = affine_map<(d0, d1) -> (0)>
module attributes {stable_mosaic.version = 14 : i64} {
  func.func @gather_kernel(%arg0: i32, %arg1: i32, %arg2: memref<10000x128xf32, #tpu.memory_space<hbm>>, %arg3: memref<320000xi32, #tpu.memory_space<hbm>>, %arg4: memref<51200x128xf32, #tpu.memory_space<hbm>>, %arg5: memref<1600xi32, #tpu.memory_space<vmem>>, %arg6: memref<400x128xf32, #tpu.memory_space<vmem>>, %arg7: memref<400x128xf32, #tpu.memory_space<vmem>>, %arg8: memref<!tpu.dma_semaphore, #tpu.memory_space<semaphore_mem>>, %arg9: memref<!tpu.dma_semaphore, #tpu.memory_space<semaphore_mem>>) attributes {dimension_semantics = [#tpu.dimension_semantics<core_parallel>, #tpu.dimension_semantics<subcore_parallel>], iteration_bounds = array<i64: 2, 16>, scalar_prefetch = 0 : i64, scratch_operands = 5 : i64, tpu.core_type = #tpu.core_type<sc_vector_subcore>, window_params = [{transform_indices = #map}, {transform_indices = #map1}, {transform_indices = #map}]} {
    %mul3A = arith.constant 2 : i32
    %mul3A_0 = arith.muli %arg1, %mul3A : i32
    %add3A = arith.addi %mul3A_0, %arg0 : i32
    %mul3A_1 = arith.constant 1600 : i32
    %mul3A_2 = arith.muli %add3A, %mul3A_1 : i32
    %add3A_3 = arith.constant 12800 : i32
    %add3A_4 = arith.addi %add3A_3, %mul3A_2 : i32
    "tpu.region"() ({
      %run_scoped3A = tpu.sem_alloc : memref<!tpu.dma_semaphore, #tpu.memory_space<semaphore_mem>>
      %dma_start3A_51 = tpu.memref_slice %arg3[%add3A_4] : memref<320000xi32, #tpu.memory_space<hbm>> -> memref<1600xi32, #tpu.memory_space<hbm>>
      %dma_start3A_52 = tpu.memref_slice %arg3[%add3A_4] : memref<320000xi32, #tpu.memory_space<hbm>> -> memref<1600xi32, #tpu.memory_space<hbm>>
      tpu.enqueue_dma source(%dma_start3A_52 : memref<1600xi32, #tpu.memory_space<hbm>>) target(%arg5 : memref<1600xi32, #tpu.memory_space<vmem>>) target_semaphore(%run_scoped3A : memref<!tpu.dma_semaphore, #tpu.memory_space<semaphore_mem>>)
      %dma_wait3A_53 = tpu.memref_slice %arg3[%add3A_4] : memref<320000xi32, #tpu.memory_space<hbm>> -> memref<1600xi32, #tpu.memory_space<hbm>>
      %dma_wait3A_54 = tpu.memref_slice %arg3[%add3A_4] : memref<320000xi32, #tpu.memory_space<hbm>> -> memref<1600xi32, #tpu.memory_space<hbm>>
      tpu.wait_dma2 semaphore(%run_scoped3A : memref<!tpu.dma_semaphore, #tpu.memory_space<semaphore_mem>>) src(%dma_wait3A_54 : memref<1600xi32, #tpu.memory_space<hbm>>) dst(%arg5 : memref<1600xi32, #tpu.memory_space<vmem>>)
      tpu.yield
    }) : () -> ()
    %dma_start3A = arith.constant 0 : i32
    %dma_start3A_5 = tpu.memref_slice %arg5[%dma_start3A] : memref<1600xi32, #tpu.memory_space<vmem>> -> memref<400xi32, #tpu.memory_space<vmem>>
    %dma_start3A_6 = arith.constant 0 : i32
    %dma_start3A_7 = arith.constant 0 : i32
    %dma_start3A_8 = tpu.memref_slice %arg2[%dma_start3A_6, %dma_start3A_7] : memref<10000x128xf32, #tpu.memory_space<hbm>> -> memref<10000x128xf32, #tpu.memory_space<hbm>>
    tpu.enqueue_indirect_dma source(%dma_start3A_8 : memref<10000x128xf32, #tpu.memory_space<hbm>>) target(%arg6 : memref<400x128xf32, #tpu.memory_space<vmem>>) offsets(%dma_start3A_5 : memref<400xi32, #tpu.memory_space<vmem>>) semaphore(%arg8 : memref<!tpu.dma_semaphore, #tpu.memory_space<semaphore_mem>>)
    %dma_start3A_9 = arith.constant 400 : i32
    %dma_start3A_10 = tpu.memref_slice %arg5[%dma_start3A_9] : memref<1600xi32, #tpu.memory_space<vmem>> -> memref<400xi32, #tpu.memory_space<vmem>>
    %dma_start3A_11 = arith.constant 0 : i32
    %dma_start3A_12 = arith.constant 0 : i32
    %dma_start3A_13 = tpu.memref_slice %arg2[%dma_start3A_11, %dma_start3A_12] : memref<10000x128xf32, #tpu.memory_space<hbm>> -> memref<10000x128xf32, #tpu.memory_space<hbm>>
    tpu.enqueue_indirect_dma source(%dma_start3A_13 : memref<10000x128xf32, #tpu.memory_space<hbm>>) target(%arg7 : memref<400x128xf32, #tpu.memory_space<vmem>>) offsets(%dma_start3A_10 : memref<400xi32, #tpu.memory_space<vmem>>) semaphore(%arg9 : memref<!tpu.dma_semaphore, #tpu.memory_space<semaphore_mem>>)
    %dma_wait3A = arith.constant 0 : i32
    %dma_wait3A_14 = tpu.memref_slice %arg5[%dma_wait3A] : memref<1600xi32, #tpu.memory_space<vmem>> -> memref<400xi32, #tpu.memory_space<vmem>>
    %dma_wait3A_15 = arith.constant 0 : i32
    %dma_wait3A_16 = arith.constant 0 : i32
    %dma_wait3A_17 = tpu.memref_slice %arg2[%dma_wait3A_15, %dma_wait3A_16] : memref<10000x128xf32, #tpu.memory_space<hbm>> -> memref<10000x128xf32, #tpu.memory_space<hbm>>
    tpu.wait_indirect_dma semaphore(%arg8 : memref<!tpu.dma_semaphore, #tpu.memory_space<semaphore_mem>>) src(%dma_wait3A_17 : memref<10000x128xf32, #tpu.memory_space<hbm>>) dst(%arg6 : memref<400x128xf32, #tpu.memory_space<vmem>>)
    %add3A_18 = arith.constant 0 : i32
    %add3A_19 = arith.addi %mul3A_2, %add3A_18 : i32
    "tpu.region"() ({
      %run_scoped3A = tpu.sem_alloc : memref<!tpu.dma_semaphore, #tpu.memory_space<semaphore_mem>>
      %dma_start3A_51 = arith.constant 0 : i32
      %dma_start3A_52 = tpu.memref_slice %arg4[%add3A_19, %dma_start3A_51] : memref<51200x128xf32, #tpu.memory_space<hbm>> -> memref<400x128xf32, #tpu.memory_space<hbm>>
      %dma_start3A_53 = arith.constant 0 : i32
      %dma_start3A_54 = tpu.memref_slice %arg4[%add3A_19, %dma_start3A_53] : memref<51200x128xf32, #tpu.memory_space<hbm>> -> memref<400x128xf32, #tpu.memory_space<hbm>>
      tpu.enqueue_dma source(%arg6 : memref<400x128xf32, #tpu.memory_space<vmem>>) target(%dma_start3A_54 : memref<400x128xf32, #tpu.memory_space<hbm>>) target_semaphore(%run_scoped3A : memref<!tpu.dma_semaphore, #tpu.memory_space<semaphore_mem>>)
      %dma_wait3A_55 = arith.constant 0 : i32
      %dma_wait3A_56 = tpu.memref_slice %arg4[%add3A_19, %dma_wait3A_55] : memref<51200x128xf32, #tpu.memory_space<hbm>> -> memref<400x128xf32, #tpu.memory_space<hbm>>
      %dma_wait3A_57 = arith.constant 0 : i32
      %dma_wait3A_58 = tpu.memref_slice %arg4[%add3A_19, %dma_wait3A_57] : memref<51200x128xf32, #tpu.memory_space<hbm>> -> memref<400x128xf32, #tpu.memory_space<hbm>>
      tpu.wait_dma2 semaphore(%run_scoped3A : memref<!tpu.dma_semaphore, #tpu.memory_space<semaphore_mem>>) src(%arg6 : memref<400x128xf32, #tpu.memory_space<vmem>>) dst(%dma_wait3A_58 : memref<400x128xf32, #tpu.memory_space<hbm>>)
      tpu.yield
    }) : () -> ()
    %dma_start3A_20 = arith.constant 800 : i32
    %dma_start3A_21 = tpu.memref_slice %arg5[%dma_start3A_20] : memref<1600xi32, #tpu.memory_space<vmem>> -> memref<400xi32, #tpu.memory_space<vmem>>
    %dma_start3A_22 = arith.constant 0 : i32
    %dma_start3A_23 = arith.constant 0 : i32
    %dma_start3A_24 = tpu.memref_slice %arg2[%dma_start3A_22, %dma_start3A_23] : memref<10000x128xf32, #tpu.memory_space<hbm>> -> memref<10000x128xf32, #tpu.memory_space<hbm>>
    tpu.enqueue_indirect_dma source(%dma_start3A_24 : memref<10000x128xf32, #tpu.memory_space<hbm>>) target(%arg6 : memref<400x128xf32, #tpu.memory_space<vmem>>) offsets(%dma_start3A_21 : memref<400xi32, #tpu.memory_space<vmem>>) semaphore(%arg8 : memref<!tpu.dma_semaphore, #tpu.memory_space<semaphore_mem>>)
    %dma_wait3A_25 = arith.constant 400 : i32
    %dma_wait3A_26 = tpu.memref_slice %arg5[%dma_wait3A_25] : memref<1600xi32, #tpu.memory_space<vmem>> -> memref<400xi32, #tpu.memory_space<vmem>>
    %dma_wait3A_27 = arith.constant 0 : i32
    %dma_wait3A_28 = arith.constant 0 : i32
    %dma_wait3A_29 = tpu.memref_slice %arg2[%dma_wait3A_27, %dma_wait3A_28] : memref<10000x128xf32, #tpu.memory_space<hbm>> -> memref<10000x128xf32, #tpu.memory_space<hbm>>
    tpu.wait_indirect_dma semaphore(%arg9 : memref<!tpu.dma_semaphore, #tpu.memory_space<semaphore_mem>>) src(%dma_wait3A_29 : memref<10000x128xf32, #tpu.memory_space<hbm>>) dst(%arg7 : memref<400x128xf32, #tpu.memory_space<vmem>>)
    %add3A_30 = arith.constant 400 : i32
    %add3A_31 = arith.addi %mul3A_2, %add3A_30 : i32
    "tpu.region"() ({
      %run_scoped3A = tpu.sem_alloc : memref<!tpu.dma_semaphore, #tpu.memory_space<semaphore_mem>>
      %dma_start3A_51 = arith.constant 0 : i32
      %dma_start3A_52 = tpu.memref_slice %arg4[%add3A_31, %dma_start3A_51] : memref<51200x128xf32, #tpu.memory_space<hbm>> -> memref<400x128xf32, #tpu.memory_space<hbm>>
      %dma_start3A_53 = arith.constant 0 : i32
      %dma_start3A_54 = tpu.memref_slice %arg4[%add3A_31, %dma_start3A_53] : memref<51200x128xf32, #tpu.memory_space<hbm>> -> memref<400x128xf32, #tpu.memory_space<hbm>>
      tpu.enqueue_dma source(%arg7 : memref<400x128xf32, #tpu.memory_space<vmem>>) target(%dma_start3A_54 : memref<400x128xf32, #tpu.memory_space<hbm>>) target_semaphore(%run_scoped3A : memref<!tpu.dma_semaphore, #tpu.memory_space<semaphore_mem>>)
      %dma_wait3A_55 = arith.constant 0 : i32
      %dma_wait3A_56 = tpu.memref_slice %arg4[%add3A_31, %dma_wait3A_55] : memref<51200x128xf32, #tpu.memory_space<hbm>> -> memref<400x128xf32, #tpu.memory_space<hbm>>
      %dma_wait3A_57 = arith.constant 0 : i32
      %dma_wait3A_58 = tpu.memref_slice %arg4[%add3A_31, %dma_wait3A_57] : memref<51200x128xf32, #tpu.memory_space<hbm>> -> memref<400x128xf32, #tpu.memory_space<hbm>>
      tpu.wait_dma2 semaphore(%run_scoped3A : memref<!tpu.dma_semaphore, #tpu.memory_space<semaphore_mem>>) src(%arg7 : memref<400x128xf32, #tpu.memory_space<vmem>>) dst(%dma_wait3A_58 : memref<400x128xf32, #tpu.memory_space<hbm>>)
      tpu.yield
    }) : () -> ()
    %dma_start3A_32 = arith.constant 1200 : i32
    %dma_start3A_33 = tpu.memref_slice %arg5[%dma_start3A_32] : memref<1600xi32, #tpu.memory_space<vmem>> -> memref<400xi32, #tpu.memory_space<vmem>>
    %dma_start3A_34 = arith.constant 0 : i32
    %dma_start3A_35 = arith.constant 0 : i32
    %dma_start3A_36 = tpu.memref_slice %arg2[%dma_start3A_34, %dma_start3A_35] : memref<10000x128xf32, #tpu.memory_space<hbm>> -> memref<10000x128xf32, #tpu.memory_space<hbm>>
    tpu.enqueue_indirect_dma source(%dma_start3A_36 : memref<10000x128xf32, #tpu.memory_space<hbm>>) target(%arg7 : memref<400x128xf32, #tpu.memory_space<vmem>>) offsets(%dma_start3A_33 : memref<400xi32, #tpu.memory_space<vmem>>) semaphore(%arg9 : memref<!tpu.dma_semaphore, #tpu.memory_space<semaphore_mem>>)
    %dma_wait3A_37 = arith.constant 800 : i32
    %dma_wait3A_38 = tpu.memref_slice %arg5[%dma_wait3A_37] : memref<1600xi32, #tpu.memory_space<vmem>> -> memref<400xi32, #tpu.memory_space<vmem>>
    %dma_wait3A_39 = arith.constant 0 : i32
    %dma_wait3A_40 = arith.constant 0 : i32
    %dma_wait3A_41 = tpu.memref_slice %arg2[%dma_wait3A_39, %dma_wait3A_40] : memref<10000x128xf32, #tpu.memory_space<hbm>> -> memref<10000x128xf32, #tpu.memory_space<hbm>>
    tpu.wait_indirect_dma semaphore(%arg8 : memref<!tpu.dma_semaphore, #tpu.memory_space<semaphore_mem>>) src(%dma_wait3A_41 : memref<10000x128xf32, #tpu.memory_space<hbm>>) dst(%arg6 : memref<400x128xf32, #tpu.memory_space<vmem>>)
    %add3A_42 = arith.constant 800 : i32
    %add3A_43 = arith.addi %mul3A_2, %add3A_42 : i32
    "tpu.region"() ({
      %run_scoped3A = tpu.sem_alloc : memref<!tpu.dma_semaphore, #tpu.memory_space<semaphore_mem>>
      %dma_start3A_51 = arith.constant 0 : i32
      %dma_start3A_52 = tpu.memref_slice %arg4[%add3A_43, %dma_start3A_51] : memref<51200x128xf32, #tpu.memory_space<hbm>> -> memref<400x128xf32, #tpu.memory_space<hbm>>
      %dma_start3A_53 = arith.constant 0 : i32
      %dma_start3A_54 = tpu.memref_slice %arg4[%add3A_43, %dma_start3A_53] : memref<51200x128xf32, #tpu.memory_space<hbm>> -> memref<400x128xf32, #tpu.memory_space<hbm>>
      tpu.enqueue_dma source(%arg6 : memref<400x128xf32, #tpu.memory_space<vmem>>) target(%dma_start3A_54 : memref<400x128xf32, #tpu.memory_space<hbm>>) target_semaphore(%run_scoped3A : memref<!tpu.dma_semaphore, #tpu.memory_space<semaphore_mem>>)
      %dma_wait3A_55 = arith.constant 0 : i32
      %dma_wait3A_56 = tpu.memref_slice %arg4[%add3A_43, %dma_wait3A_55] : memref<51200x128xf32, #tpu.memory_space<hbm>> -> memref<400x128xf32, #tpu.memory_space<hbm>>
      %dma_wait3A_57 = arith.constant 0 : i32
      %dma_wait3A_58 = tpu.memref_slice %arg4[%add3A_43, %dma_wait3A_57] : memref<51200x128xf32, #tpu.memory_space<hbm>> -> memref<400x128xf32, #tpu.memory_space<hbm>>
      tpu.wait_dma2 semaphore(%run_scoped3A : memref<!tpu.dma_semaphore, #tpu.memory_space<semaphore_mem>>) src(%arg6 : memref<400x128xf32, #tpu.memory_space<vmem>>) dst(%dma_wait3A_58 : memref<400x128xf32, #tpu.memory_space<hbm>>)
      tpu.yield
    }) : () -> ()
    %dma_wait3A_44 = arith.constant 1200 : i32
    %dma_wait3A_45 = tpu.memref_slice %arg5[%dma_wait3A_44] : memref<1600xi32, #tpu.memory_space<vmem>> -> memref<400xi32, #tpu.memory_space<vmem>>
    %dma_wait3A_46 = arith.constant 0 : i32
    %dma_wait3A_47 = arith.constant 0 : i32
    %dma_wait3A_48 = tpu.memref_slice %arg2[%dma_wait3A_46, %dma_wait3A_47] : memref<10000x128xf32, #tpu.memory_space<hbm>> -> memref<10000x128xf32, #tpu.memory_space<hbm>>
    tpu.wait_indirect_dma semaphore(%arg9 : memref<!tpu.dma_semaphore, #tpu.memory_space<semaphore_mem>>) src(%dma_wait3A_48 : memref<10000x128xf32, #tpu.memory_space<hbm>>) dst(%arg7 : memref<400x128xf32, #tpu.memory_space<vmem>>)
    %add3A_49 = arith.constant 1200 : i32
    %add3A_50 = arith.addi %mul3A_2, %add3A_49 : i32
    "tpu.region"() ({
      %run_scoped3A = tpu.sem_alloc : memref<!tpu.dma_semaphore, #tpu.memory_space<semaphore_mem>>
      %dma_start3A_51 = arith.constant 0 : i32
      %dma_start3A_52 = tpu.memref_slice %arg4[%add3A_50, %dma_start3A_51] : memref<51200x128xf32, #tpu.memory_space<hbm>> -> memref<400x128xf32, #tpu.memory_space<hbm>>
      %dma_start3A_53 = arith.constant 0 : i32
      %dma_start3A_54 = tpu.memref_slice %arg4[%add3A_50, %dma_start3A_53] : memref<51200x128xf32, #tpu.memory_space<hbm>> -> memref<400x128xf32, #tpu.memory_space<hbm>>
      tpu.enqueue_dma source(%arg7 : memref<400x128xf32, #tpu.memory_space<vmem>>) target(%dma_start3A_54 : memref<400x128xf32, #tpu.memory_space<hbm>>) target_semaphore(%run_scoped3A : memref<!tpu.dma_semaphore, #tpu.memory_space<semaphore_mem>>)
      %dma_wait3A_55 = arith.constant 0 : i32
      %dma_wait3A_56 = tpu.memref_slice %arg4[%add3A_50, %dma_wait3A_55] : memref<51200x128xf32, #tpu.memory_space<hbm>> -> memref<400x128xf32, #tpu.memory_space<hbm>>
      %dma_wait3A_57 = arith.constant 0 : i32
      %dma_wait3A_58 = tpu.memref_slice %arg4[%add3A_50, %dma_wait3A_57] : memref<51200x128xf32, #tpu.memory_space<hbm>> -> memref<400x128xf32, #tpu.memory_space<hbm>>
      tpu.wait_dma2 semaphore(%run_scoped3A : memref<!tpu.dma_semaphore, #tpu.memory_space<semaphore_mem>>) src(%arg7 : memref<400x128xf32, #tpu.memory_space<vmem>>) dst(%dma_wait3A_58 : memref<400x128xf32, #tpu.memory_space<hbm>>)
      tpu.yield
    }) : () -> ()
    return
  }
}

#map = affine_map<(d0, d1) -> (0, 0)>
#map1 = affine_map<(d0, d1) -> (0)>
module attributes {stable_mosaic.version = 14 : i64} {
  func.func @gather_kernel(%arg0: i32, %arg1: i32, %arg2: memref<10000x128xf32, #tpu.memory_space<hbm>>, %arg3: memref<320000xi32, #tpu.memory_space<hbm>>, %arg4: memref<64000x128xf32, #tpu.memory_space<hbm>>, %arg5: memref<2000xi32, #tpu.memory_space<vmem>>, %arg6: memref<400x128xf32, #tpu.memory_space<vmem>>, %arg7: memref<400x128xf32, #tpu.memory_space<vmem>>, %arg8: memref<!tpu.dma_semaphore, #tpu.memory_space<semaphore_mem>>, %arg9: memref<!tpu.dma_semaphore, #tpu.memory_space<semaphore_mem>>) attributes {dimension_semantics = [#tpu.dimension_semantics<core_parallel>, #tpu.dimension_semantics<subcore_parallel>], iteration_bounds = array<i64: 2, 16>, scalar_prefetch = 0 : i64, scratch_operands = 5 : i64, tpu.core_type = #tpu.core_type<sc_vector_subcore>, window_params = [{transform_indices = #map}, {transform_indices = #map1}, {transform_indices = #map}]} {
    %mul3A = arith.constant 2 : i32
    %mul3A_0 = arith.muli %arg1, %mul3A : i32
    %add3A = arith.addi %mul3A_0, %arg0 : i32
    %mul3A_1 = arith.constant 2000 : i32
    %mul3A_2 = arith.muli %add3A, %mul3A_1 : i32
    %add3A_3 = arith.constant 64000 : i32
    %add3A_4 = arith.addi %add3A_3, %mul3A_2 : i32
    "tpu.region"() ({
      %run_scoped3A = tpu.sem_alloc : memref<!tpu.dma_semaphore, #tpu.memory_space<semaphore_mem>>
      %dma_start3A_63 = tpu.memref_slice %arg3[%add3A_4] : memref<320000xi32, #tpu.memory_space<hbm>> -> memref<2000xi32, #tpu.memory_space<hbm>>
      %dma_start3A_64 = tpu.memref_slice %arg3[%add3A_4] : memref<320000xi32, #tpu.memory_space<hbm>> -> memref<2000xi32, #tpu.memory_space<hbm>>
      tpu.enqueue_dma source(%dma_start3A_64 : memref<2000xi32, #tpu.memory_space<hbm>>) target(%arg5 : memref<2000xi32, #tpu.memory_space<vmem>>) target_semaphore(%run_scoped3A : memref<!tpu.dma_semaphore, #tpu.memory_space<semaphore_mem>>)
      %dma_wait3A_65 = tpu.memref_slice %arg3[%add3A_4] : memref<320000xi32, #tpu.memory_space<hbm>> -> memref<2000xi32, #tpu.memory_space<hbm>>
      %dma_wait3A_66 = tpu.memref_slice %arg3[%add3A_4] : memref<320000xi32, #tpu.memory_space<hbm>> -> memref<2000xi32, #tpu.memory_space<hbm>>
      tpu.wait_dma2 semaphore(%run_scoped3A : memref<!tpu.dma_semaphore, #tpu.memory_space<semaphore_mem>>) src(%dma_wait3A_66 : memref<2000xi32, #tpu.memory_space<hbm>>) dst(%arg5 : memref<2000xi32, #tpu.memory_space<vmem>>)
      tpu.yield
    }) : () -> ()
    %dma_start3A = arith.constant 0 : i32
    %dma_start3A_5 = tpu.memref_slice %arg5[%dma_start3A] : memref<2000xi32, #tpu.memory_space<vmem>> -> memref<400xi32, #tpu.memory_space<vmem>>
    %dma_start3A_6 = arith.constant 0 : i32
    %dma_start3A_7 = arith.constant 0 : i32
    %dma_start3A_8 = tpu.memref_slice %arg2[%dma_start3A_6, %dma_start3A_7] : memref<10000x128xf32, #tpu.memory_space<hbm>> -> memref<10000x128xf32, #tpu.memory_space<hbm>>
    tpu.enqueue_indirect_dma source(%dma_start3A_8 : memref<10000x128xf32, #tpu.memory_space<hbm>>) target(%arg6 : memref<400x128xf32, #tpu.memory_space<vmem>>) offsets(%dma_start3A_5 : memref<400xi32, #tpu.memory_space<vmem>>) semaphore(%arg8 : memref<!tpu.dma_semaphore, #tpu.memory_space<semaphore_mem>>)
    %dma_start3A_9 = arith.constant 400 : i32
    %dma_start3A_10 = tpu.memref_slice %arg5[%dma_start3A_9] : memref<2000xi32, #tpu.memory_space<vmem>> -> memref<400xi32, #tpu.memory_space<vmem>>
    %dma_start3A_11 = arith.constant 0 : i32
    %dma_start3A_12 = arith.constant 0 : i32
    %dma_start3A_13 = tpu.memref_slice %arg2[%dma_start3A_11, %dma_start3A_12] : memref<10000x128xf32, #tpu.memory_space<hbm>> -> memref<10000x128xf32, #tpu.memory_space<hbm>>
    tpu.enqueue_indirect_dma source(%dma_start3A_13 : memref<10000x128xf32, #tpu.memory_space<hbm>>) target(%arg7 : memref<400x128xf32, #tpu.memory_space<vmem>>) offsets(%dma_start3A_10 : memref<400xi32, #tpu.memory_space<vmem>>) semaphore(%arg9 : memref<!tpu.dma_semaphore, #tpu.memory_space<semaphore_mem>>)
    %dma_wait3A = arith.constant 0 : i32
    %dma_wait3A_14 = tpu.memref_slice %arg5[%dma_wait3A] : memref<2000xi32, #tpu.memory_space<vmem>> -> memref<400xi32, #tpu.memory_space<vmem>>
    %dma_wait3A_15 = arith.constant 0 : i32
    %dma_wait3A_16 = arith.constant 0 : i32
    %dma_wait3A_17 = tpu.memref_slice %arg2[%dma_wait3A_15, %dma_wait3A_16] : memref<10000x128xf32, #tpu.memory_space<hbm>> -> memref<10000x128xf32, #tpu.memory_space<hbm>>
    tpu.wait_indirect_dma semaphore(%arg8 : memref<!tpu.dma_semaphore, #tpu.memory_space<semaphore_mem>>) src(%dma_wait3A_17 : memref<10000x128xf32, #tpu.memory_space<hbm>>) dst(%arg6 : memref<400x128xf32, #tpu.memory_space<vmem>>)
    %add3A_18 = arith.constant 0 : i32
    %add3A_19 = arith.addi %mul3A_2, %add3A_18 : i32
    "tpu.region"() ({
      %run_scoped3A = tpu.sem_alloc : memref<!tpu.dma_semaphore, #tpu.memory_space<semaphore_mem>>
      %dma_start3A_63 = arith.constant 0 : i32
      %dma_start3A_64 = tpu.memref_slice %arg4[%add3A_19, %dma_start3A_63] : memref<64000x128xf32, #tpu.memory_space<hbm>> -> memref<400x128xf32, #tpu.memory_space<hbm>>
      %dma_start3A_65 = arith.constant 0 : i32
      %dma_start3A_66 = tpu.memref_slice %arg4[%add3A_19, %dma_start3A_65] : memref<64000x128xf32, #tpu.memory_space<hbm>> -> memref<400x128xf32, #tpu.memory_space<hbm>>
      tpu.enqueue_dma source(%arg6 : memref<400x128xf32, #tpu.memory_space<vmem>>) target(%dma_start3A_66 : memref<400x128xf32, #tpu.memory_space<hbm>>) target_semaphore(%run_scoped3A : memref<!tpu.dma_semaphore, #tpu.memory_space<semaphore_mem>>)
      %dma_wait3A_67 = arith.constant 0 : i32
      %dma_wait3A_68 = tpu.memref_slice %arg4[%add3A_19, %dma_wait3A_67] : memref<64000x128xf32, #tpu.memory_space<hbm>> -> memref<400x128xf32, #tpu.memory_space<hbm>>
      %dma_wait3A_69 = arith.constant 0 : i32
      %dma_wait3A_70 = tpu.memref_slice %arg4[%add3A_19, %dma_wait3A_69] : memref<64000x128xf32, #tpu.memory_space<hbm>> -> memref<400x128xf32, #tpu.memory_space<hbm>>
      tpu.wait_dma2 semaphore(%run_scoped3A : memref<!tpu.dma_semaphore, #tpu.memory_space<semaphore_mem>>) src(%arg6 : memref<400x128xf32, #tpu.memory_space<vmem>>) dst(%dma_wait3A_70 : memref<400x128xf32, #tpu.memory_space<hbm>>)
      tpu.yield
    }) : () -> ()
    %dma_start3A_20 = arith.constant 800 : i32
    %dma_start3A_21 = tpu.memref_slice %arg5[%dma_start3A_20] : memref<2000xi32, #tpu.memory_space<vmem>> -> memref<400xi32, #tpu.memory_space<vmem>>
    %dma_start3A_22 = arith.constant 0 : i32
    %dma_start3A_23 = arith.constant 0 : i32
    %dma_start3A_24 = tpu.memref_slice %arg2[%dma_start3A_22, %dma_start3A_23] : memref<10000x128xf32, #tpu.memory_space<hbm>> -> memref<10000x128xf32, #tpu.memory_space<hbm>>
    tpu.enqueue_indirect_dma source(%dma_start3A_24 : memref<10000x128xf32, #tpu.memory_space<hbm>>) target(%arg6 : memref<400x128xf32, #tpu.memory_space<vmem>>) offsets(%dma_start3A_21 : memref<400xi32, #tpu.memory_space<vmem>>) semaphore(%arg8 : memref<!tpu.dma_semaphore, #tpu.memory_space<semaphore_mem>>)
    %dma_wait3A_25 = arith.constant 400 : i32
    %dma_wait3A_26 = tpu.memref_slice %arg5[%dma_wait3A_25] : memref<2000xi32, #tpu.memory_space<vmem>> -> memref<400xi32, #tpu.memory_space<vmem>>
    %dma_wait3A_27 = arith.constant 0 : i32
    %dma_wait3A_28 = arith.constant 0 : i32
    %dma_wait3A_29 = tpu.memref_slice %arg2[%dma_wait3A_27, %dma_wait3A_28] : memref<10000x128xf32, #tpu.memory_space<hbm>> -> memref<10000x128xf32, #tpu.memory_space<hbm>>
    tpu.wait_indirect_dma semaphore(%arg9 : memref<!tpu.dma_semaphore, #tpu.memory_space<semaphore_mem>>) src(%dma_wait3A_29 : memref<10000x128xf32, #tpu.memory_space<hbm>>) dst(%arg7 : memref<400x128xf32, #tpu.memory_space<vmem>>)
    %add3A_30 = arith.constant 400 : i32
    %add3A_31 = arith.addi %mul3A_2, %add3A_30 : i32
    "tpu.region"() ({
      %run_scoped3A = tpu.sem_alloc : memref<!tpu.dma_semaphore, #tpu.memory_space<semaphore_mem>>
      %dma_start3A_63 = arith.constant 0 : i32
      %dma_start3A_64 = tpu.memref_slice %arg4[%add3A_31, %dma_start3A_63] : memref<64000x128xf32, #tpu.memory_space<hbm>> -> memref<400x128xf32, #tpu.memory_space<hbm>>
      %dma_start3A_65 = arith.constant 0 : i32
      %dma_start3A_66 = tpu.memref_slice %arg4[%add3A_31, %dma_start3A_65] : memref<64000x128xf32, #tpu.memory_space<hbm>> -> memref<400x128xf32, #tpu.memory_space<hbm>>
      tpu.enqueue_dma source(%arg7 : memref<400x128xf32, #tpu.memory_space<vmem>>) target(%dma_start3A_66 : memref<400x128xf32, #tpu.memory_space<hbm>>) target_semaphore(%run_scoped3A : memref<!tpu.dma_semaphore, #tpu.memory_space<semaphore_mem>>)
      %dma_wait3A_67 = arith.constant 0 : i32
      %dma_wait3A_68 = tpu.memref_slice %arg4[%add3A_31, %dma_wait3A_67] : memref<64000x128xf32, #tpu.memory_space<hbm>> -> memref<400x128xf32, #tpu.memory_space<hbm>>
      %dma_wait3A_69 = arith.constant 0 : i32
      %dma_wait3A_70 = tpu.memref_slice %arg4[%add3A_31, %dma_wait3A_69] : memref<64000x128xf32, #tpu.memory_space<hbm>> -> memref<400x128xf32, #tpu.memory_space<hbm>>
      tpu.wait_dma2 semaphore(%run_scoped3A : memref<!tpu.dma_semaphore, #tpu.memory_space<semaphore_mem>>) src(%arg7 : memref<400x128xf32, #tpu.memory_space<vmem>>) dst(%dma_wait3A_70 : memref<400x128xf32, #tpu.memory_space<hbm>>)
      tpu.yield
    }) : () -> ()
    %dma_start3A_32 = arith.constant 1200 : i32
    %dma_start3A_33 = tpu.memref_slice %arg5[%dma_start3A_32] : memref<2000xi32, #tpu.memory_space<vmem>> -> memref<400xi32, #tpu.memory_space<vmem>>
    %dma_start3A_34 = arith.constant 0 : i32
    %dma_start3A_35 = arith.constant 0 : i32
    %dma_start3A_36 = tpu.memref_slice %arg2[%dma_start3A_34, %dma_start3A_35] : memref<10000x128xf32, #tpu.memory_space<hbm>> -> memref<10000x128xf32, #tpu.memory_space<hbm>>
    tpu.enqueue_indirect_dma source(%dma_start3A_36 : memref<10000x128xf32, #tpu.memory_space<hbm>>) target(%arg7 : memref<400x128xf32, #tpu.memory_space<vmem>>) offsets(%dma_start3A_33 : memref<400xi32, #tpu.memory_space<vmem>>) semaphore(%arg9 : memref<!tpu.dma_semaphore, #tpu.memory_space<semaphore_mem>>)
    %dma_wait3A_37 = arith.constant 800 : i32
    %dma_wait3A_38 = tpu.memref_slice %arg5[%dma_wait3A_37] : memref<2000xi32, #tpu.memory_space<vmem>> -> memref<400xi32, #tpu.memory_space<vmem>>
    %dma_wait3A_39 = arith.constant 0 : i32
    %dma_wait3A_40 = arith.constant 0 : i32
    %dma_wait3A_41 = tpu.memref_slice %arg2[%dma_wait3A_39, %dma_wait3A_40] : memref<10000x128xf32, #tpu.memory_space<hbm>> -> memref<10000x128xf32, #tpu.memory_space<hbm>>
    tpu.wait_indirect_dma semaphore(%arg8 : memref<!tpu.dma_semaphore, #tpu.memory_space<semaphore_mem>>) src(%dma_wait3A_41 : memref<10000x128xf32, #tpu.memory_space<hbm>>) dst(%arg6 : memref<400x128xf32, #tpu.memory_space<vmem>>)
    %add3A_42 = arith.constant 800 : i32
    %add3A_43 = arith.addi %mul3A_2, %add3A_42 : i32
    "tpu.region"() ({
      %run_scoped3A = tpu.sem_alloc : memref<!tpu.dma_semaphore, #tpu.memory_space<semaphore_mem>>
      %dma_start3A_63 = arith.constant 0 : i32
      %dma_start3A_64 = tpu.memref_slice %arg4[%add3A_43, %dma_start3A_63] : memref<64000x128xf32, #tpu.memory_space<hbm>> -> memref<400x128xf32, #tpu.memory_space<hbm>>
      %dma_start3A_65 = arith.constant 0 : i32
      %dma_start3A_66 = tpu.memref_slice %arg4[%add3A_43, %dma_start3A_65] : memref<64000x128xf32, #tpu.memory_space<hbm>> -> memref<400x128xf32, #tpu.memory_space<hbm>>
      tpu.enqueue_dma source(%arg6 : memref<400x128xf32, #tpu.memory_space<vmem>>) target(%dma_start3A_66 : memref<400x128xf32, #tpu.memory_space<hbm>>) target_semaphore(%run_scoped3A : memref<!tpu.dma_semaphore, #tpu.memory_space<semaphore_mem>>)
      %dma_wait3A_67 = arith.constant 0 : i32
      %dma_wait3A_68 = tpu.memref_slice %arg4[%add3A_43, %dma_wait3A_67] : memref<64000x128xf32, #tpu.memory_space<hbm>> -> memref<400x128xf32, #tpu.memory_space<hbm>>
      %dma_wait3A_69 = arith.constant 0 : i32
      %dma_wait3A_70 = tpu.memref_slice %arg4[%add3A_43, %dma_wait3A_69] : memref<64000x128xf32, #tpu.memory_space<hbm>> -> memref<400x128xf32, #tpu.memory_space<hbm>>
      tpu.wait_dma2 semaphore(%run_scoped3A : memref<!tpu.dma_semaphore, #tpu.memory_space<semaphore_mem>>) src(%arg6 : memref<400x128xf32, #tpu.memory_space<vmem>>) dst(%dma_wait3A_70 : memref<400x128xf32, #tpu.memory_space<hbm>>)
      tpu.yield
    }) : () -> ()
    %dma_start3A_44 = arith.constant 1600 : i32
    %dma_start3A_45 = tpu.memref_slice %arg5[%dma_start3A_44] : memref<2000xi32, #tpu.memory_space<vmem>> -> memref<400xi32, #tpu.memory_space<vmem>>
    %dma_start3A_46 = arith.constant 0 : i32
    %dma_start3A_47 = arith.constant 0 : i32
    %dma_start3A_48 = tpu.memref_slice %arg2[%dma_start3A_46, %dma_start3A_47] : memref<10000x128xf32, #tpu.memory_space<hbm>> -> memref<10000x128xf32, #tpu.memory_space<hbm>>
    tpu.enqueue_indirect_dma source(%dma_start3A_48 : memref<10000x128xf32, #tpu.memory_space<hbm>>) target(%arg6 : memref<400x128xf32, #tpu.memory_space<vmem>>) offsets(%dma_start3A_45 : memref<400xi32, #tpu.memory_space<vmem>>) semaphore(%arg8 : memref<!tpu.dma_semaphore, #tpu.memory_space<semaphore_mem>>)
    %dma_wait3A_49 = arith.constant 1200 : i32
    %dma_wait3A_50 = tpu.memref_slice %arg5[%dma_wait3A_49] : memref<2000xi32, #tpu.memory_space<vmem>> -> memref<400xi32, #tpu.memory_space<vmem>>
    %dma_wait3A_51 = arith.constant 0 : i32
    %dma_wait3A_52 = arith.constant 0 : i32
    %dma_wait3A_53 = tpu.memref_slice %arg2[%dma_wait3A_51, %dma_wait3A_52] : memref<10000x128xf32, #tpu.memory_space<hbm>> -> memref<10000x128xf32, #tpu.memory_space<hbm>>
    tpu.wait_indirect_dma semaphore(%arg9 : memref<!tpu.dma_semaphore, #tpu.memory_space<semaphore_mem>>) src(%dma_wait3A_53 : memref<10000x128xf32, #tpu.memory_space<hbm>>) dst(%arg7 : memref<400x128xf32, #tpu.memory_space<vmem>>)
    %add3A_54 = arith.constant 1200 : i32
    %add3A_55 = arith.addi %mul3A_2, %add3A_54 : i32
    "tpu.region"() ({
      %run_scoped3A = tpu.sem_alloc : memref<!tpu.dma_semaphore, #tpu.memory_space<semaphore_mem>>
      %dma_start3A_63 = arith.constant 0 : i32
      %dma_start3A_64 = tpu.memref_slice %arg4[%add3A_55, %dma_start3A_63] : memref<64000x128xf32, #tpu.memory_space<hbm>> -> memref<400x128xf32, #tpu.memory_space<hbm>>
      %dma_start3A_65 = arith.constant 0 : i32
      %dma_start3A_66 = tpu.memref_slice %arg4[%add3A_55, %dma_start3A_65] : memref<64000x128xf32, #tpu.memory_space<hbm>> -> memref<400x128xf32, #tpu.memory_space<hbm>>
      tpu.enqueue_dma source(%arg7 : memref<400x128xf32, #tpu.memory_space<vmem>>) target(%dma_start3A_66 : memref<400x128xf32, #tpu.memory_space<hbm>>) target_semaphore(%run_scoped3A : memref<!tpu.dma_semaphore, #tpu.memory_space<semaphore_mem>>)
      %dma_wait3A_67 = arith.constant 0 : i32
      %dma_wait3A_68 = tpu.memref_slice %arg4[%add3A_55, %dma_wait3A_67] : memref<64000x128xf32, #tpu.memory_space<hbm>> -> memref<400x128xf32, #tpu.memory_space<hbm>>
      %dma_wait3A_69 = arith.constant 0 : i32
      %dma_wait3A_70 = tpu.memref_slice %arg4[%add3A_55, %dma_wait3A_69] : memref<64000x128xf32, #tpu.memory_space<hbm>> -> memref<400x128xf32, #tpu.memory_space<hbm>>
      tpu.wait_dma2 semaphore(%run_scoped3A : memref<!tpu.dma_semaphore, #tpu.memory_space<semaphore_mem>>) src(%arg7 : memref<400x128xf32, #tpu.memory_space<vmem>>) dst(%dma_wait3A_70 : memref<400x128xf32, #tpu.memory_space<hbm>>)
      tpu.yield
    }) : () -> ()
    %dma_wait3A_56 = arith.constant 1600 : i32
    %dma_wait3A_57 = tpu.memref_slice %arg5[%dma_wait3A_56] : memref<2000xi32, #tpu.memory_space<vmem>> -> memref<400xi32, #tpu.memory_space<vmem>>
    %dma_wait3A_58 = arith.constant 0 : i32
    %dma_wait3A_59 = arith.constant 0 : i32
    %dma_wait3A_60 = tpu.memref_slice %arg2[%dma_wait3A_58, %dma_wait3A_59] : memref<10000x128xf32, #tpu.memory_space<hbm>> -> memref<10000x128xf32, #tpu.memory_space<hbm>>
    tpu.wait_indirect_dma semaphore(%arg8 : memref<!tpu.dma_semaphore, #tpu.memory_space<semaphore_mem>>) src(%dma_wait3A_60 : memref<10000x128xf32, #tpu.memory_space<hbm>>) dst(%arg6 : memref<400x128xf32, #tpu.memory_space<vmem>>)
    %add3A_61 = arith.constant 1600 : i32
    %add3A_62 = arith.addi %mul3A_2, %add3A_61 : i32
    "tpu.region"() ({
      %run_scoped3A = tpu.sem_alloc : memref<!tpu.dma_semaphore, #tpu.memory_space<semaphore_mem>>
      %dma_start3A_63 = arith.constant 0 : i32
      %dma_start3A_64 = tpu.memref_slice %arg4[%add3A_62, %dma_start3A_63] : memref<64000x128xf32, #tpu.memory_space<hbm>> -> memref<400x128xf32, #tpu.memory_space<hbm>>
      %dma_start3A_65 = arith.constant 0 : i32
      %dma_start3A_66 = tpu.memref_slice %arg4[%add3A_62, %dma_start3A_65] : memref<64000x128xf32, #tpu.memory_space<hbm>> -> memref<400x128xf32, #tpu.memory_space<hbm>>
      tpu.enqueue_dma source(%arg6 : memref<400x128xf32, #tpu.memory_space<vmem>>) target(%dma_start3A_66 : memref<400x128xf32, #tpu.memory_space<hbm>>) target_semaphore(%run_scoped3A : memref<!tpu.dma_semaphore, #tpu.memory_space<semaphore_mem>>)
      %dma_wait3A_67 = arith.constant 0 : i32
      %dma_wait3A_68 = tpu.memref_slice %arg4[%add3A_62, %dma_wait3A_67] : memref<64000x128xf32, #tpu.memory_space<hbm>> -> memref<400x128xf32, #tpu.memory_space<hbm>>
      %dma_wait3A_69 = arith.constant 0 : i32
      %dma_wait3A_70 = tpu.memref_slice %arg4[%add3A_62, %dma_wait3A_69] : memref<64000x128xf32, #tpu.memory_space<hbm>> -> memref<400x128xf32, #tpu.memory_space<hbm>>
      tpu.wait_dma2 semaphore(%run_scoped3A : memref<!tpu.dma_semaphore, #tpu.memory_space<semaphore_mem>>) src(%arg6 : memref<400x128xf32, #tpu.memory_space<vmem>>) dst(%dma_wait3A_70 : memref<400x128xf32, #tpu.memory_space<hbm>>)
      tpu.yield
    }) : () -> ()
    return
  }
}

#map = affine_map<(d0, d1) -> (0, 0)>
#map1 = affine_map<(d0, d1) -> (0)>
module attributes {stable_mosaic.version = 14 : i64} {
  func.func @gather_kernel(%arg0: i32, %arg1: i32, %arg2: memref<10000x128xf32, #tpu.memory_space<hbm>>, %arg3: memref<320000xi32, #tpu.memory_space<hbm>>, %arg4: memref<64000x128xf32, #tpu.memory_space<hbm>>, %arg5: memref<2000xi32, #tpu.memory_space<vmem>>, %arg6: memref<400x128xf32, #tpu.memory_space<vmem>>, %arg7: memref<400x128xf32, #tpu.memory_space<vmem>>, %arg8: memref<!tpu.dma_semaphore, #tpu.memory_space<semaphore_mem>>, %arg9: memref<!tpu.dma_semaphore, #tpu.memory_space<semaphore_mem>>) attributes {dimension_semantics = [#tpu.dimension_semantics<core_parallel>, #tpu.dimension_semantics<subcore_parallel>], iteration_bounds = array<i64: 2, 16>, scalar_prefetch = 0 : i64, scratch_operands = 5 : i64, tpu.core_type = #tpu.core_type<sc_vector_subcore>, window_params = [{transform_indices = #map}, {transform_indices = #map1}, {transform_indices = #map}]} {
    %mul3A = arith.constant 2 : i32
    %mul3A_0 = arith.muli %arg1, %mul3A : i32
    %add3A = arith.addi %mul3A_0, %arg0 : i32
    %mul3A_1 = arith.constant 2000 : i32
    %mul3A_2 = arith.muli %add3A, %mul3A_1 : i32
    %add3A_3 = arith.constant 192000 : i32
    %add3A_4 = arith.addi %add3A_3, %mul3A_2 : i32
    "tpu.region"() ({
      %run_scoped3A = tpu.sem_alloc : memref<!tpu.dma_semaphore, #tpu.memory_space<semaphore_mem>>
      %dma_start3A_63 = tpu.memref_slice %arg3[%add3A_4] : memref<320000xi32, #tpu.memory_space<hbm>> -> memref<2000xi32, #tpu.memory_space<hbm>>
      %dma_start3A_64 = tpu.memref_slice %arg3[%add3A_4] : memref<320000xi32, #tpu.memory_space<hbm>> -> memref<2000xi32, #tpu.memory_space<hbm>>
      tpu.enqueue_dma source(%dma_start3A_64 : memref<2000xi32, #tpu.memory_space<hbm>>) target(%arg5 : memref<2000xi32, #tpu.memory_space<vmem>>) target_semaphore(%run_scoped3A : memref<!tpu.dma_semaphore, #tpu.memory_space<semaphore_mem>>)
      %dma_wait3A_65 = tpu.memref_slice %arg3[%add3A_4] : memref<320000xi32, #tpu.memory_space<hbm>> -> memref<2000xi32, #tpu.memory_space<hbm>>
      %dma_wait3A_66 = tpu.memref_slice %arg3[%add3A_4] : memref<320000xi32, #tpu.memory_space<hbm>> -> memref<2000xi32, #tpu.memory_space<hbm>>
      tpu.wait_dma2 semaphore(%run_scoped3A : memref<!tpu.dma_semaphore, #tpu.memory_space<semaphore_mem>>) src(%dma_wait3A_66 : memref<2000xi32, #tpu.memory_space<hbm>>) dst(%arg5 : memref<2000xi32, #tpu.memory_space<vmem>>)
      tpu.yield
    }) : () -> ()
    %dma_start3A = arith.constant 0 : i32
    %dma_start3A_5 = tpu.memref_slice %arg5[%dma_start3A] : memref<2000xi32, #tpu.memory_space<vmem>> -> memref<400xi32, #tpu.memory_space<vmem>>
    %dma_start3A_6 = arith.constant 0 : i32
    %dma_start3A_7 = arith.constant 0 : i32
    %dma_start3A_8 = tpu.memref_slice %arg2[%dma_start3A_6, %dma_start3A_7] : memref<10000x128xf32, #tpu.memory_space<hbm>> -> memref<10000x128xf32, #tpu.memory_space<hbm>>
    tpu.enqueue_indirect_dma source(%dma_start3A_8 : memref<10000x128xf32, #tpu.memory_space<hbm>>) target(%arg6 : memref<400x128xf32, #tpu.memory_space<vmem>>) offsets(%dma_start3A_5 : memref<400xi32, #tpu.memory_space<vmem>>) semaphore(%arg8 : memref<!tpu.dma_semaphore, #tpu.memory_space<semaphore_mem>>)
    %dma_start3A_9 = arith.constant 400 : i32
    %dma_start3A_10 = tpu.memref_slice %arg5[%dma_start3A_9] : memref<2000xi32, #tpu.memory_space<vmem>> -> memref<400xi32, #tpu.memory_space<vmem>>
    %dma_start3A_11 = arith.constant 0 : i32
    %dma_start3A_12 = arith.constant 0 : i32
    %dma_start3A_13 = tpu.memref_slice %arg2[%dma_start3A_11, %dma_start3A_12] : memref<10000x128xf32, #tpu.memory_space<hbm>> -> memref<10000x128xf32, #tpu.memory_space<hbm>>
    tpu.enqueue_indirect_dma source(%dma_start3A_13 : memref<10000x128xf32, #tpu.memory_space<hbm>>) target(%arg7 : memref<400x128xf32, #tpu.memory_space<vmem>>) offsets(%dma_start3A_10 : memref<400xi32, #tpu.memory_space<vmem>>) semaphore(%arg9 : memref<!tpu.dma_semaphore, #tpu.memory_space<semaphore_mem>>)
    %dma_wait3A = arith.constant 0 : i32
    %dma_wait3A_14 = tpu.memref_slice %arg5[%dma_wait3A] : memref<2000xi32, #tpu.memory_space<vmem>> -> memref<400xi32, #tpu.memory_space<vmem>>
    %dma_wait3A_15 = arith.constant 0 : i32
    %dma_wait3A_16 = arith.constant 0 : i32
    %dma_wait3A_17 = tpu.memref_slice %arg2[%dma_wait3A_15, %dma_wait3A_16] : memref<10000x128xf32, #tpu.memory_space<hbm>> -> memref<10000x128xf32, #tpu.memory_space<hbm>>
    tpu.wait_indirect_dma semaphore(%arg8 : memref<!tpu.dma_semaphore, #tpu.memory_space<semaphore_mem>>) src(%dma_wait3A_17 : memref<10000x128xf32, #tpu.memory_space<hbm>>) dst(%arg6 : memref<400x128xf32, #tpu.memory_space<vmem>>)
    %add3A_18 = arith.constant 0 : i32
    %add3A_19 = arith.addi %mul3A_2, %add3A_18 : i32
    "tpu.region"() ({
      %run_scoped3A = tpu.sem_alloc : memref<!tpu.dma_semaphore, #tpu.memory_space<semaphore_mem>>
      %dma_start3A_63 = arith.constant 0 : i32
      %dma_start3A_64 = tpu.memref_slice %arg4[%add3A_19, %dma_start3A_63] : memref<64000x128xf32, #tpu.memory_space<hbm>> -> memref<400x128xf32, #tpu.memory_space<hbm>>
      %dma_start3A_65 = arith.constant 0 : i32
      %dma_start3A_66 = tpu.memref_slice %arg4[%add3A_19, %dma_start3A_65] : memref<64000x128xf32, #tpu.memory_space<hbm>> -> memref<400x128xf32, #tpu.memory_space<hbm>>
      tpu.enqueue_dma source(%arg6 : memref<400x128xf32, #tpu.memory_space<vmem>>) target(%dma_start3A_66 : memref<400x128xf32, #tpu.memory_space<hbm>>) target_semaphore(%run_scoped3A : memref<!tpu.dma_semaphore, #tpu.memory_space<semaphore_mem>>)
      %dma_wait3A_67 = arith.constant 0 : i32
      %dma_wait3A_68 = tpu.memref_slice %arg4[%add3A_19, %dma_wait3A_67] : memref<64000x128xf32, #tpu.memory_space<hbm>> -> memref<400x128xf32, #tpu.memory_space<hbm>>
      %dma_wait3A_69 = arith.constant 0 : i32
      %dma_wait3A_70 = tpu.memref_slice %arg4[%add3A_19, %dma_wait3A_69] : memref<64000x128xf32, #tpu.memory_space<hbm>> -> memref<400x128xf32, #tpu.memory_space<hbm>>
      tpu.wait_dma2 semaphore(%run_scoped3A : memref<!tpu.dma_semaphore, #tpu.memory_space<semaphore_mem>>) src(%arg6 : memref<400x128xf32, #tpu.memory_space<vmem>>) dst(%dma_wait3A_70 : memref<400x128xf32, #tpu.memory_space<hbm>>)
      tpu.yield
    }) : () -> ()
    %dma_start3A_20 = arith.constant 800 : i32
    %dma_start3A_21 = tpu.memref_slice %arg5[%dma_start3A_20] : memref<2000xi32, #tpu.memory_space<vmem>> -> memref<400xi32, #tpu.memory_space<vmem>>
    %dma_start3A_22 = arith.constant 0 : i32
    %dma_start3A_23 = arith.constant 0 : i32
    %dma_start3A_24 = tpu.memref_slice %arg2[%dma_start3A_22, %dma_start3A_23] : memref<10000x128xf32, #tpu.memory_space<hbm>> -> memref<10000x128xf32, #tpu.memory_space<hbm>>
    tpu.enqueue_indirect_dma source(%dma_start3A_24 : memref<10000x128xf32, #tpu.memory_space<hbm>>) target(%arg6 : memref<400x128xf32, #tpu.memory_space<vmem>>) offsets(%dma_start3A_21 : memref<400xi32, #tpu.memory_space<vmem>>) semaphore(%arg8 : memref<!tpu.dma_semaphore, #tpu.memory_space<semaphore_mem>>)
    %dma_wait3A_25 = arith.constant 400 : i32
    %dma_wait3A_26 = tpu.memref_slice %arg5[%dma_wait3A_25] : memref<2000xi32, #tpu.memory_space<vmem>> -> memref<400xi32, #tpu.memory_space<vmem>>
    %dma_wait3A_27 = arith.constant 0 : i32
    %dma_wait3A_28 = arith.constant 0 : i32
    %dma_wait3A_29 = tpu.memref_slice %arg2[%dma_wait3A_27, %dma_wait3A_28] : memref<10000x128xf32, #tpu.memory_space<hbm>> -> memref<10000x128xf32, #tpu.memory_space<hbm>>
    tpu.wait_indirect_dma semaphore(%arg9 : memref<!tpu.dma_semaphore, #tpu.memory_space<semaphore_mem>>) src(%dma_wait3A_29 : memref<10000x128xf32, #tpu.memory_space<hbm>>) dst(%arg7 : memref<400x128xf32, #tpu.memory_space<vmem>>)
    %add3A_30 = arith.constant 400 : i32
    %add3A_31 = arith.addi %mul3A_2, %add3A_30 : i32
    "tpu.region"() ({
      %run_scoped3A = tpu.sem_alloc : memref<!tpu.dma_semaphore, #tpu.memory_space<semaphore_mem>>
      %dma_start3A_63 = arith.constant 0 : i32
      %dma_start3A_64 = tpu.memref_slice %arg4[%add3A_31, %dma_start3A_63] : memref<64000x128xf32, #tpu.memory_space<hbm>> -> memref<400x128xf32, #tpu.memory_space<hbm>>
      %dma_start3A_65 = arith.constant 0 : i32
      %dma_start3A_66 = tpu.memref_slice %arg4[%add3A_31, %dma_start3A_65] : memref<64000x128xf32, #tpu.memory_space<hbm>> -> memref<400x128xf32, #tpu.memory_space<hbm>>
      tpu.enqueue_dma source(%arg7 : memref<400x128xf32, #tpu.memory_space<vmem>>) target(%dma_start3A_66 : memref<400x128xf32, #tpu.memory_space<hbm>>) target_semaphore(%run_scoped3A : memref<!tpu.dma_semaphore, #tpu.memory_space<semaphore_mem>>)
      %dma_wait3A_67 = arith.constant 0 : i32
      %dma_wait3A_68 = tpu.memref_slice %arg4[%add3A_31, %dma_wait3A_67] : memref<64000x128xf32, #tpu.memory_space<hbm>> -> memref<400x128xf32, #tpu.memory_space<hbm>>
      %dma_wait3A_69 = arith.constant 0 : i32
      %dma_wait3A_70 = tpu.memref_slice %arg4[%add3A_31, %dma_wait3A_69] : memref<64000x128xf32, #tpu.memory_space<hbm>> -> memref<400x128xf32, #tpu.memory_space<hbm>>
      tpu.wait_dma2 semaphore(%run_scoped3A : memref<!tpu.dma_semaphore, #tpu.memory_space<semaphore_mem>>) src(%arg7 : memref<400x128xf32, #tpu.memory_space<vmem>>) dst(%dma_wait3A_70 : memref<400x128xf32, #tpu.memory_space<hbm>>)
      tpu.yield
    }) : () -> ()
    %dma_start3A_32 = arith.constant 1200 : i32
    %dma_start3A_33 = tpu.memref_slice %arg5[%dma_start3A_32] : memref<2000xi32, #tpu.memory_space<vmem>> -> memref<400xi32, #tpu.memory_space<vmem>>
    %dma_start3A_34 = arith.constant 0 : i32
    %dma_start3A_35 = arith.constant 0 : i32
    %dma_start3A_36 = tpu.memref_slice %arg2[%dma_start3A_34, %dma_start3A_35] : memref<10000x128xf32, #tpu.memory_space<hbm>> -> memref<10000x128xf32, #tpu.memory_space<hbm>>
    tpu.enqueue_indirect_dma source(%dma_start3A_36 : memref<10000x128xf32, #tpu.memory_space<hbm>>) target(%arg7 : memref<400x128xf32, #tpu.memory_space<vmem>>) offsets(%dma_start3A_33 : memref<400xi32, #tpu.memory_space<vmem>>) semaphore(%arg9 : memref<!tpu.dma_semaphore, #tpu.memory_space<semaphore_mem>>)
    %dma_wait3A_37 = arith.constant 800 : i32
    %dma_wait3A_38 = tpu.memref_slice %arg5[%dma_wait3A_37] : memref<2000xi32, #tpu.memory_space<vmem>> -> memref<400xi32, #tpu.memory_space<vmem>>
    %dma_wait3A_39 = arith.constant 0 : i32
    %dma_wait3A_40 = arith.constant 0 : i32
    %dma_wait3A_41 = tpu.memref_slice %arg2[%dma_wait3A_39, %dma_wait3A_40] : memref<10000x128xf32, #tpu.memory_space<hbm>> -> memref<10000x128xf32, #tpu.memory_space<hbm>>
    tpu.wait_indirect_dma semaphore(%arg8 : memref<!tpu.dma_semaphore, #tpu.memory_space<semaphore_mem>>) src(%dma_wait3A_41 : memref<10000x128xf32, #tpu.memory_space<hbm>>) dst(%arg6 : memref<400x128xf32, #tpu.memory_space<vmem>>)
    %add3A_42 = arith.constant 800 : i32
    %add3A_43 = arith.addi %mul3A_2, %add3A_42 : i32
    "tpu.region"() ({
      %run_scoped3A = tpu.sem_alloc : memref<!tpu.dma_semaphore, #tpu.memory_space<semaphore_mem>>
      %dma_start3A_63 = arith.constant 0 : i32
      %dma_start3A_64 = tpu.memref_slice %arg4[%add3A_43, %dma_start3A_63] : memref<64000x128xf32, #tpu.memory_space<hbm>> -> memref<400x128xf32, #tpu.memory_space<hbm>>
      %dma_start3A_65 = arith.constant 0 : i32
      %dma_start3A_66 = tpu.memref_slice %arg4[%add3A_43, %dma_start3A_65] : memref<64000x128xf32, #tpu.memory_space<hbm>> -> memref<400x128xf32, #tpu.memory_space<hbm>>
      tpu.enqueue_dma source(%arg6 : memref<400x128xf32, #tpu.memory_space<vmem>>) target(%dma_start3A_66 : memref<400x128xf32, #tpu.memory_space<hbm>>) target_semaphore(%run_scoped3A : memref<!tpu.dma_semaphore, #tpu.memory_space<semaphore_mem>>)
      %dma_wait3A_67 = arith.constant 0 : i32
      %dma_wait3A_68 = tpu.memref_slice %arg4[%add3A_43, %dma_wait3A_67] : memref<64000x128xf32, #tpu.memory_space<hbm>> -> memref<400x128xf32, #tpu.memory_space<hbm>>
      %dma_wait3A_69 = arith.constant 0 : i32
      %dma_wait3A_70 = tpu.memref_slice %arg4[%add3A_43, %dma_wait3A_69] : memref<64000x128xf32, #tpu.memory_space<hbm>> -> memref<400x128xf32, #tpu.memory_space<hbm>>
      tpu.wait_dma2 semaphore(%run_scoped3A : memref<!tpu.dma_semaphore, #tpu.memory_space<semaphore_mem>>) src(%arg6 : memref<400x128xf32, #tpu.memory_space<vmem>>) dst(%dma_wait3A_70 : memref<400x128xf32, #tpu.memory_space<hbm>>)
      tpu.yield
    }) : () -> ()
    %dma_start3A_44 = arith.constant 1600 : i32
    %dma_start3A_45 = tpu.memref_slice %arg5[%dma_start3A_44] : memref<2000xi32, #tpu.memory_space<vmem>> -> memref<400xi32, #tpu.memory_space<vmem>>
    %dma_start3A_46 = arith.constant 0 : i32
    %dma_start3A_47 = arith.constant 0 : i32
    %dma_start3A_48 = tpu.memref_slice %arg2[%dma_start3A_46, %dma_start3A_47] : memref<10000x128xf32, #tpu.memory_space<hbm>> -> memref<10000x128xf32, #tpu.memory_space<hbm>>
    tpu.enqueue_indirect_dma source(%dma_start3A_48 : memref<10000x128xf32, #tpu.memory_space<hbm>>) target(%arg6 : memref<400x128xf32, #tpu.memory_space<vmem>>) offsets(%dma_start3A_45 : memref<400xi32, #tpu.memory_space<vmem>>) semaphore(%arg8 : memref<!tpu.dma_semaphore, #tpu.memory_space<semaphore_mem>>)
    %dma_wait3A_49 = arith.constant 1200 : i32
    %dma_wait3A_50 = tpu.memref_slice %arg5[%dma_wait3A_49] : memref<2000xi32, #tpu.memory_space<vmem>> -> memref<400xi32, #tpu.memory_space<vmem>>
    %dma_wait3A_51 = arith.constant 0 : i32
    %dma_wait3A_52 = arith.constant 0 : i32
    %dma_wait3A_53 = tpu.memref_slice %arg2[%dma_wait3A_51, %dma_wait3A_52] : memref<10000x128xf32, #tpu.memory_space<hbm>> -> memref<10000x128xf32, #tpu.memory_space<hbm>>
    tpu.wait_indirect_dma semaphore(%arg9 : memref<!tpu.dma_semaphore, #tpu.memory_space<semaphore_mem>>) src(%dma_wait3A_53 : memref<10000x128xf32, #tpu.memory_space<hbm>>) dst(%arg7 : memref<400x128xf32, #tpu.memory_space<vmem>>)
    %add3A_54 = arith.constant 1200 : i32
    %add3A_55 = arith.addi %mul3A_2, %add3A_54 : i32
    "tpu.region"() ({
      %run_scoped3A = tpu.sem_alloc : memref<!tpu.dma_semaphore, #tpu.memory_space<semaphore_mem>>
      %dma_start3A_63 = arith.constant 0 : i32
      %dma_start3A_64 = tpu.memref_slice %arg4[%add3A_55, %dma_start3A_63] : memref<64000x128xf32, #tpu.memory_space<hbm>> -> memref<400x128xf32, #tpu.memory_space<hbm>>
      %dma_start3A_65 = arith.constant 0 : i32
      %dma_start3A_66 = tpu.memref_slice %arg4[%add3A_55, %dma_start3A_65] : memref<64000x128xf32, #tpu.memory_space<hbm>> -> memref<400x128xf32, #tpu.memory_space<hbm>>
      tpu.enqueue_dma source(%arg7 : memref<400x128xf32, #tpu.memory_space<vmem>>) target(%dma_start3A_66 : memref<400x128xf32, #tpu.memory_space<hbm>>) target_semaphore(%run_scoped3A : memref<!tpu.dma_semaphore, #tpu.memory_space<semaphore_mem>>)
      %dma_wait3A_67 = arith.constant 0 : i32
      %dma_wait3A_68 = tpu.memref_slice %arg4[%add3A_55, %dma_wait3A_67] : memref<64000x128xf32, #tpu.memory_space<hbm>> -> memref<400x128xf32, #tpu.memory_space<hbm>>
      %dma_wait3A_69 = arith.constant 0 : i32
      %dma_wait3A_70 = tpu.memref_slice %arg4[%add3A_55, %dma_wait3A_69] : memref<64000x128xf32, #tpu.memory_space<hbm>> -> memref<400x128xf32, #tpu.memory_space<hbm>>
      tpu.wait_dma2 semaphore(%run_scoped3A : memref<!tpu.dma_semaphore, #tpu.memory_space<semaphore_mem>>) src(%arg7 : memref<400x128xf32, #tpu.memory_space<vmem>>) dst(%dma_wait3A_70 : memref<400x128xf32, #tpu.memory_space<hbm>>)
      tpu.yield
    }) : () -> ()
    %dma_wait3A_56 = arith.constant 1600 : i32
    %dma_wait3A_57 = tpu.memref_slice %arg5[%dma_wait3A_56] : memref<2000xi32, #tpu.memory_space<vmem>> -> memref<400xi32, #tpu.memory_space<vmem>>
    %dma_wait3A_58 = arith.constant 0 : i32
    %dma_wait3A_59 = arith.constant 0 : i32
    %dma_wait3A_60 = tpu.memref_slice %arg2[%dma_wait3A_58, %dma_wait3A_59] : memref<10000x128xf32, #tpu.memory_space<hbm>> -> memref<10000x128xf32, #tpu.memory_space<hbm>>
    tpu.wait_indirect_dma semaphore(%arg8 : memref<!tpu.dma_semaphore, #tpu.memory_space<semaphore_mem>>) src(%dma_wait3A_60 : memref<10000x128xf32, #tpu.memory_space<hbm>>) dst(%arg6 : memref<400x128xf32, #tpu.memory_space<vmem>>)
    %add3A_61 = arith.constant 1600 : i32
    %add3A_62 = arith.addi %mul3A_2, %add3A_61 : i32
    "tpu.region"() ({
      %run_scoped3A = tpu.sem_alloc : memref<!tpu.dma_semaphore, #tpu.memory_space<semaphore_mem>>
      %dma_start3A_63 = arith.constant 0 : i32
      %dma_start3A_64 = tpu.memref_slice %arg4[%add3A_62, %dma_start3A_63] : memref<64000x128xf32, #tpu.memory_space<hbm>> -> memref<400x128xf32, #tpu.memory_space<hbm>>
      %dma_start3A_65 = arith.constant 0 : i32
      %dma_start3A_66 = tpu.memref_slice %arg4[%add3A_62, %dma_start3A_65] : memref<64000x128xf32, #tpu.memory_space<hbm>> -> memref<400x128xf32, #tpu.memory_space<hbm>>
      tpu.enqueue_dma source(%arg6 : memref<400x128xf32, #tpu.memory_space<vmem>>) target(%dma_start3A_66 : memref<400x128xf32, #tpu.memory_space<hbm>>) target_semaphore(%run_scoped3A : memref<!tpu.dma_semaphore, #tpu.memory_space<semaphore_mem>>)
      %dma_wait3A_67 = arith.constant 0 : i32
      %dma_wait3A_68 = tpu.memref_slice %arg4[%add3A_62, %dma_wait3A_67] : memref<64000x128xf32, #tpu.memory_space<hbm>> -> memref<400x128xf32, #tpu.memory_space<hbm>>
      %dma_wait3A_69 = arith.constant 0 : i32
      %dma_wait3A_70 = tpu.memref_slice %arg4[%add3A_62, %dma_wait3A_69] : memref<64000x128xf32, #tpu.memory_space<hbm>> -> memref<400x128xf32, #tpu.memory_space<hbm>>
      tpu.wait_dma2 semaphore(%run_scoped3A : memref<!tpu.dma_semaphore, #tpu.memory_space<semaphore_mem>>) src(%arg6 : memref<400x128xf32, #tpu.memory_space<vmem>>) dst(%dma_wait3A_70 : memref<400x128xf32, #tpu.memory_space<hbm>>)
      tpu.yield
    }) : () -> ()
    return
  }
}

#map = affine_map<(d0, d1) -> (0, 0)>
#map1 = affine_map<(d0, d1) -> (0)>
module attributes {stable_mosaic.version = 14 : i64} {
  func.func @gather_kernel(%arg0: i32, %arg1: i32, %arg2: memref<10000x128xf32, #tpu.memory_space<hbm>>, %arg3: memref<320000xi32, #tpu.memory_space<hbm>>, %arg4: memref<64000x128xf32, #tpu.memory_space<hbm>>, %arg5: memref<2000xi32, #tpu.memory_space<vmem>>, %arg6: memref<400x128xf32, #tpu.memory_space<vmem>>, %arg7: memref<400x128xf32, #tpu.memory_space<vmem>>, %arg8: memref<!tpu.dma_semaphore, #tpu.memory_space<semaphore_mem>>, %arg9: memref<!tpu.dma_semaphore, #tpu.memory_space<semaphore_mem>>) attributes {dimension_semantics = [#tpu.dimension_semantics<core_parallel>, #tpu.dimension_semantics<subcore_parallel>], iteration_bounds = array<i64: 2, 16>, scalar_prefetch = 0 : i64, scratch_operands = 5 : i64, tpu.core_type = #tpu.core_type<sc_vector_subcore>, window_params = [{transform_indices = #map}, {transform_indices = #map1}, {transform_indices = #map}]} {
    %mul3A = arith.constant 2 : i32
    %mul3A_0 = arith.muli %arg1, %mul3A : i32
    %add3A = arith.addi %mul3A_0, %arg0 : i32
    %mul3A_1 = arith.constant 2000 : i32
    %mul3A_2 = arith.muli %add3A, %mul3A_1 : i32
    %add3A_3 = arith.constant 256000 : i32
    %add3A_4 = arith.addi %add3A_3, %mul3A_2 : i32
    "tpu.region"() ({
      %run_scoped3A = tpu.sem_alloc : memref<!tpu.dma_semaphore, #tpu.memory_space<semaphore_mem>>
      %dma_start3A_63 = tpu.memref_slice %arg3[%add3A_4] : memref<320000xi32, #tpu.memory_space<hbm>> -> memref<2000xi32, #tpu.memory_space<hbm>>
      %dma_start3A_64 = tpu.memref_slice %arg3[%add3A_4] : memref<320000xi32, #tpu.memory_space<hbm>> -> memref<2000xi32, #tpu.memory_space<hbm>>
      tpu.enqueue_dma source(%dma_start3A_64 : memref<2000xi32, #tpu.memory_space<hbm>>) target(%arg5 : memref<2000xi32, #tpu.memory_space<vmem>>) target_semaphore(%run_scoped3A : memref<!tpu.dma_semaphore, #tpu.memory_space<semaphore_mem>>)
      %dma_wait3A_65 = tpu.memref_slice %arg3[%add3A_4] : memref<320000xi32, #tpu.memory_space<hbm>> -> memref<2000xi32, #tpu.memory_space<hbm>>
      %dma_wait3A_66 = tpu.memref_slice %arg3[%add3A_4] : memref<320000xi32, #tpu.memory_space<hbm>> -> memref<2000xi32, #tpu.memory_space<hbm>>
      tpu.wait_dma2 semaphore(%run_scoped3A : memref<!tpu.dma_semaphore, #tpu.memory_space<semaphore_mem>>) src(%dma_wait3A_66 : memref<2000xi32, #tpu.memory_space<hbm>>) dst(%arg5 : memref<2000xi32, #tpu.memory_space<vmem>>)
      tpu.yield
    }) : () -> ()
    %dma_start3A = arith.constant 0 : i32
    %dma_start3A_5 = tpu.memref_slice %arg5[%dma_start3A] : memref<2000xi32, #tpu.memory_space<vmem>> -> memref<400xi32, #tpu.memory_space<vmem>>
    %dma_start3A_6 = arith.constant 0 : i32
    %dma_start3A_7 = arith.constant 0 : i32
    %dma_start3A_8 = tpu.memref_slice %arg2[%dma_start3A_6, %dma_start3A_7] : memref<10000x128xf32, #tpu.memory_space<hbm>> -> memref<10000x128xf32, #tpu.memory_space<hbm>>
    tpu.enqueue_indirect_dma source(%dma_start3A_8 : memref<10000x128xf32, #tpu.memory_space<hbm>>) target(%arg6 : memref<400x128xf32, #tpu.memory_space<vmem>>) offsets(%dma_start3A_5 : memref<400xi32, #tpu.memory_space<vmem>>) semaphore(%arg8 : memref<!tpu.dma_semaphore, #tpu.memory_space<semaphore_mem>>)
    %dma_start3A_9 = arith.constant 400 : i32
    %dma_start3A_10 = tpu.memref_slice %arg5[%dma_start3A_9] : memref<2000xi32, #tpu.memory_space<vmem>> -> memref<400xi32, #tpu.memory_space<vmem>>
    %dma_start3A_11 = arith.constant 0 : i32
    %dma_start3A_12 = arith.constant 0 : i32
    %dma_start3A_13 = tpu.memref_slice %arg2[%dma_start3A_11, %dma_start3A_12] : memref<10000x128xf32, #tpu.memory_space<hbm>> -> memref<10000x128xf32, #tpu.memory_space<hbm>>
    tpu.enqueue_indirect_dma source(%dma_start3A_13 : memref<10000x128xf32, #tpu.memory_space<hbm>>) target(%arg7 : memref<400x128xf32, #tpu.memory_space<vmem>>) offsets(%dma_start3A_10 : memref<400xi32, #tpu.memory_space<vmem>>) semaphore(%arg9 : memref<!tpu.dma_semaphore, #tpu.memory_space<semaphore_mem>>)
    %dma_wait3A = arith.constant 0 : i32
    %dma_wait3A_14 = tpu.memref_slice %arg5[%dma_wait3A] : memref<2000xi32, #tpu.memory_space<vmem>> -> memref<400xi32, #tpu.memory_space<vmem>>
    %dma_wait3A_15 = arith.constant 0 : i32
    %dma_wait3A_16 = arith.constant 0 : i32
    %dma_wait3A_17 = tpu.memref_slice %arg2[%dma_wait3A_15, %dma_wait3A_16] : memref<10000x128xf32, #tpu.memory_space<hbm>> -> memref<10000x128xf32, #tpu.memory_space<hbm>>
    tpu.wait_indirect_dma semaphore(%arg8 : memref<!tpu.dma_semaphore, #tpu.memory_space<semaphore_mem>>) src(%dma_wait3A_17 : memref<10000x128xf32, #tpu.memory_space<hbm>>) dst(%arg6 : memref<400x128xf32, #tpu.memory_space<vmem>>)
    %add3A_18 = arith.constant 0 : i32
    %add3A_19 = arith.addi %mul3A_2, %add3A_18 : i32
    "tpu.region"() ({
      %run_scoped3A = tpu.sem_alloc : memref<!tpu.dma_semaphore, #tpu.memory_space<semaphore_mem>>
      %dma_start3A_63 = arith.constant 0 : i32
      %dma_start3A_64 = tpu.memref_slice %arg4[%add3A_19, %dma_start3A_63] : memref<64000x128xf32, #tpu.memory_space<hbm>> -> memref<400x128xf32, #tpu.memory_space<hbm>>
      %dma_start3A_65 = arith.constant 0 : i32
      %dma_start3A_66 = tpu.memref_slice %arg4[%add3A_19, %dma_start3A_65] : memref<64000x128xf32, #tpu.memory_space<hbm>> -> memref<400x128xf32, #tpu.memory_space<hbm>>
      tpu.enqueue_dma source(%arg6 : memref<400x128xf32, #tpu.memory_space<vmem>>) target(%dma_start3A_66 : memref<400x128xf32, #tpu.memory_space<hbm>>) target_semaphore(%run_scoped3A : memref<!tpu.dma_semaphore, #tpu.memory_space<semaphore_mem>>)
      %dma_wait3A_67 = arith.constant 0 : i32
      %dma_wait3A_68 = tpu.memref_slice %arg4[%add3A_19, %dma_wait3A_67] : memref<64000x128xf32, #tpu.memory_space<hbm>> -> memref<400x128xf32, #tpu.memory_space<hbm>>
      %dma_wait3A_69 = arith.constant 0 : i32
      %dma_wait3A_70 = tpu.memref_slice %arg4[%add3A_19, %dma_wait3A_69] : memref<64000x128xf32, #tpu.memory_space<hbm>> -> memref<400x128xf32, #tpu.memory_space<hbm>>
      tpu.wait_dma2 semaphore(%run_scoped3A : memref<!tpu.dma_semaphore, #tpu.memory_space<semaphore_mem>>) src(%arg6 : memref<400x128xf32, #tpu.memory_space<vmem>>) dst(%dma_wait3A_70 : memref<400x128xf32, #tpu.memory_space<hbm>>)
      tpu.yield
    }) : () -> ()
    %dma_start3A_20 = arith.constant 800 : i32
    %dma_start3A_21 = tpu.memref_slice %arg5[%dma_start3A_20] : memref<2000xi32, #tpu.memory_space<vmem>> -> memref<400xi32, #tpu.memory_space<vmem>>
    %dma_start3A_22 = arith.constant 0 : i32
    %dma_start3A_23 = arith.constant 0 : i32
    %dma_start3A_24 = tpu.memref_slice %arg2[%dma_start3A_22, %dma_start3A_23] : memref<10000x128xf32, #tpu.memory_space<hbm>> -> memref<10000x128xf32, #tpu.memory_space<hbm>>
    tpu.enqueue_indirect_dma source(%dma_start3A_24 : memref<10000x128xf32, #tpu.memory_space<hbm>>) target(%arg6 : memref<400x128xf32, #tpu.memory_space<vmem>>) offsets(%dma_start3A_21 : memref<400xi32, #tpu.memory_space<vmem>>) semaphore(%arg8 : memref<!tpu.dma_semaphore, #tpu.memory_space<semaphore_mem>>)
    %dma_wait3A_25 = arith.constant 400 : i32
    %dma_wait3A_26 = tpu.memref_slice %arg5[%dma_wait3A_25] : memref<2000xi32, #tpu.memory_space<vmem>> -> memref<400xi32, #tpu.memory_space<vmem>>
    %dma_wait3A_27 = arith.constant 0 : i32
    %dma_wait3A_28 = arith.constant 0 : i32
    %dma_wait3A_29 = tpu.memref_slice %arg2[%dma_wait3A_27, %dma_wait3A_28] : memref<10000x128xf32, #tpu.memory_space<hbm>> -> memref<10000x128xf32, #tpu.memory_space<hbm>>
    tpu.wait_indirect_dma semaphore(%arg9 : memref<!tpu.dma_semaphore, #tpu.memory_space<semaphore_mem>>) src(%dma_wait3A_29 : memref<10000x128xf32, #tpu.memory_space<hbm>>) dst(%arg7 : memref<400x128xf32, #tpu.memory_space<vmem>>)
    %add3A_30 = arith.constant 400 : i32
    %add3A_31 = arith.addi %mul3A_2, %add3A_30 : i32
    "tpu.region"() ({
      %run_scoped3A = tpu.sem_alloc : memref<!tpu.dma_semaphore, #tpu.memory_space<semaphore_mem>>
      %dma_start3A_63 = arith.constant 0 : i32
      %dma_start3A_64 = tpu.memref_slice %arg4[%add3A_31, %dma_start3A_63] : memref<64000x128xf32, #tpu.memory_space<hbm>> -> memref<400x128xf32, #tpu.memory_space<hbm>>
      %dma_start3A_65 = arith.constant 0 : i32
      %dma_start3A_66 = tpu.memref_slice %arg4[%add3A_31, %dma_start3A_65] : memref<64000x128xf32, #tpu.memory_space<hbm>> -> memref<400x128xf32, #tpu.memory_space<hbm>>
      tpu.enqueue_dma source(%arg7 : memref<400x128xf32, #tpu.memory_space<vmem>>) target(%dma_start3A_66 : memref<400x128xf32, #tpu.memory_space<hbm>>) target_semaphore(%run_scoped3A : memref<!tpu.dma_semaphore, #tpu.memory_space<semaphore_mem>>)
      %dma_wait3A_67 = arith.constant 0 : i32
      %dma_wait3A_68 = tpu.memref_slice %arg4[%add3A_31, %dma_wait3A_67] : memref<64000x128xf32, #tpu.memory_space<hbm>> -> memref<400x128xf32, #tpu.memory_space<hbm>>
      %dma_wait3A_69 = arith.constant 0 : i32
      %dma_wait3A_70 = tpu.memref_slice %arg4[%add3A_31, %dma_wait3A_69] : memref<64000x128xf32, #tpu.memory_space<hbm>> -> memref<400x128xf32, #tpu.memory_space<hbm>>
      tpu.wait_dma2 semaphore(%run_scoped3A : memref<!tpu.dma_semaphore, #tpu.memory_space<semaphore_mem>>) src(%arg7 : memref<400x128xf32, #tpu.memory_space<vmem>>) dst(%dma_wait3A_70 : memref<400x128xf32, #tpu.memory_space<hbm>>)
      tpu.yield
    }) : () -> ()
    %dma_start3A_32 = arith.constant 1200 : i32
    %dma_start3A_33 = tpu.memref_slice %arg5[%dma_start3A_32] : memref<2000xi32, #tpu.memory_space<vmem>> -> memref<400xi32, #tpu.memory_space<vmem>>
    %dma_start3A_34 = arith.constant 0 : i32
    %dma_start3A_35 = arith.constant 0 : i32
    %dma_start3A_36 = tpu.memref_slice %arg2[%dma_start3A_34, %dma_start3A_35] : memref<10000x128xf32, #tpu.memory_space<hbm>> -> memref<10000x128xf32, #tpu.memory_space<hbm>>
    tpu.enqueue_indirect_dma source(%dma_start3A_36 : memref<10000x128xf32, #tpu.memory_space<hbm>>) target(%arg7 : memref<400x128xf32, #tpu.memory_space<vmem>>) offsets(%dma_start3A_33 : memref<400xi32, #tpu.memory_space<vmem>>) semaphore(%arg9 : memref<!tpu.dma_semaphore, #tpu.memory_space<semaphore_mem>>)
    %dma_wait3A_37 = arith.constant 800 : i32
    %dma_wait3A_38 = tpu.memref_slice %arg5[%dma_wait3A_37] : memref<2000xi32, #tpu.memory_space<vmem>> -> memref<400xi32, #tpu.memory_space<vmem>>
    %dma_wait3A_39 = arith.constant 0 : i32
    %dma_wait3A_40 = arith.constant 0 : i32
    %dma_wait3A_41 = tpu.memref_slice %arg2[%dma_wait3A_39, %dma_wait3A_40] : memref<10000x128xf32, #tpu.memory_space<hbm>> -> memref<10000x128xf32, #tpu.memory_space<hbm>>
    tpu.wait_indirect_dma semaphore(%arg8 : memref<!tpu.dma_semaphore, #tpu.memory_space<semaphore_mem>>) src(%dma_wait3A_41 : memref<10000x128xf32, #tpu.memory_space<hbm>>) dst(%arg6 : memref<400x128xf32, #tpu.memory_space<vmem>>)
    %add3A_42 = arith.constant 800 : i32
    %add3A_43 = arith.addi %mul3A_2, %add3A_42 : i32
    "tpu.region"() ({
      %run_scoped3A = tpu.sem_alloc : memref<!tpu.dma_semaphore, #tpu.memory_space<semaphore_mem>>
      %dma_start3A_63 = arith.constant 0 : i32
      %dma_start3A_64 = tpu.memref_slice %arg4[%add3A_43, %dma_start3A_63] : memref<64000x128xf32, #tpu.memory_space<hbm>> -> memref<400x128xf32, #tpu.memory_space<hbm>>
      %dma_start3A_65 = arith.constant 0 : i32
      %dma_start3A_66 = tpu.memref_slice %arg4[%add3A_43, %dma_start3A_65] : memref<64000x128xf32, #tpu.memory_space<hbm>> -> memref<400x128xf32, #tpu.memory_space<hbm>>
      tpu.enqueue_dma source(%arg6 : memref<400x128xf32, #tpu.memory_space<vmem>>) target(%dma_start3A_66 : memref<400x128xf32, #tpu.memory_space<hbm>>) target_semaphore(%run_scoped3A : memref<!tpu.dma_semaphore, #tpu.memory_space<semaphore_mem>>)
      %dma_wait3A_67 = arith.constant 0 : i32
      %dma_wait3A_68 = tpu.memref_slice %arg4[%add3A_43, %dma_wait3A_67] : memref<64000x128xf32, #tpu.memory_space<hbm>> -> memref<400x128xf32, #tpu.memory_space<hbm>>
      %dma_wait3A_69 = arith.constant 0 : i32
      %dma_wait3A_70 = tpu.memref_slice %arg4[%add3A_43, %dma_wait3A_69] : memref<64000x128xf32, #tpu.memory_space<hbm>> -> memref<400x128xf32, #tpu.memory_space<hbm>>
      tpu.wait_dma2 semaphore(%run_scoped3A : memref<!tpu.dma_semaphore, #tpu.memory_space<semaphore_mem>>) src(%arg6 : memref<400x128xf32, #tpu.memory_space<vmem>>) dst(%dma_wait3A_70 : memref<400x128xf32, #tpu.memory_space<hbm>>)
      tpu.yield
    }) : () -> ()
    %dma_start3A_44 = arith.constant 1600 : i32
    %dma_start3A_45 = tpu.memref_slice %arg5[%dma_start3A_44] : memref<2000xi32, #tpu.memory_space<vmem>> -> memref<400xi32, #tpu.memory_space<vmem>>
    %dma_start3A_46 = arith.constant 0 : i32
    %dma_start3A_47 = arith.constant 0 : i32
    %dma_start3A_48 = tpu.memref_slice %arg2[%dma_start3A_46, %dma_start3A_47] : memref<10000x128xf32, #tpu.memory_space<hbm>> -> memref<10000x128xf32, #tpu.memory_space<hbm>>
    tpu.enqueue_indirect_dma source(%dma_start3A_48 : memref<10000x128xf32, #tpu.memory_space<hbm>>) target(%arg6 : memref<400x128xf32, #tpu.memory_space<vmem>>) offsets(%dma_start3A_45 : memref<400xi32, #tpu.memory_space<vmem>>) semaphore(%arg8 : memref<!tpu.dma_semaphore, #tpu.memory_space<semaphore_mem>>)
    %dma_wait3A_49 = arith.constant 1200 : i32
    %dma_wait3A_50 = tpu.memref_slice %arg5[%dma_wait3A_49] : memref<2000xi32, #tpu.memory_space<vmem>> -> memref<400xi32, #tpu.memory_space<vmem>>
    %dma_wait3A_51 = arith.constant 0 : i32
    %dma_wait3A_52 = arith.constant 0 : i32
    %dma_wait3A_53 = tpu.memref_slice %arg2[%dma_wait3A_51, %dma_wait3A_52] : memref<10000x128xf32, #tpu.memory_space<hbm>> -> memref<10000x128xf32, #tpu.memory_space<hbm>>
    tpu.wait_indirect_dma semaphore(%arg9 : memref<!tpu.dma_semaphore, #tpu.memory_space<semaphore_mem>>) src(%dma_wait3A_53 : memref<10000x128xf32, #tpu.memory_space<hbm>>) dst(%arg7 : memref<400x128xf32, #tpu.memory_space<vmem>>)
    %add3A_54 = arith.constant 1200 : i32
    %add3A_55 = arith.addi %mul3A_2, %add3A_54 : i32
    "tpu.region"() ({
      %run_scoped3A = tpu.sem_alloc : memref<!tpu.dma_semaphore, #tpu.memory_space<semaphore_mem>>
      %dma_start3A_63 = arith.constant 0 : i32
      %dma_start3A_64 = tpu.memref_slice %arg4[%add3A_55, %dma_start3A_63] : memref<64000x128xf32, #tpu.memory_space<hbm>> -> memref<400x128xf32, #tpu.memory_space<hbm>>
      %dma_start3A_65 = arith.constant 0 : i32
      %dma_start3A_66 = tpu.memref_slice %arg4[%add3A_55, %dma_start3A_65] : memref<64000x128xf32, #tpu.memory_space<hbm>> -> memref<400x128xf32, #tpu.memory_space<hbm>>
      tpu.enqueue_dma source(%arg7 : memref<400x128xf32, #tpu.memory_space<vmem>>) target(%dma_start3A_66 : memref<400x128xf32, #tpu.memory_space<hbm>>) target_semaphore(%run_scoped3A : memref<!tpu.dma_semaphore, #tpu.memory_space<semaphore_mem>>)
      %dma_wait3A_67 = arith.constant 0 : i32
      %dma_wait3A_68 = tpu.memref_slice %arg4[%add3A_55, %dma_wait3A_67] : memref<64000x128xf32, #tpu.memory_space<hbm>> -> memref<400x128xf32, #tpu.memory_space<hbm>>
      %dma_wait3A_69 = arith.constant 0 : i32
      %dma_wait3A_70 = tpu.memref_slice %arg4[%add3A_55, %dma_wait3A_69] : memref<64000x128xf32, #tpu.memory_space<hbm>> -> memref<400x128xf32, #tpu.memory_space<hbm>>
      tpu.wait_dma2 semaphore(%run_scoped3A : memref<!tpu.dma_semaphore, #tpu.memory_space<semaphore_mem>>) src(%arg7 : memref<400x128xf32, #tpu.memory_space<vmem>>) dst(%dma_wait3A_70 : memref<400x128xf32, #tpu.memory_space<hbm>>)
      tpu.yield
    }) : () -> ()
    %dma_wait3A_56 = arith.constant 1600 : i32
    %dma_wait3A_57 = tpu.memref_slice %arg5[%dma_wait3A_56] : memref<2000xi32, #tpu.memory_space<vmem>> -> memref<400xi32, #tpu.memory_space<vmem>>
    %dma_wait3A_58 = arith.constant 0 : i32
    %dma_wait3A_59 = arith.constant 0 : i32
    %dma_wait3A_60 = tpu.memref_slice %arg2[%dma_wait3A_58, %dma_wait3A_59] : memref<10000x128xf32, #tpu.memory_space<hbm>> -> memref<10000x128xf32, #tpu.memory_space<hbm>>
    tpu.wait_indirect_dma semaphore(%arg8 : memref<!tpu.dma_semaphore, #tpu.memory_space<semaphore_mem>>) src(%dma_wait3A_60 : memref<10000x128xf32, #tpu.memory_space<hbm>>) dst(%arg6 : memref<400x128xf32, #tpu.memory_space<vmem>>)
    %add3A_61 = arith.constant 1600 : i32
    %add3A_62 = arith.addi %mul3A_2, %add3A_61 : i32
    "tpu.region"() ({
      %run_scoped3A = tpu.sem_alloc : memref<!tpu.dma_semaphore, #tpu.memory_space<semaphore_mem>>
      %dma_start3A_63 = arith.constant 0 : i32
      %dma_start3A_64 = tpu.memref_slice %arg4[%add3A_62, %dma_start3A_63] : memref<64000x128xf32, #tpu.memory_space<hbm>> -> memref<400x128xf32, #tpu.memory_space<hbm>>
      %dma_start3A_65 = arith.constant 0 : i32
      %dma_start3A_66 = tpu.memref_slice %arg4[%add3A_62, %dma_start3A_65] : memref<64000x128xf32, #tpu.memory_space<hbm>> -> memref<400x128xf32, #tpu.memory_space<hbm>>
      tpu.enqueue_dma source(%arg6 : memref<400x128xf32, #tpu.memory_space<vmem>>) target(%dma_start3A_66 : memref<400x128xf32, #tpu.memory_space<hbm>>) target_semaphore(%run_scoped3A : memref<!tpu.dma_semaphore, #tpu.memory_space<semaphore_mem>>)
      %dma_wait3A_67 = arith.constant 0 : i32
      %dma_wait3A_68 = tpu.memref_slice %arg4[%add3A_62, %dma_wait3A_67] : memref<64000x128xf32, #tpu.memory_space<hbm>> -> memref<400x128xf32, #tpu.memory_space<hbm>>
      %dma_wait3A_69 = arith.constant 0 : i32
      %dma_wait3A_70 = tpu.memref_slice %arg4[%add3A_62, %dma_wait3A_69] : memref<64000x128xf32, #tpu.memory_space<hbm>> -> memref<400x128xf32, #tpu.memory_space<hbm>>
      tpu.wait_dma2 semaphore(%run_scoped3A : memref<!tpu.dma_semaphore, #tpu.memory_space<semaphore_mem>>) src(%arg6 : memref<400x128xf32, #tpu.memory_space<vmem>>) dst(%dma_wait3A_70 : memref<400x128xf32, #tpu.memory_space<hbm>>)
      tpu.yield
    }) : () -> ()
    return
  }
}

module attributes {stable_mosaic.version = 14 : i64} {
  func.func @_tc_body(%arg0: i32, %arg1: memref<200x128xf32, #tpu.memory_space<vmem>>, %arg2: memref<6400x128xf32, #tpu.memory_space<vmem>>, %arg3: memref<6400x16xf32, #tpu.memory_space<vmem>>, %arg4: memref<128x256xf32, #tpu.memory_space<vmem>>, %arg5: memref<144x256xf32, #tpu.memory_space<vmem>>, %arg6: memref<1x256xf32, #tpu.memory_space<vmem>>, %arg7: memref<1x128xf32, #tpu.memory_space<vmem>>, %arg8: memref<1x128xf32, #tpu.memory_space<vmem>>, %arg9: memref<200x128xf32, #tpu.memory_space<vmem>>) attributes {dimension_semantics = [#tpu.dimension_semantics<arbitrary>], iteration_bounds = array<i64: 2>, scalar_prefetch = 0 : i64, scratch_operands = 0 : i64, tpu.core_type = #tpu.core_type<tc>, window_params = [{transform_indices = @transform_0, window_bounds = array<i64: 200, 128>}, {transform_indices = @transform_1, window_bounds = array<i64: 6400, 128>}, {transform_indices = @transform_2, window_bounds = array<i64: 6400, 16>}, {pipeline_mode = #tpu.pipeline_mode<synchronous>, transform_indices = @transform_3, window_bounds = array<i64: 128, 256>}, {pipeline_mode = #tpu.pipeline_mode<synchronous>, transform_indices = @transform_4, window_bounds = array<i64: 144, 256>}, {pipeline_mode = #tpu.pipeline_mode<synchronous>, transform_indices = @transform_5, window_bounds = array<i64: 1, 256>}, {pipeline_mode = #tpu.pipeline_mode<synchronous>, transform_indices = @transform_6, window_bounds = array<i64: 1, 128>}, {pipeline_mode = #tpu.pipeline_mode<synchronous>, transform_indices = @transform_7, window_bounds = array<i64: 1, 128>}, {transform_indices = @transform_8, window_bounds = array<i64: 200, 128>}]} {
    %get3A = arith.constant 0 : index
    %get3A_0 = arith.constant 0 : index
    %get3A_1 = vector.load %arg1[%get3A, %get3A_0] : memref<200x128xf32, #tpu.memory_space<vmem>>, vector<200x128xf32>
    %get3A_2 = arith.constant 0 : index
    %get3A_3 = arith.constant 0 : index
    %get3A_4 = vector.load %arg4[%get3A_2, %get3A_3] : memref<128x256xf32, #tpu.memory_space<vmem>>, vector<128x256xf32>
    %dot_general3A = arith.constant dense<0.000000e+00> : vector<200x256xf32>
    %dot_general3A_5 = tpu.matmul %get3A_1, %get3A_4, %dot_general3A {dimension_numbers = #tpu.dot_dimension_numbers<[1], [0], [0], [1], [0, 0, 1, 1], [], []>, transpose_lhs_hint = false} : vector<200x128xf32>, vector<128x256xf32>, vector<200x256xf32> -> vector<200x256xf32>
    %get3A_6 = arith.constant 0 : index
    %get3A_7 = arith.constant 0 : index
    %get3A_8 = vector.load %arg6[%get3A_6, %get3A_7] : memref<1x256xf32, #tpu.memory_space<vmem>>, vector<1x256xf32>
    %add3A = vector.broadcast %get3A_8 : vector<1x256xf32> to vector<200x256xf32>
    %add3A_9 = arith.addf %dot_general3A_5, %add3A : vector<200x256xf32>
    %get3A_10 = arith.constant 0 : index
    %get3A_11 = arith.constant 0 : index
    %get3A_12 = vector.load %arg2[%get3A_10, %get3A_11] : memref<6400x128xf32, #tpu.memory_space<vmem>>, vector<6400x128xf32>
    %get3A_13 = arith.constant 0 : index
    %get3A_14 = arith.constant 0 : index
    %get3A_15 = vector.load %arg3[%get3A_13, %get3A_14] : memref<6400x16xf32, #tpu.memory_space<vmem>>, vector<6400x16xf32>
    %concatenate3A = tpu.concatenate %get3A_12, %get3A_15 in 1 : vector<6400x128xf32>, vector<6400x16xf32> -> vector<6400x144xf32>
    %get3A_16 = arith.constant 0 : index
    %get3A_17 = arith.constant 0 : index
    %get3A_18 = vector.load %arg5[%get3A_16, %get3A_17] : memref<144x256xf32, #tpu.memory_space<vmem>>, vector<144x256xf32>
    %dot_general3A_19 = arith.constant dense<0.000000e+00> : vector<6400x256xf32>
    %dot_general3A_20 = tpu.matmul %concatenate3A, %get3A_18, %dot_general3A_19 {dimension_numbers = #tpu.dot_dimension_numbers<[1], [0], [0], [1], [0, 0, 1, 1], [], []>, transpose_lhs_hint = false} : vector<6400x144xf32>, vector<144x256xf32>, vector<6400x256xf32> -> vector<6400x256xf32>
    %reshape3A = vector.shape_cast %dot_general3A_20 : vector<6400x256xf32> to vector<200x32x256xf32>
    %broadcast_in_dim3A = vector.shape_cast %add3A_9 : vector<200x256xf32> to vector<200x1x256xf32>
    %add3A_21 = vector.broadcast %broadcast_in_dim3A : vector<200x1x256xf32> to vector<200x32x256xf32>
    %add3A_22 = arith.addf %reshape3A, %add3A_21 : vector<200x32x256xf32>
    %slice3A = vector.extract_strided_slice %add3A_22 {offsets = [0, 0, 0], sizes = [200, 32, 128], strides = [1, 1, 1]} : vector<200x32x256xf32> to vector<200x32x128xf32>
    %tanh3A = math.tanh %slice3A : vector<200x32x128xf32>
    %slice3A_23 = vector.extract_strided_slice %add3A_22 {offsets = [0, 0, 128], sizes = [200, 32, 128], strides = [1, 1, 1]} : vector<200x32x256xf32> to vector<200x32x128xf32>
    %exp3A = math.exp %slice3A_23 : vector<200x32x128xf32>
    %log1p3A = math.log1p %exp3A : vector<200x32x128xf32>
    %add3A_24 = arith.constant 1.000000e+00 : f32
    %add3A_25 = vector.broadcast %add3A_24 : f32 to vector<200x32x128xf32>
    %add3A_26 = arith.addf %tanh3A, %add3A_25 : vector<200x32x128xf32>
    %mul3A = arith.mulf %add3A_26, %log1p3A : vector<200x32x128xf32>
    %reduce_sum3A = arith.constant dense<0.000000e+00> : vector<200x128xf32>
    %reduce_sum3A_27 = vector.multi_reduction <add>, %mul3A, %reduce_sum3A [1] : vector<200x32x128xf32> to vector<200x128xf32>
    %get3A_28 = arith.constant 0 : index
    %get3A_29 = arith.constant 0 : index
    %get3A_30 = vector.load %arg7[%get3A_28, %get3A_29] : memref<1x128xf32, #tpu.memory_space<vmem>>, vector<1x128xf32>
    %mul3A_31 = vector.broadcast %get3A_30 : vector<1x128xf32> to vector<200x128xf32>
    %mul3A_32 = arith.mulf %reduce_sum3A_27, %mul3A_31 : vector<200x128xf32>
    %get3A_33 = arith.constant 0 : index
    %get3A_34 = arith.constant 0 : index
    %get3A_35 = vector.load %arg8[%get3A_33, %get3A_34] : memref<1x128xf32, #tpu.memory_space<vmem>>, vector<1x128xf32>
    %add3A_36 = vector.broadcast %get3A_35 : vector<1x128xf32> to vector<200x128xf32>
    %add3A_37 = arith.addf %mul3A_32, %add3A_36 : vector<200x128xf32>
    %add3A_38 = arith.addf %get3A_1, %add3A_37 : vector<200x128xf32>
    %max3A = arith.constant 0.000000e+00 : f32
    %max3A_39 = vector.broadcast %max3A : f32 to vector<200x128xf32>
    %max3A_40 = arith.maximumf %add3A_38, %max3A_39 : vector<200x128xf32>
    %abs3A = math.absf %add3A_38 : vector<200x128xf32>
    %neg3A = arith.constant 0.000000e+00 : f32
    %neg3A_41 = vector.broadcast %neg3A : f32 to vector<200x128xf32>
    %neg3A_42 = arith.subf %neg3A_41, %abs3A : vector<200x128xf32>
    %exp3A_43 = math.exp %neg3A_42 : vector<200x128xf32>
    %log1p3A_44 = math.log1p %exp3A_43 : vector<200x128xf32>
    %add3A_45 = arith.addf %max3A_40, %log1p3A_44 : vector<200x128xf32>
    %swap3A = arith.constant 0 : index
    %swap3A_46 = arith.constant 0 : index
    %swap3A_47 = vector.load %arg9[%swap3A, %swap3A_46] : memref<200x128xf32, #tpu.memory_space<vmem>>, vector<200x128xf32>
    tpu.vector_store %arg9[%swap3A, %swap3A_46], %add3A_45 {strides = array<i32>} : memref<200x128xf32, #tpu.memory_space<vmem>>, vector<200x128xf32>,
    return
  }
  func.func @transform_0(%arg0: i32) -> (i32, i32) {
    %add3A = arith.constant 0 : i32
    %add3A_0 = arith.addi %add3A, %arg0 : i32
    %c0_i32 = arith.constant 0 : i32
    %c0_i32_1 = arith.constant 0 : i32
    return %add3A_0, %c0_i32 : i32, i32
  }
  func.func @transform_1(%arg0: i32) -> (i32, i32) {
    %c0_i32 = arith.constant 0 : i32
    %c0_i32_0 = arith.constant 0 : i32
    return %arg0, %c0_i32 : i32, i32
  }
  func.func @transform_2(%arg0: i32) -> (i32, i32) {
    %add3A = arith.constant 0 : i32
    %add3A_0 = arith.addi %add3A, %arg0 : i32
    %c0_i32 = arith.constant 0 : i32
    %c0_i32_1 = arith.constant 0 : i32
    return %add3A_0, %c0_i32 : i32, i32
  }
  func.func @transform_3(%arg0: i32) -> (i32, i32) {
    %c0_i32 = arith.constant 0 : i32
    %c0_i32_0 = arith.constant 0 : i32
    %c0_i32_1 = arith.constant 0 : i32
    return %c0_i32, %c0_i32_0 : i32, i32
  }
  func.func @transform_4(%arg0: i32) -> (i32, i32) {
    %c0_i32 = arith.constant 0 : i32
    %c0_i32_0 = arith.constant 0 : i32
    %c0_i32_1 = arith.constant 0 : i32
    return %c0_i32, %c0_i32_0 : i32, i32
  }
  func.func @transform_5(%arg0: i32) -> (i32, i32) {
    %c0_i32 = arith.constant 0 : i32
    %c0_i32_0 = arith.constant 0 : i32
    %c0_i32_1 = arith.constant 0 : i32
    return %c0_i32, %c0_i32_0 : i32, i32
  }
  func.func @transform_6(%arg0: i32) -> (i32, i32) {
    %c0_i32 = arith.constant 0 : i32
    %c0_i32_0 = arith.constant 0 : i32
    %c0_i32_1 = arith.constant 0 : i32
    return %c0_i32, %c0_i32_0 : i32, i32
  }
  func.func @transform_7(%arg0: i32) -> (i32, i32) {
    %c0_i32 = arith.constant 0 : i32
    %c0_i32_0 = arith.constant 0 : i32
    %c0_i32_1 = arith.constant 0 : i32
    return %c0_i32, %c0_i32_0 : i32, i32
  }
  func.func @transform_8(%arg0: i32) -> (i32, i32) {
    %c0_i32 = arith.constant 0 : i32
    %c0_i32_0 = arith.constant 0 : i32
    return %arg0, %c0_i32 : i32, i32
  }
}

module attributes {stable_mosaic.version = 14 : i64} {
  func.func @_tc_body(%arg0: i32, %arg1: memref<200x128xf32, #tpu.memory_space<vmem>>, %arg2: memref<6400x128xf32, #tpu.memory_space<vmem>>, %arg3: memref<6400x16xf32, #tpu.memory_space<vmem>>, %arg4: memref<128x256xf32, #tpu.memory_space<vmem>>, %arg5: memref<144x256xf32, #tpu.memory_space<vmem>>, %arg6: memref<1x256xf32, #tpu.memory_space<vmem>>, %arg7: memref<1x128xf32, #tpu.memory_space<vmem>>, %arg8: memref<1x128xf32, #tpu.memory_space<vmem>>, %arg9: memref<200x128xf32, #tpu.memory_space<vmem>>) attributes {dimension_semantics = [#tpu.dimension_semantics<arbitrary>], iteration_bounds = array<i64: 8>, scalar_prefetch = 0 : i64, scratch_operands = 0 : i64, tpu.core_type = #tpu.core_type<tc>, window_params = [{transform_indices = @transform_0, window_bounds = array<i64: 200, 128>}, {transform_indices = @transform_1, window_bounds = array<i64: 6400, 128>}, {transform_indices = @transform_2, window_bounds = array<i64: 6400, 16>}, {pipeline_mode = #tpu.pipeline_mode<synchronous>, transform_indices = @transform_3, window_bounds = array<i64: 128, 256>}, {pipeline_mode = #tpu.pipeline_mode<synchronous>, transform_indices = @transform_4, window_bounds = array<i64: 144, 256>}, {pipeline_mode = #tpu.pipeline_mode<synchronous>, transform_indices = @transform_5, window_bounds = array<i64: 1, 256>}, {pipeline_mode = #tpu.pipeline_mode<synchronous>, transform_indices = @transform_6, window_bounds = array<i64: 1, 128>}, {pipeline_mode = #tpu.pipeline_mode<synchronous>, transform_indices = @transform_7, window_bounds = array<i64: 1, 128>}, {transform_indices = @transform_8, window_bounds = array<i64: 200, 128>}]} {
    %get3A = arith.constant 0 : index
    %get3A_0 = arith.constant 0 : index
    %get3A_1 = vector.load %arg1[%get3A, %get3A_0] : memref<200x128xf32, #tpu.memory_space<vmem>>, vector<200x128xf32>
    %get3A_2 = arith.constant 0 : index
    %get3A_3 = arith.constant 0 : index
    %get3A_4 = vector.load %arg4[%get3A_2, %get3A_3] : memref<128x256xf32, #tpu.memory_space<vmem>>, vector<128x256xf32>
    %dot_general3A = arith.constant dense<0.000000e+00> : vector<200x256xf32>
    %dot_general3A_5 = tpu.matmul %get3A_1, %get3A_4, %dot_general3A {dimension_numbers = #tpu.dot_dimension_numbers<[1], [0], [0], [1], [0, 0, 1, 1], [], []>, transpose_lhs_hint = false} : vector<200x128xf32>, vector<128x256xf32>, vector<200x256xf32> -> vector<200x256xf32>
    %get3A_6 = arith.constant 0 : index
    %get3A_7 = arith.constant 0 : index
    %get3A_8 = vector.load %arg6[%get3A_6, %get3A_7] : memref<1x256xf32, #tpu.memory_space<vmem>>, vector<1x256xf32>
    %add3A = vector.broadcast %get3A_8 : vector<1x256xf32> to vector<200x256xf32>
    %add3A_9 = arith.addf %dot_general3A_5, %add3A : vector<200x256xf32>
    %get3A_10 = arith.constant 0 : index
    %get3A_11 = arith.constant 0 : index
    %get3A_12 = vector.load %arg2[%get3A_10, %get3A_11] : memref<6400x128xf32, #tpu.memory_space<vmem>>, vector<6400x128xf32>
    %get3A_13 = arith.constant 0 : index
    %get3A_14 = arith.constant 0 : index
    %get3A_15 = vector.load %arg3[%get3A_13, %get3A_14] : memref<6400x16xf32, #tpu.memory_space<vmem>>, vector<6400x16xf32>
    %concatenate3A = tpu.concatenate %get3A_12, %get3A_15 in 1 : vector<6400x128xf32>, vector<6400x16xf32> -> vector<6400x144xf32>
    %get3A_16 = arith.constant 0 : index
    %get3A_17 = arith.constant 0 : index
    %get3A_18 = vector.load %arg5[%get3A_16, %get3A_17] : memref<144x256xf32, #tpu.memory_space<vmem>>, vector<144x256xf32>
    %dot_general3A_19 = arith.constant dense<0.000000e+00> : vector<6400x256xf32>
    %dot_general3A_20 = tpu.matmul %concatenate3A, %get3A_18, %dot_general3A_19 {dimension_numbers = #tpu.dot_dimension_numbers<[1], [0], [0], [1], [0, 0, 1, 1], [], []>, transpose_lhs_hint = false} : vector<6400x144xf32>, vector<144x256xf32>, vector<6400x256xf32> -> vector<6400x256xf32>
    %reshape3A = vector.shape_cast %dot_general3A_20 : vector<6400x256xf32> to vector<200x32x256xf32>
    %broadcast_in_dim3A = vector.shape_cast %add3A_9 : vector<200x256xf32> to vector<200x1x256xf32>
    %add3A_21 = vector.broadcast %broadcast_in_dim3A : vector<200x1x256xf32> to vector<200x32x256xf32>
    %add3A_22 = arith.addf %reshape3A, %add3A_21 : vector<200x32x256xf32>
    %slice3A = vector.extract_strided_slice %add3A_22 {offsets = [0, 0, 0], sizes = [200, 32, 128], strides = [1, 1, 1]} : vector<200x32x256xf32> to vector<200x32x128xf32>
    %tanh3A = math.tanh %slice3A : vector<200x32x128xf32>
    %slice3A_23 = vector.extract_strided_slice %add3A_22 {offsets = [0, 0, 128], sizes = [200, 32, 128], strides = [1, 1, 1]} : vector<200x32x256xf32> to vector<200x32x128xf32>
    %exp3A = math.exp %slice3A_23 : vector<200x32x128xf32>
    %log1p3A = math.log1p %exp3A : vector<200x32x128xf32>
    %add3A_24 = arith.constant 1.000000e+00 : f32
    %add3A_25 = vector.broadcast %add3A_24 : f32 to vector<200x32x128xf32>
    %add3A_26 = arith.addf %tanh3A, %add3A_25 : vector<200x32x128xf32>
    %mul3A = arith.mulf %add3A_26, %log1p3A : vector<200x32x128xf32>
    %reduce_sum3A = arith.constant dense<0.000000e+00> : vector<200x128xf32>
    %reduce_sum3A_27 = vector.multi_reduction <add>, %mul3A, %reduce_sum3A [1] : vector<200x32x128xf32> to vector<200x128xf32>
    %get3A_28 = arith.constant 0 : index
    %get3A_29 = arith.constant 0 : index
    %get3A_30 = vector.load %arg7[%get3A_28, %get3A_29] : memref<1x128xf32, #tpu.memory_space<vmem>>, vector<1x128xf32>
    %mul3A_31 = vector.broadcast %get3A_30 : vector<1x128xf32> to vector<200x128xf32>
    %mul3A_32 = arith.mulf %reduce_sum3A_27, %mul3A_31 : vector<200x128xf32>
    %get3A_33 = arith.constant 0 : index
    %get3A_34 = arith.constant 0 : index
    %get3A_35 = vector.load %arg8[%get3A_33, %get3A_34] : memref<1x128xf32, #tpu.memory_space<vmem>>, vector<1x128xf32>
    %add3A_36 = vector.broadcast %get3A_35 : vector<1x128xf32> to vector<200x128xf32>
    %add3A_37 = arith.addf %mul3A_32, %add3A_36 : vector<200x128xf32>
    %add3A_38 = arith.addf %get3A_1, %add3A_37 : vector<200x128xf32>
    %max3A = arith.constant 0.000000e+00 : f32
    %max3A_39 = vector.broadcast %max3A : f32 to vector<200x128xf32>
    %max3A_40 = arith.maximumf %add3A_38, %max3A_39 : vector<200x128xf32>
    %abs3A = math.absf %add3A_38 : vector<200x128xf32>
    %neg3A = arith.constant 0.000000e+00 : f32
    %neg3A_41 = vector.broadcast %neg3A : f32 to vector<200x128xf32>
    %neg3A_42 = arith.subf %neg3A_41, %abs3A : vector<200x128xf32>
    %exp3A_43 = math.exp %neg3A_42 : vector<200x128xf32>
    %log1p3A_44 = math.log1p %exp3A_43 : vector<200x128xf32>
    %add3A_45 = arith.addf %max3A_40, %log1p3A_44 : vector<200x128xf32>
    %swap3A = arith.constant 0 : index
    %swap3A_46 = arith.constant 0 : index
    %swap3A_47 = vector.load %arg9[%swap3A, %swap3A_46] : memref<200x128xf32, #tpu.memory_space<vmem>>, vector<200x128xf32>
    tpu.vector_store %arg9[%swap3A, %swap3A_46], %add3A_45 {strides = array<i32>} : memref<200x128xf32, #tpu.memory_space<vmem>>, vector<200x128xf32>,
    return
  }
  func.func @transform_0(%arg0: i32) -> (i32, i32) {
    %add3A = arith.constant 2 : i32
    %add3A_0 = arith.addi %add3A, %arg0 : i32
    %c0_i32 = arith.constant 0 : i32
    %c0_i32_1 = arith.constant 0 : i32
    return %add3A_0, %c0_i32 : i32, i32
  }
  func.func @transform_1(%arg0: i32) -> (i32, i32) {
    %c0_i32 = arith.constant 0 : i32
    %c0_i32_0 = arith.constant 0 : i32
    return %arg0, %c0_i32 : i32, i32
  }
  func.func @transform_2(%arg0: i32) -> (i32, i32) {
    %add3A = arith.constant 2 : i32
    %add3A_0 = arith.addi %add3A, %arg0 : i32
    %c0_i32 = arith.constant 0 : i32
    %c0_i32_1 = arith.constant 0 : i32
    return %add3A_0, %c0_i32 : i32, i32
  }
  func.func @transform_3(%arg0: i32) -> (i32, i32) {
    %c0_i32 = arith.constant 0 : i32
    %c0_i32_0 = arith.constant 0 : i32
    %c0_i32_1 = arith.constant 0 : i32
    return %c0_i32, %c0_i32_0 : i32, i32
  }
  func.func @transform_4(%arg0: i32) -> (i32, i32) {
    %c0_i32 = arith.constant 0 : i32
    %c0_i32_0 = arith.constant 0 : i32
    %c0_i32_1 = arith.constant 0 : i32
    return %c0_i32, %c0_i32_0 : i32, i32
  }
  func.func @transform_5(%arg0: i32) -> (i32, i32) {
    %c0_i32 = arith.constant 0 : i32
    %c0_i32_0 = arith.constant 0 : i32
    %c0_i32_1 = arith.constant 0 : i32
    return %c0_i32, %c0_i32_0 : i32, i32
  }
  func.func @transform_6(%arg0: i32) -> (i32, i32) {
    %c0_i32 = arith.constant 0 : i32
    %c0_i32_0 = arith.constant 0 : i32
    %c0_i32_1 = arith.constant 0 : i32
    return %c0_i32, %c0_i32_0 : i32, i32
  }
  func.func @transform_7(%arg0: i32) -> (i32, i32) {
    %c0_i32 = arith.constant 0 : i32
    %c0_i32_0 = arith.constant 0 : i32
    %c0_i32_1 = arith.constant 0 : i32
    return %c0_i32, %c0_i32_0 : i32, i32
  }
  func.func @transform_8(%arg0: i32) -> (i32, i32) {
    %c0_i32 = arith.constant 0 : i32
    %c0_i32_0 = arith.constant 0 : i32
    return %arg0, %c0_i32 : i32, i32
  }
}

module attributes {stable_mosaic.version = 14 : i64} {
  func.func @_tc_body(%arg0: i32, %arg1: memref<200x128xf32, #tpu.memory_space<vmem>>, %arg2: memref<6400x128xf32, #tpu.memory_space<vmem>>, %arg3: memref<6400x16xf32, #tpu.memory_space<vmem>>, %arg4: memref<128x256xf32, #tpu.memory_space<vmem>>, %arg5: memref<144x256xf32, #tpu.memory_space<vmem>>, %arg6: memref<1x256xf32, #tpu.memory_space<vmem>>, %arg7: memref<1x128xf32, #tpu.memory_space<vmem>>, %arg8: memref<1x128xf32, #tpu.memory_space<vmem>>, %arg9: memref<200x128xf32, #tpu.memory_space<vmem>>) attributes {dimension_semantics = [#tpu.dimension_semantics<arbitrary>], iteration_bounds = array<i64: 10>, scalar_prefetch = 0 : i64, scratch_operands = 0 : i64, tpu.core_type = #tpu.core_type<tc>, window_params = [{transform_indices = @transform_0, window_bounds = array<i64: 200, 128>}, {transform_indices = @transform_1, window_bounds = array<i64: 6400, 128>}, {transform_indices = @transform_2, window_bounds = array<i64: 6400, 16>}, {pipeline_mode = #tpu.pipeline_mode<synchronous>, transform_indices = @transform_3, window_bounds = array<i64: 128, 256>}, {pipeline_mode = #tpu.pipeline_mode<synchronous>, transform_indices = @transform_4, window_bounds = array<i64: 144, 256>}, {pipeline_mode = #tpu.pipeline_mode<synchronous>, transform_indices = @transform_5, window_bounds = array<i64: 1, 256>}, {pipeline_mode = #tpu.pipeline_mode<synchronous>, transform_indices = @transform_6, window_bounds = array<i64: 1, 128>}, {pipeline_mode = #tpu.pipeline_mode<synchronous>, transform_indices = @transform_7, window_bounds = array<i64: 1, 128>}, {transform_indices = @transform_8, window_bounds = array<i64: 200, 128>}]} {
    %get3A = arith.constant 0 : index
    %get3A_0 = arith.constant 0 : index
    %get3A_1 = vector.load %arg1[%get3A, %get3A_0] : memref<200x128xf32, #tpu.memory_space<vmem>>, vector<200x128xf32>
    %get3A_2 = arith.constant 0 : index
    %get3A_3 = arith.constant 0 : index
    %get3A_4 = vector.load %arg4[%get3A_2, %get3A_3] : memref<128x256xf32, #tpu.memory_space<vmem>>, vector<128x256xf32>
    %dot_general3A = arith.constant dense<0.000000e+00> : vector<200x256xf32>
    %dot_general3A_5 = tpu.matmul %get3A_1, %get3A_4, %dot_general3A {dimension_numbers = #tpu.dot_dimension_numbers<[1], [0], [0], [1], [0, 0, 1, 1], [], []>, transpose_lhs_hint = false} : vector<200x128xf32>, vector<128x256xf32>, vector<200x256xf32> -> vector<200x256xf32>
    %get3A_6 = arith.constant 0 : index
    %get3A_7 = arith.constant 0 : index
    %get3A_8 = vector.load %arg6[%get3A_6, %get3A_7] : memref<1x256xf32, #tpu.memory_space<vmem>>, vector<1x256xf32>
    %add3A = vector.broadcast %get3A_8 : vector<1x256xf32> to vector<200x256xf32>
    %add3A_9 = arith.addf %dot_general3A_5, %add3A : vector<200x256xf32>
    %get3A_10 = arith.constant 0 : index
    %get3A_11 = arith.constant 0 : index
    %get3A_12 = vector.load %arg2[%get3A_10, %get3A_11] : memref<6400x128xf32, #tpu.memory_space<vmem>>, vector<6400x128xf32>
    %get3A_13 = arith.constant 0 : index
    %get3A_14 = arith.constant 0 : index
    %get3A_15 = vector.load %arg3[%get3A_13, %get3A_14] : memref<6400x16xf32, #tpu.memory_space<vmem>>, vector<6400x16xf32>
    %concatenate3A = tpu.concatenate %get3A_12, %get3A_15 in 1 : vector<6400x128xf32>, vector<6400x16xf32> -> vector<6400x144xf32>
    %get3A_16 = arith.constant 0 : index
    %get3A_17 = arith.constant 0 : index
    %get3A_18 = vector.load %arg5[%get3A_16, %get3A_17] : memref<144x256xf32, #tpu.memory_space<vmem>>, vector<144x256xf32>
    %dot_general3A_19 = arith.constant dense<0.000000e+00> : vector<6400x256xf32>
    %dot_general3A_20 = tpu.matmul %concatenate3A, %get3A_18, %dot_general3A_19 {dimension_numbers = #tpu.dot_dimension_numbers<[1], [0], [0], [1], [0, 0, 1, 1], [], []>, transpose_lhs_hint = false} : vector<6400x144xf32>, vector<144x256xf32>, vector<6400x256xf32> -> vector<6400x256xf32>
    %reshape3A = vector.shape_cast %dot_general3A_20 : vector<6400x256xf32> to vector<200x32x256xf32>
    %broadcast_in_dim3A = vector.shape_cast %add3A_9 : vector<200x256xf32> to vector<200x1x256xf32>
    %add3A_21 = vector.broadcast %broadcast_in_dim3A : vector<200x1x256xf32> to vector<200x32x256xf32>
    %add3A_22 = arith.addf %reshape3A, %add3A_21 : vector<200x32x256xf32>
    %slice3A = vector.extract_strided_slice %add3A_22 {offsets = [0, 0, 0], sizes = [200, 32, 128], strides = [1, 1, 1]} : vector<200x32x256xf32> to vector<200x32x128xf32>
    %tanh3A = math.tanh %slice3A : vector<200x32x128xf32>
    %slice3A_23 = vector.extract_strided_slice %add3A_22 {offsets = [0, 0, 128], sizes = [200, 32, 128], strides = [1, 1, 1]} : vector<200x32x256xf32> to vector<200x32x128xf32>
    %exp3A = math.exp %slice3A_23 : vector<200x32x128xf32>
    %log1p3A = math.log1p %exp3A : vector<200x32x128xf32>
    %add3A_24 = arith.constant 1.000000e+00 : f32
    %add3A_25 = vector.broadcast %add3A_24 : f32 to vector<200x32x128xf32>
    %add3A_26 = arith.addf %tanh3A, %add3A_25 : vector<200x32x128xf32>
    %mul3A = arith.mulf %add3A_26, %log1p3A : vector<200x32x128xf32>
    %reduce_sum3A = arith.constant dense<0.000000e+00> : vector<200x128xf32>
    %reduce_sum3A_27 = vector.multi_reduction <add>, %mul3A, %reduce_sum3A [1] : vector<200x32x128xf32> to vector<200x128xf32>
    %get3A_28 = arith.constant 0 : index
    %get3A_29 = arith.constant 0 : index
    %get3A_30 = vector.load %arg7[%get3A_28, %get3A_29] : memref<1x128xf32, #tpu.memory_space<vmem>>, vector<1x128xf32>
    %mul3A_31 = vector.broadcast %get3A_30 : vector<1x128xf32> to vector<200x128xf32>
    %mul3A_32 = arith.mulf %reduce_sum3A_27, %mul3A_31 : vector<200x128xf32>
    %get3A_33 = arith.constant 0 : index
    %get3A_34 = arith.constant 0 : index
    %get3A_35 = vector.load %arg8[%get3A_33, %get3A_34] : memref<1x128xf32, #tpu.memory_space<vmem>>, vector<1x128xf32>
    %add3A_36 = vector.broadcast %get3A_35 : vector<1x128xf32> to vector<200x128xf32>
    %add3A_37 = arith.addf %mul3A_32, %add3A_36 : vector<200x128xf32>
    %add3A_38 = arith.addf %get3A_1, %add3A_37 : vector<200x128xf32>
    %max3A = arith.constant 0.000000e+00 : f32
    %max3A_39 = vector.broadcast %max3A : f32 to vector<200x128xf32>
    %max3A_40 = arith.maximumf %add3A_38, %max3A_39 : vector<200x128xf32>
    %abs3A = math.absf %add3A_38 : vector<200x128xf32>
    %neg3A = arith.constant 0.000000e+00 : f32
    %neg3A_41 = vector.broadcast %neg3A : f32 to vector<200x128xf32>
    %neg3A_42 = arith.subf %neg3A_41, %abs3A : vector<200x128xf32>
    %exp3A_43 = math.exp %neg3A_42 : vector<200x128xf32>
    %log1p3A_44 = math.log1p %exp3A_43 : vector<200x128xf32>
    %add3A_45 = arith.addf %max3A_40, %log1p3A_44 : vector<200x128xf32>
    %swap3A = arith.constant 0 : index
    %swap3A_46 = arith.constant 0 : index
    %swap3A_47 = vector.load %arg9[%swap3A, %swap3A_46] : memref<200x128xf32, #tpu.memory_space<vmem>>, vector<200x128xf32>
    tpu.vector_store %arg9[%swap3A, %swap3A_46], %add3A_45 {strides = array<i32>} : memref<200x128xf32, #tpu.memory_space<vmem>>, vector<200x128xf32>,
    return
  }
  func.func @transform_0(%arg0: i32) -> (i32, i32) {
    %add3A = arith.constant 10 : i32
    %add3A_0 = arith.addi %add3A, %arg0 : i32
    %c0_i32 = arith.constant 0 : i32
    %c0_i32_1 = arith.constant 0 : i32
    return %add3A_0, %c0_i32 : i32, i32
  }
  func.func @transform_1(%arg0: i32) -> (i32, i32) {
    %c0_i32 = arith.constant 0 : i32
    %c0_i32_0 = arith.constant 0 : i32
    return %arg0, %c0_i32 : i32, i32
  }
  func.func @transform_2(%arg0: i32) -> (i32, i32) {
    %add3A = arith.constant 10 : i32
    %add3A_0 = arith.addi %add3A, %arg0 : i32
    %c0_i32 = arith.constant 0 : i32
    %c0_i32_1 = arith.constant 0 : i32
    return %add3A_0, %c0_i32 : i32, i32
  }
  func.func @transform_3(%arg0: i32) -> (i32, i32) {
    %c0_i32 = arith.constant 0 : i32
    %c0_i32_0 = arith.constant 0 : i32
    %c0_i32_1 = arith.constant 0 : i32
    return %c0_i32, %c0_i32_0 : i32, i32
  }
  func.func @transform_4(%arg0: i32) -> (i32, i32) {
    %c0_i32 = arith.constant 0 : i32
    %c0_i32_0 = arith.constant 0 : i32
    %c0_i32_1 = arith.constant 0 : i32
    return %c0_i32, %c0_i32_0 : i32, i32
  }
  func.func @transform_5(%arg0: i32) -> (i32, i32) {
    %c0_i32 = arith.constant 0 : i32
    %c0_i32_0 = arith.constant 0 : i32
    %c0_i32_1 = arith.constant 0 : i32
    return %c0_i32, %c0_i32_0 : i32, i32
  }
  func.func @transform_6(%arg0: i32) -> (i32, i32) {
    %c0_i32 = arith.constant 0 : i32
    %c0_i32_0 = arith.constant 0 : i32
    %c0_i32_1 = arith.constant 0 : i32
    return %c0_i32, %c0_i32_0 : i32, i32
  }
  func.func @transform_7(%arg0: i32) -> (i32, i32) {
    %c0_i32 = arith.constant 0 : i32
    %c0_i32_0 = arith.constant 0 : i32
    %c0_i32_1 = arith.constant 0 : i32
    return %c0_i32, %c0_i32_0 : i32, i32
  }
  func.func @transform_8(%arg0: i32) -> (i32, i32) {
    %c0_i32 = arith.constant 0 : i32
    %c0_i32_0 = arith.constant 0 : i32
    return %arg0, %c0_i32 : i32, i32
  }
}

module attributes {stable_mosaic.version = 14 : i64} {
  func.func @_tc_body(%arg0: i32, %arg1: memref<200x128xf32, #tpu.memory_space<vmem>>, %arg2: memref<6400x128xf32, #tpu.memory_space<vmem>>, %arg3: memref<6400x16xf32, #tpu.memory_space<vmem>>, %arg4: memref<128x256xf32, #tpu.memory_space<vmem>>, %arg5: memref<144x256xf32, #tpu.memory_space<vmem>>, %arg6: memref<1x256xf32, #tpu.memory_space<vmem>>, %arg7: memref<1x128xf32, #tpu.memory_space<vmem>>, %arg8: memref<1x128xf32, #tpu.memory_space<vmem>>, %arg9: memref<200x128xf32, #tpu.memory_space<vmem>>) attributes {dimension_semantics = [#tpu.dimension_semantics<arbitrary>], iteration_bounds = array<i64: 10>, scalar_prefetch = 0 : i64, scratch_operands = 0 : i64, tpu.core_type = #tpu.core_type<tc>, window_params = [{transform_indices = @transform_0, window_bounds = array<i64: 200, 128>}, {transform_indices = @transform_1, window_bounds = array<i64: 6400, 128>}, {transform_indices = @transform_2, window_bounds = array<i64: 6400, 16>}, {pipeline_mode = #tpu.pipeline_mode<synchronous>, transform_indices = @transform_3, window_bounds = array<i64: 128, 256>}, {pipeline_mode = #tpu.pipeline_mode<synchronous>, transform_indices = @transform_4, window_bounds = array<i64: 144, 256>}, {pipeline_mode = #tpu.pipeline_mode<synchronous>, transform_indices = @transform_5, window_bounds = array<i64: 1, 256>}, {pipeline_mode = #tpu.pipeline_mode<synchronous>, transform_indices = @transform_6, window_bounds = array<i64: 1, 128>}, {pipeline_mode = #tpu.pipeline_mode<synchronous>, transform_indices = @transform_7, window_bounds = array<i64: 1, 128>}, {transform_indices = @transform_8, window_bounds = array<i64: 200, 128>}]} {
    %get3A = arith.constant 0 : index
    %get3A_0 = arith.constant 0 : index
    %get3A_1 = vector.load %arg1[%get3A, %get3A_0] : memref<200x128xf32, #tpu.memory_space<vmem>>, vector<200x128xf32>
    %get3A_2 = arith.constant 0 : index
    %get3A_3 = arith.constant 0 : index
    %get3A_4 = vector.load %arg4[%get3A_2, %get3A_3] : memref<128x256xf32, #tpu.memory_space<vmem>>, vector<128x256xf32>
    %dot_general3A = arith.constant dense<0.000000e+00> : vector<200x256xf32>
    %dot_general3A_5 = tpu.matmul %get3A_1, %get3A_4, %dot_general3A {dimension_numbers = #tpu.dot_dimension_numbers<[1], [0], [0], [1], [0, 0, 1, 1], [], []>, transpose_lhs_hint = false} : vector<200x128xf32>, vector<128x256xf32>, vector<200x256xf32> -> vector<200x256xf32>
    %get3A_6 = arith.constant 0 : index
    %get3A_7 = arith.constant 0 : index
    %get3A_8 = vector.load %arg6[%get3A_6, %get3A_7] : memref<1x256xf32, #tpu.memory_space<vmem>>, vector<1x256xf32>
    %add3A = vector.broadcast %get3A_8 : vector<1x256xf32> to vector<200x256xf32>
    %add3A_9 = arith.addf %dot_general3A_5, %add3A : vector<200x256xf32>
    %get3A_10 = arith.constant 0 : index
    %get3A_11 = arith.constant 0 : index
    %get3A_12 = vector.load %arg2[%get3A_10, %get3A_11] : memref<6400x128xf32, #tpu.memory_space<vmem>>, vector<6400x128xf32>
    %get3A_13 = arith.constant 0 : index
    %get3A_14 = arith.constant 0 : index
    %get3A_15 = vector.load %arg3[%get3A_13, %get3A_14] : memref<6400x16xf32, #tpu.memory_space<vmem>>, vector<6400x16xf32>
    %concatenate3A = tpu.concatenate %get3A_12, %get3A_15 in 1 : vector<6400x128xf32>, vector<6400x16xf32> -> vector<6400x144xf32>
    %get3A_16 = arith.constant 0 : index
    %get3A_17 = arith.constant 0 : index
    %get3A_18 = vector.load %arg5[%get3A_16, %get3A_17] : memref<144x256xf32, #tpu.memory_space<vmem>>, vector<144x256xf32>
    %dot_general3A_19 = arith.constant dense<0.000000e+00> : vector<6400x256xf32>
    %dot_general3A_20 = tpu.matmul %concatenate3A, %get3A_18, %dot_general3A_19 {dimension_numbers = #tpu.dot_dimension_numbers<[1], [0], [0], [1], [0, 0, 1, 1], [], []>, transpose_lhs_hint = false} : vector<6400x144xf32>, vector<144x256xf32>, vector<6400x256xf32> -> vector<6400x256xf32>
    %reshape3A = vector.shape_cast %dot_general3A_20 : vector<6400x256xf32> to vector<200x32x256xf32>
    %broadcast_in_dim3A = vector.shape_cast %add3A_9 : vector<200x256xf32> to vector<200x1x256xf32>
    %add3A_21 = vector.broadcast %broadcast_in_dim3A : vector<200x1x256xf32> to vector<200x32x256xf32>
    %add3A_22 = arith.addf %reshape3A, %add3A_21 : vector<200x32x256xf32>
    %slice3A = vector.extract_strided_slice %add3A_22 {offsets = [0, 0, 0], sizes = [200, 32, 128], strides = [1, 1, 1]} : vector<200x32x256xf32> to vector<200x32x128xf32>
    %tanh3A = math.tanh %slice3A : vector<200x32x128xf32>
    %slice3A_23 = vector.extract_strided_slice %add3A_22 {offsets = [0, 0, 128], sizes = [200, 32, 128], strides = [1, 1, 1]} : vector<200x32x256xf32> to vector<200x32x128xf32>
    %exp3A = math.exp %slice3A_23 : vector<200x32x128xf32>
    %log1p3A = math.log1p %exp3A : vector<200x32x128xf32>
    %add3A_24 = arith.constant 1.000000e+00 : f32
    %add3A_25 = vector.broadcast %add3A_24 : f32 to vector<200x32x128xf32>
    %add3A_26 = arith.addf %tanh3A, %add3A_25 : vector<200x32x128xf32>
    %mul3A = arith.mulf %add3A_26, %log1p3A : vector<200x32x128xf32>
    %reduce_sum3A = arith.constant dense<0.000000e+00> : vector<200x128xf32>
    %reduce_sum3A_27 = vector.multi_reduction <add>, %mul3A, %reduce_sum3A [1] : vector<200x32x128xf32> to vector<200x128xf32>
    %get3A_28 = arith.constant 0 : index
    %get3A_29 = arith.constant 0 : index
    %get3A_30 = vector.load %arg7[%get3A_28, %get3A_29] : memref<1x128xf32, #tpu.memory_space<vmem>>, vector<1x128xf32>
    %mul3A_31 = vector.broadcast %get3A_30 : vector<1x128xf32> to vector<200x128xf32>
    %mul3A_32 = arith.mulf %reduce_sum3A_27, %mul3A_31 : vector<200x128xf32>
    %get3A_33 = arith.constant 0 : index
    %get3A_34 = arith.constant 0 : index
    %get3A_35 = vector.load %arg8[%get3A_33, %get3A_34] : memref<1x128xf32, #tpu.memory_space<vmem>>, vector<1x128xf32>
    %add3A_36 = vector.broadcast %get3A_35 : vector<1x128xf32> to vector<200x128xf32>
    %add3A_37 = arith.addf %mul3A_32, %add3A_36 : vector<200x128xf32>
    %add3A_38 = arith.addf %get3A_1, %add3A_37 : vector<200x128xf32>
    %max3A = arith.constant 0.000000e+00 : f32
    %max3A_39 = vector.broadcast %max3A : f32 to vector<200x128xf32>
    %max3A_40 = arith.maximumf %add3A_38, %max3A_39 : vector<200x128xf32>
    %abs3A = math.absf %add3A_38 : vector<200x128xf32>
    %neg3A = arith.constant 0.000000e+00 : f32
    %neg3A_41 = vector.broadcast %neg3A : f32 to vector<200x128xf32>
    %neg3A_42 = arith.subf %neg3A_41, %abs3A : vector<200x128xf32>
    %exp3A_43 = math.exp %neg3A_42 : vector<200x128xf32>
    %log1p3A_44 = math.log1p %exp3A_43 : vector<200x128xf32>
    %add3A_45 = arith.addf %max3A_40, %log1p3A_44 : vector<200x128xf32>
    %swap3A = arith.constant 0 : index
    %swap3A_46 = arith.constant 0 : index
    %swap3A_47 = vector.load %arg9[%swap3A, %swap3A_46] : memref<200x128xf32, #tpu.memory_space<vmem>>, vector<200x128xf32>
    tpu.vector_store %arg9[%swap3A, %swap3A_46], %add3A_45 {strides = array<i32>} : memref<200x128xf32, #tpu.memory_space<vmem>>, vector<200x128xf32>,
    return
  }
  func.func @transform_0(%arg0: i32) -> (i32, i32) {
    %add3A = arith.constant 20 : i32
    %add3A_0 = arith.addi %add3A, %arg0 : i32
    %c0_i32 = arith.constant 0 : i32
    %c0_i32_1 = arith.constant 0 : i32
    return %add3A_0, %c0_i32 : i32, i32
  }
  func.func @transform_1(%arg0: i32) -> (i32, i32) {
    %c0_i32 = arith.constant 0 : i32
    %c0_i32_0 = arith.constant 0 : i32
    return %arg0, %c0_i32 : i32, i32
  }
  func.func @transform_2(%arg0: i32) -> (i32, i32) {
    %add3A = arith.constant 20 : i32
    %add3A_0 = arith.addi %add3A, %arg0 : i32
    %c0_i32 = arith.constant 0 : i32
    %c0_i32_1 = arith.constant 0 : i32
    return %add3A_0, %c0_i32 : i32, i32
  }
  func.func @transform_3(%arg0: i32) -> (i32, i32) {
    %c0_i32 = arith.constant 0 : i32
    %c0_i32_0 = arith.constant 0 : i32
    %c0_i32_1 = arith.constant 0 : i32
    return %c0_i32, %c0_i32_0 : i32, i32
  }
  func.func @transform_4(%arg0: i32) -> (i32, i32) {
    %c0_i32 = arith.constant 0 : i32
    %c0_i32_0 = arith.constant 0 : i32
    %c0_i32_1 = arith.constant 0 : i32
    return %c0_i32, %c0_i32_0 : i32, i32
  }
  func.func @transform_5(%arg0: i32) -> (i32, i32) {
    %c0_i32 = arith.constant 0 : i32
    %c0_i32_0 = arith.constant 0 : i32
    %c0_i32_1 = arith.constant 0 : i32
    return %c0_i32, %c0_i32_0 : i32, i32
  }
  func.func @transform_6(%arg0: i32) -> (i32, i32) {
    %c0_i32 = arith.constant 0 : i32
    %c0_i32_0 = arith.constant 0 : i32
    %c0_i32_1 = arith.constant 0 : i32
    return %c0_i32, %c0_i32_0 : i32, i32
  }
  func.func @transform_7(%arg0: i32) -> (i32, i32) {
    %c0_i32 = arith.constant 0 : i32
    %c0_i32_0 = arith.constant 0 : i32
    %c0_i32_1 = arith.constant 0 : i32
    return %c0_i32, %c0_i32_0 : i32, i32
  }
  func.func @transform_8(%arg0: i32) -> (i32, i32) {
    %c0_i32 = arith.constant 0 : i32
    %c0_i32_0 = arith.constant 0 : i32
    return %arg0, %c0_i32 : i32, i32
  }
}

module attributes {stable_mosaic.version = 14 : i64} {
  func.func @_tc_body(%arg0: i32, %arg1: memref<200x128xf32, #tpu.memory_space<vmem>>, %arg2: memref<6400x128xf32, #tpu.memory_space<vmem>>, %arg3: memref<6400x16xf32, #tpu.memory_space<vmem>>, %arg4: memref<128x256xf32, #tpu.memory_space<vmem>>, %arg5: memref<144x256xf32, #tpu.memory_space<vmem>>, %arg6: memref<1x256xf32, #tpu.memory_space<vmem>>, %arg7: memref<1x128xf32, #tpu.memory_space<vmem>>, %arg8: memref<1x128xf32, #tpu.memory_space<vmem>>, %arg9: memref<200x128xf32, #tpu.memory_space<vmem>>) attributes {dimension_semantics = [#tpu.dimension_semantics<arbitrary>], iteration_bounds = array<i64: 10>, scalar_prefetch = 0 : i64, scratch_operands = 0 : i64, tpu.core_type = #tpu.core_type<tc>, window_params = [{transform_indices = @transform_0, window_bounds = array<i64: 200, 128>}, {transform_indices = @transform_1, window_bounds = array<i64: 6400, 128>}, {transform_indices = @transform_2, window_bounds = array<i64: 6400, 16>}, {pipeline_mode = #tpu.pipeline_mode<synchronous>, transform_indices = @transform_3, window_bounds = array<i64: 128, 256>}, {pipeline_mode = #tpu.pipeline_mode<synchronous>, transform_indices = @transform_4, window_bounds = array<i64: 144, 256>}, {pipeline_mode = #tpu.pipeline_mode<synchronous>, transform_indices = @transform_5, window_bounds = array<i64: 1, 256>}, {pipeline_mode = #tpu.pipeline_mode<synchronous>, transform_indices = @transform_6, window_bounds = array<i64: 1, 128>}, {pipeline_mode = #tpu.pipeline_mode<synchronous>, transform_indices = @transform_7, window_bounds = array<i64: 1, 128>}, {transform_indices = @transform_8, window_bounds = array<i64: 200, 128>}]} {
    %get3A = arith.constant 0 : index
    %get3A_0 = arith.constant 0 : index
    %get3A_1 = vector.load %arg1[%get3A, %get3A_0] : memref<200x128xf32, #tpu.memory_space<vmem>>, vector<200x128xf32>
    %get3A_2 = arith.constant 0 : index
    %get3A_3 = arith.constant 0 : index
    %get3A_4 = vector.load %arg4[%get3A_2, %get3A_3] : memref<128x256xf32, #tpu.memory_space<vmem>>, vector<128x256xf32>
    %dot_general3A = arith.constant dense<0.000000e+00> : vector<200x256xf32>
    %dot_general3A_5 = tpu.matmul %get3A_1, %get3A_4, %dot_general3A {dimension_numbers = #tpu.dot_dimension_numbers<[1], [0], [0], [1], [0, 0, 1, 1], [], []>, transpose_lhs_hint = false} : vector<200x128xf32>, vector<128x256xf32>, vector<200x256xf32> -> vector<200x256xf32>
    %get3A_6 = arith.constant 0 : index
    %get3A_7 = arith.constant 0 : index
    %get3A_8 = vector.load %arg6[%get3A_6, %get3A_7] : memref<1x256xf32, #tpu.memory_space<vmem>>, vector<1x256xf32>
    %add3A = vector.broadcast %get3A_8 : vector<1x256xf32> to vector<200x256xf32>
    %add3A_9 = arith.addf %dot_general3A_5, %add3A : vector<200x256xf32>
    %get3A_10 = arith.constant 0 : index
    %get3A_11 = arith.constant 0 : index
    %get3A_12 = vector.load %arg2[%get3A_10, %get3A_11] : memref<6400x128xf32, #tpu.memory_space<vmem>>, vector<6400x128xf32>
    %get3A_13 = arith.constant 0 : index
    %get3A_14 = arith.constant 0 : index
    %get3A_15 = vector.load %arg3[%get3A_13, %get3A_14] : memref<6400x16xf32, #tpu.memory_space<vmem>>, vector<6400x16xf32>
    %concatenate3A = tpu.concatenate %get3A_12, %get3A_15 in 1 : vector<6400x128xf32>, vector<6400x16xf32> -> vector<6400x144xf32>
    %get3A_16 = arith.constant 0 : index
    %get3A_17 = arith.constant 0 : index
    %get3A_18 = vector.load %arg5[%get3A_16, %get3A_17] : memref<144x256xf32, #tpu.memory_space<vmem>>, vector<144x256xf32>
    %dot_general3A_19 = arith.constant dense<0.000000e+00> : vector<6400x256xf32>
    %dot_general3A_20 = tpu.matmul %concatenate3A, %get3A_18, %dot_general3A_19 {dimension_numbers = #tpu.dot_dimension_numbers<[1], [0], [0], [1], [0, 0, 1, 1], [], []>, transpose_lhs_hint = false} : vector<6400x144xf32>, vector<144x256xf32>, vector<6400x256xf32> -> vector<6400x256xf32>
    %reshape3A = vector.shape_cast %dot_general3A_20 : vector<6400x256xf32> to vector<200x32x256xf32>
    %broadcast_in_dim3A = vector.shape_cast %add3A_9 : vector<200x256xf32> to vector<200x1x256xf32>
    %add3A_21 = vector.broadcast %broadcast_in_dim3A : vector<200x1x256xf32> to vector<200x32x256xf32>
    %add3A_22 = arith.addf %reshape3A, %add3A_21 : vector<200x32x256xf32>
    %slice3A = vector.extract_strided_slice %add3A_22 {offsets = [0, 0, 0], sizes = [200, 32, 128], strides = [1, 1, 1]} : vector<200x32x256xf32> to vector<200x32x128xf32>
    %tanh3A = math.tanh %slice3A : vector<200x32x128xf32>
    %slice3A_23 = vector.extract_strided_slice %add3A_22 {offsets = [0, 0, 128], sizes = [200, 32, 128], strides = [1, 1, 1]} : vector<200x32x256xf32> to vector<200x32x128xf32>
    %exp3A = math.exp %slice3A_23 : vector<200x32x128xf32>
    %log1p3A = math.log1p %exp3A : vector<200x32x128xf32>
    %add3A_24 = arith.constant 1.000000e+00 : f32
    %add3A_25 = vector.broadcast %add3A_24 : f32 to vector<200x32x128xf32>
    %add3A_26 = arith.addf %tanh3A, %add3A_25 : vector<200x32x128xf32>
    %mul3A = arith.mulf %add3A_26, %log1p3A : vector<200x32x128xf32>
    %reduce_sum3A = arith.constant dense<0.000000e+00> : vector<200x128xf32>
    %reduce_sum3A_27 = vector.multi_reduction <add>, %mul3A, %reduce_sum3A [1] : vector<200x32x128xf32> to vector<200x128xf32>
    %get3A_28 = arith.constant 0 : index
    %get3A_29 = arith.constant 0 : index
    %get3A_30 = vector.load %arg7[%get3A_28, %get3A_29] : memref<1x128xf32, #tpu.memory_space<vmem>>, vector<1x128xf32>
    %mul3A_31 = vector.broadcast %get3A_30 : vector<1x128xf32> to vector<200x128xf32>
    %mul3A_32 = arith.mulf %reduce_sum3A_27, %mul3A_31 : vector<200x128xf32>
    %get3A_33 = arith.constant 0 : index
    %get3A_34 = arith.constant 0 : index
    %get3A_35 = vector.load %arg8[%get3A_33, %get3A_34] : memref<1x128xf32, #tpu.memory_space<vmem>>, vector<1x128xf32>
    %add3A_36 = vector.broadcast %get3A_35 : vector<1x128xf32> to vector<200x128xf32>
    %add3A_37 = arith.addf %mul3A_32, %add3A_36 : vector<200x128xf32>
    %add3A_38 = arith.addf %get3A_1, %add3A_37 : vector<200x128xf32>
    %max3A = arith.constant 0.000000e+00 : f32
    %max3A_39 = vector.broadcast %max3A : f32 to vector<200x128xf32>
    %max3A_40 = arith.maximumf %add3A_38, %max3A_39 : vector<200x128xf32>
    %abs3A = math.absf %add3A_38 : vector<200x128xf32>
    %neg3A = arith.constant 0.000000e+00 : f32
    %neg3A_41 = vector.broadcast %neg3A : f32 to vector<200x128xf32>
    %neg3A_42 = arith.subf %neg3A_41, %abs3A : vector<200x128xf32>
    %exp3A_43 = math.exp %neg3A_42 : vector<200x128xf32>
    %log1p3A_44 = math.log1p %exp3A_43 : vector<200x128xf32>
    %add3A_45 = arith.addf %max3A_40, %log1p3A_44 : vector<200x128xf32>
    %swap3A = arith.constant 0 : index
    %swap3A_46 = arith.constant 0 : index
    %swap3A_47 = vector.load %arg9[%swap3A, %swap3A_46] : memref<200x128xf32, #tpu.memory_space<vmem>>, vector<200x128xf32>
    tpu.vector_store %arg9[%swap3A, %swap3A_46], %add3A_45 {strides = array<i32>} : memref<200x128xf32, #tpu.memory_space<vmem>>, vector<200x128xf32>,
    return
  }
  func.func @transform_0(%arg0: i32) -> (i32, i32) {
    %add3A = arith.constant 30 : i32
    %add3A_0 = arith.addi %add3A, %arg0 : i32
    %c0_i32 = arith.constant 0 : i32
    %c0_i32_1 = arith.constant 0 : i32
    return %add3A_0, %c0_i32 : i32, i32
  }
  func.func @transform_1(%arg0: i32) -> (i32, i32) {
    %c0_i32 = arith.constant 0 : i32
    %c0_i32_0 = arith.constant 0 : i32
    return %arg0, %c0_i32 : i32, i32
  }
  func.func @transform_2(%arg0: i32) -> (i32, i32) {
    %add3A = arith.constant 30 : i32
    %add3A_0 = arith.addi %add3A, %arg0 : i32
    %c0_i32 = arith.constant 0 : i32
    %c0_i32_1 = arith.constant 0 : i32
    return %add3A_0, %c0_i32 : i32, i32
  }
  func.func @transform_3(%arg0: i32) -> (i32, i32) {
    %c0_i32 = arith.constant 0 : i32
    %c0_i32_0 = arith.constant 0 : i32
    %c0_i32_1 = arith.constant 0 : i32
    return %c0_i32, %c0_i32_0 : i32, i32
  }
  func.func @transform_4(%arg0: i32) -> (i32, i32) {
    %c0_i32 = arith.constant 0 : i32
    %c0_i32_0 = arith.constant 0 : i32
    %c0_i32_1 = arith.constant 0 : i32
    return %c0_i32, %c0_i32_0 : i32, i32
  }
  func.func @transform_5(%arg0: i32) -> (i32, i32) {
    %c0_i32 = arith.constant 0 : i32
    %c0_i32_0 = arith.constant 0 : i32
    %c0_i32_1 = arith.constant 0 : i32
    return %c0_i32, %c0_i32_0 : i32, i32
  }
  func.func @transform_6(%arg0: i32) -> (i32, i32) {
    %c0_i32 = arith.constant 0 : i32
    %c0_i32_0 = arith.constant 0 : i32
    %c0_i32_1 = arith.constant 0 : i32
    return %c0_i32, %c0_i32_0 : i32, i32
  }
  func.func @transform_7(%arg0: i32) -> (i32, i32) {
    %c0_i32 = arith.constant 0 : i32
    %c0_i32_0 = arith.constant 0 : i32
    %c0_i32_1 = arith.constant 0 : i32
    return %c0_i32, %c0_i32_0 : i32, i32
  }
  func.func @transform_8(%arg0: i32) -> (i32, i32) {
    %c0_i32 = arith.constant 0 : i32
    %c0_i32_0 = arith.constant 0 : i32
    return %arg0, %c0_i32 : i32, i32
  }
}

module attributes {stable_mosaic.version = 14 : i64} {
  func.func @_tc_body(%arg0: i32, %arg1: memref<200x128xf32, #tpu.memory_space<vmem>>, %arg2: memref<6400x128xf32, #tpu.memory_space<vmem>>, %arg3: memref<6400x16xf32, #tpu.memory_space<vmem>>, %arg4: memref<128x256xf32, #tpu.memory_space<vmem>>, %arg5: memref<144x256xf32, #tpu.memory_space<vmem>>, %arg6: memref<1x256xf32, #tpu.memory_space<vmem>>, %arg7: memref<1x128xf32, #tpu.memory_space<vmem>>, %arg8: memref<1x128xf32, #tpu.memory_space<vmem>>, %arg9: memref<200x128xf32, #tpu.memory_space<vmem>>) attributes {dimension_semantics = [#tpu.dimension_semantics<arbitrary>], iteration_bounds = array<i64: 10>, scalar_prefetch = 0 : i64, scratch_operands = 0 : i64, tpu.core_type = #tpu.core_type<tc>, window_params = [{transform_indices = @transform_0, window_bounds = array<i64: 200, 128>}, {transform_indices = @transform_1, window_bounds = array<i64: 6400, 128>}, {transform_indices = @transform_2, window_bounds = array<i64: 6400, 16>}, {pipeline_mode = #tpu.pipeline_mode<synchronous>, transform_indices = @transform_3, window_bounds = array<i64: 128, 256>}, {pipeline_mode = #tpu.pipeline_mode<synchronous>, transform_indices = @transform_4, window_bounds = array<i64: 144, 256>}, {pipeline_mode = #tpu.pipeline_mode<synchronous>, transform_indices = @transform_5, window_bounds = array<i64: 1, 256>}, {pipeline_mode = #tpu.pipeline_mode<synchronous>, transform_indices = @transform_6, window_bounds = array<i64: 1, 128>}, {pipeline_mode = #tpu.pipeline_mode<synchronous>, transform_indices = @transform_7, window_bounds = array<i64: 1, 128>}, {transform_indices = @transform_8, window_bounds = array<i64: 200, 128>}]} {
    %get3A = arith.constant 0 : index
    %get3A_0 = arith.constant 0 : index
    %get3A_1 = vector.load %arg1[%get3A, %get3A_0] : memref<200x128xf32, #tpu.memory_space<vmem>>, vector<200x128xf32>
    %get3A_2 = arith.constant 0 : index
    %get3A_3 = arith.constant 0 : index
    %get3A_4 = vector.load %arg4[%get3A_2, %get3A_3] : memref<128x256xf32, #tpu.memory_space<vmem>>, vector<128x256xf32>
    %dot_general3A = arith.constant dense<0.000000e+00> : vector<200x256xf32>
    %dot_general3A_5 = tpu.matmul %get3A_1, %get3A_4, %dot_general3A {dimension_numbers = #tpu.dot_dimension_numbers<[1], [0], [0], [1], [0, 0, 1, 1], [], []>, transpose_lhs_hint = false} : vector<200x128xf32>, vector<128x256xf32>, vector<200x256xf32> -> vector<200x256xf32>
    %get3A_6 = arith.constant 0 : index
    %get3A_7 = arith.constant 0 : index
    %get3A_8 = vector.load %arg6[%get3A_6, %get3A_7] : memref<1x256xf32, #tpu.memory_space<vmem>>, vector<1x256xf32>
    %add3A = vector.broadcast %get3A_8 : vector<1x256xf32> to vector<200x256xf32>
    %add3A_9 = arith.addf %dot_general3A_5, %add3A : vector<200x256xf32>
    %get3A_10 = arith.constant 0 : index
    %get3A_11 = arith.constant 0 : index
    %get3A_12 = vector.load %arg2[%get3A_10, %get3A_11] : memref<6400x128xf32, #tpu.memory_space<vmem>>, vector<6400x128xf32>
    %get3A_13 = arith.constant 0 : index
    %get3A_14 = arith.constant 0 : index
    %get3A_15 = vector.load %arg3[%get3A_13, %get3A_14] : memref<6400x16xf32, #tpu.memory_space<vmem>>, vector<6400x16xf32>
    %concatenate3A = tpu.concatenate %get3A_12, %get3A_15 in 1 : vector<6400x128xf32>, vector<6400x16xf32> -> vector<6400x144xf32>
    %get3A_16 = arith.constant 0 : index
    %get3A_17 = arith.constant 0 : index
    %get3A_18 = vector.load %arg5[%get3A_16, %get3A_17] : memref<144x256xf32, #tpu.memory_space<vmem>>, vector<144x256xf32>
    %dot_general3A_19 = arith.constant dense<0.000000e+00> : vector<6400x256xf32>
    %dot_general3A_20 = tpu.matmul %concatenate3A, %get3A_18, %dot_general3A_19 {dimension_numbers = #tpu.dot_dimension_numbers<[1], [0], [0], [1], [0, 0, 1, 1], [], []>, transpose_lhs_hint = false} : vector<6400x144xf32>, vector<144x256xf32>, vector<6400x256xf32> -> vector<6400x256xf32>
    %reshape3A = vector.shape_cast %dot_general3A_20 : vector<6400x256xf32> to vector<200x32x256xf32>
    %broadcast_in_dim3A = vector.shape_cast %add3A_9 : vector<200x256xf32> to vector<200x1x256xf32>
    %add3A_21 = vector.broadcast %broadcast_in_dim3A : vector<200x1x256xf32> to vector<200x32x256xf32>
    %add3A_22 = arith.addf %reshape3A, %add3A_21 : vector<200x32x256xf32>
    %slice3A = vector.extract_strided_slice %add3A_22 {offsets = [0, 0, 0], sizes = [200, 32, 128], strides = [1, 1, 1]} : vector<200x32x256xf32> to vector<200x32x128xf32>
    %tanh3A = math.tanh %slice3A : vector<200x32x128xf32>
    %slice3A_23 = vector.extract_strided_slice %add3A_22 {offsets = [0, 0, 128], sizes = [200, 32, 128], strides = [1, 1, 1]} : vector<200x32x256xf32> to vector<200x32x128xf32>
    %exp3A = math.exp %slice3A_23 : vector<200x32x128xf32>
    %log1p3A = math.log1p %exp3A : vector<200x32x128xf32>
    %add3A_24 = arith.constant 1.000000e+00 : f32
    %add3A_25 = vector.broadcast %add3A_24 : f32 to vector<200x32x128xf32>
    %add3A_26 = arith.addf %tanh3A, %add3A_25 : vector<200x32x128xf32>
    %mul3A = arith.mulf %add3A_26, %log1p3A : vector<200x32x128xf32>
    %reduce_sum3A = arith.constant dense<0.000000e+00> : vector<200x128xf32>
    %reduce_sum3A_27 = vector.multi_reduction <add>, %mul3A, %reduce_sum3A [1] : vector<200x32x128xf32> to vector<200x128xf32>
    %get3A_28 = arith.constant 0 : index
    %get3A_29 = arith.constant 0 : index
    %get3A_30 = vector.load %arg7[%get3A_28, %get3A_29] : memref<1x128xf32, #tpu.memory_space<vmem>>, vector<1x128xf32>
    %mul3A_31 = vector.broadcast %get3A_30 : vector<1x128xf32> to vector<200x128xf32>
    %mul3A_32 = arith.mulf %reduce_sum3A_27, %mul3A_31 : vector<200x128xf32>
    %get3A_33 = arith.constant 0 : index
    %get3A_34 = arith.constant 0 : index
    %get3A_35 = vector.load %arg8[%get3A_33, %get3A_34] : memref<1x128xf32, #tpu.memory_space<vmem>>, vector<1x128xf32>
    %add3A_36 = vector.broadcast %get3A_35 : vector<1x128xf32> to vector<200x128xf32>
    %add3A_37 = arith.addf %mul3A_32, %add3A_36 : vector<200x128xf32>
    %add3A_38 = arith.addf %get3A_1, %add3A_37 : vector<200x128xf32>
    %max3A = arith.constant 0.000000e+00 : f32
    %max3A_39 = vector.broadcast %max3A : f32 to vector<200x128xf32>
    %max3A_40 = arith.maximumf %add3A_38, %max3A_39 : vector<200x128xf32>
    %abs3A = math.absf %add3A_38 : vector<200x128xf32>
    %neg3A = arith.constant 0.000000e+00 : f32
    %neg3A_41 = vector.broadcast %neg3A : f32 to vector<200x128xf32>
    %neg3A_42 = arith.subf %neg3A_41, %abs3A : vector<200x128xf32>
    %exp3A_43 = math.exp %neg3A_42 : vector<200x128xf32>
    %log1p3A_44 = math.log1p %exp3A_43 : vector<200x128xf32>
    %add3A_45 = arith.addf %max3A_40, %log1p3A_44 : vector<200x128xf32>
    %swap3A = arith.constant 0 : index
    %swap3A_46 = arith.constant 0 : index
    %swap3A_47 = vector.load %arg9[%swap3A, %swap3A_46] : memref<200x128xf32, #tpu.memory_space<vmem>>, vector<200x128xf32>
    tpu.vector_store %arg9[%swap3A, %swap3A_46], %add3A_45 {strides = array<i32>} : memref<200x128xf32, #tpu.memory_space<vmem>>, vector<200x128xf32>,
    return
  }
  func.func @transform_0(%arg0: i32) -> (i32, i32) {
    %add3A = arith.constant 40 : i32
    %add3A_0 = arith.addi %add3A, %arg0 : i32
    %c0_i32 = arith.constant 0 : i32
    %c0_i32_1 = arith.constant 0 : i32
    return %add3A_0, %c0_i32 : i32, i32
  }
  func.func @transform_1(%arg0: i32) -> (i32, i32) {
    %c0_i32 = arith.constant 0 : i32
    %c0_i32_0 = arith.constant 0 : i32
    return %arg0, %c0_i32 : i32, i32
  }
  func.func @transform_2(%arg0: i32) -> (i32, i32) {
    %add3A = arith.constant 40 : i32
    %add3A_0 = arith.addi %add3A, %arg0 : i32
    %c0_i32 = arith.constant 0 : i32
    %c0_i32_1 = arith.constant 0 : i32
    return %add3A_0, %c0_i32 : i32, i32
  }
  func.func @transform_3(%arg0: i32) -> (i32, i32) {
    %c0_i32 = arith.constant 0 : i32
    %c0_i32_0 = arith.constant 0 : i32
    %c0_i32_1 = arith.constant 0 : i32
    return %c0_i32, %c0_i32_0 : i32, i32
  }
  func.func @transform_4(%arg0: i32) -> (i32, i32) {
    %c0_i32 = arith.constant 0 : i32
    %c0_i32_0 = arith.constant 0 : i32
    %c0_i32_1 = arith.constant 0 : i32
    return %c0_i32, %c0_i32_0 : i32, i32
  }
  func.func @transform_5(%arg0: i32) -> (i32, i32) {
    %c0_i32 = arith.constant 0 : i32
    %c0_i32_0 = arith.constant 0 : i32
    %c0_i32_1 = arith.constant 0 : i32
    return %c0_i32, %c0_i32_0 : i32, i32
  }
  func.func @transform_6(%arg0: i32) -> (i32, i32) {
    %c0_i32 = arith.constant 0 : i32
    %c0_i32_0 = arith.constant 0 : i32
    %c0_i32_1 = arith.constant 0 : i32
    return %c0_i32, %c0_i32_0 : i32, i32
  }
  func.func @transform_7(%arg0: i32) -> (i32, i32) {
    %c0_i32 = arith.constant 0 : i32
    %c0_i32_0 = arith.constant 0 : i32
    %c0_i32_1 = arith.constant 0 : i32
    return %c0_i32, %c0_i32_0 : i32, i32
  }
  func.func @transform_8(%arg0: i32) -> (i32, i32) {
    %c0_i32 = arith.constant 0 : i32
    %c0_i32_0 = arith.constant 0 : i32
    return %arg0, %c0_i32 : i32, i32
  }
}

</mosaic_0001>

<sc_bundles>
// kernel: kernel.14.cloned.1.call-start
scs
__scs_entry_jumppad:
0x0: {  	(pc) =	sbr.rel $0x88, $3  }
0x1: {  	(tag) =	ssettag $0x0;
	lr =	simm.s32 $0x1  }
0x2: {  	[smem:$0x3F94] =	sst lr;
	_ =	strace $0xD0000000  }
0x3: {  	_ = 	snop  }
0x4: {  	_ = 	snop  }
0x5: {  	_ = 	snop  }
0x6: {  	_ = 	snop  }
0x7: {  	_ = 	snop  }
__scs_overlays_trampoline_lowered:
0x8: {  	[smem:$0x3FA3] =	sst s0  }
0x9: {  	[smem:$0x3FA4] =	sst s1  }
0xa: {  	[smem:$0x3FA5] =	sst s2  }
0xb: {  	[smem:$0x3FA6] =	sst s3  }
0xc: {  	[smem:$0x3FA7] =	sst s4  }
0xd: {  	[smem:$0x3FA8] =	sst s5  }
0xe: {  	[smem:$0x3FA9] =	sst s6  }
0xf: {  	[smem:$0x3FAA] =	sst s7  }
0x10: {  	[smem:$0x3FAB] =	sst s8  }
0x11: {  	[smem:$0x3FAC] =	sst s9;
	s0 =	simm.s32 @!p0 $0x0  }
0x12: {  	s1 =	sld [smem:$0x3F92];
	s0 =	simm.s32 @p0 $0x1  }
0x13: {  	[smem:$0x3FAD] =	sst s0;
	s0 =	simm.s32 @!p1 $0x0  }
0x14: {  	s2 =	sld [smem:$0x3F91];
	s0 =	simm.s32 @p1 $0x1  }
0x15: {  	[smem:$0x3FAE] =	sst s0;
	s0 =	simm.s32 @!p2 $0x0  }
0x16: {  	s3 =	sld [smem:$0x3FDB];
	s0 =	simm.s32 @p2 $0x1  }
0x17: {  	s4 =	simm.s32 $0x1BF5;
	[smem:$0x3FB0] =	sst s0  }
0x18: {  	s0 =	sld [smem:$0x3F93];
	_ =	swait.ge [sflag:s4], $0x0  }
0x19: {  	s7 =	sld [smem:$0x3F94]  }
0x1a: {  	s8 =	sadd.s32 $0xFFFFE003, lr  }
0x1b: {  	s9 =	sadd.s32 $0xFFFFFEF7, lr;
	s5 =	simm.s32 $0xFFFFFFFF;
	p2 =	slt.u32 s8, $0xFFFFF086  }
0x1c: {  	p1 =	slt.u32 s9, $0xF7A;
	s5 =	simm.s32 @!p2 $0x0  }
0x1d: {  	s5 =	simm.s32 @p1 $0x1;
	p0 =	seq.s32 s7, s2  }
0x1e: {  	s7 =	smul.u32 @!p0 $0xF7A, s2;
	p2 =	seq.s32 @!p0 s5, $0x0  }
0x1f: {  	s9 =	smul.u32 $0xF7A, s1;
	s8 =	simm.s32 @!p0 $0x1BF5;
	p2 =	por !p2, p0  }
0x20: {  	[sflag:s8] =	ssyncset.s32 @!p0 $0xFFFFF086;
	s6 =	sadd.s32 @!p0 s3, s7;
	s7 =	simm.s32 @!p0 $0x108  }
0x21: {  	s3 =	sadd.s32 s3, s9;
	s6 =	sadd.s32 @!p0 $0x88, s6;
	s7 =	simm.s32 @p2 $0x1082  }
0x22: {  	[simem:s7], [sflag:s8] =	dma.local @!p0 [hbm:s6], $0xF7A  }
0x23: {  	s9 =	sor.u32 $0xD0000000, s2;
	s6 =	simm.s32 $0x108;
	_ =	swait.ge @!p0 [sflag:s8], $0x0  }
0x24: {  	s3 =	sadd.s32 $0x88, s3;
	s6 =	simm.s32 @!p1 $0x1082;
	[sflag:s4] =	ssyncset.s32 $0xFFFFF086  }
0x25: {  	[simem:s6], [sflag:s4] =	dma.local [hbm:s3], $0xF7A  }
0x26: {  	[smem:$0x3F94] =	sst s1;
	(tag) =	ssettag s2;
	_ =	strace s9  }
0x27: {  	s1 =	sld [smem:$0x3FA4]  }
0x28: {  	s2 =	sld [smem:$0x3FA5]  }
0x29: {  	s4 =	sld [smem:$0x3FA7]  }
0x2a: {  	p0 =	seq.s32 s5, $0x0;
	s5 =	sld [smem:$0x3FA8]  }
0x2b: {  	s6 =	sld [smem:$0x3FA9]  }
0x2c: {  	s7 =	sld [smem:$0x3FAA]  }
0x2d: {  	s3 =	simm.s32 $0x108;
	s8 =	sld [smem:$0x3FAB]  }
0x2e: {  	s3 =	simm.s32 @!p0 $0x1082;
	s9 =	sld [smem:$0x3FAC]  }
0x2f: {  	lr =	sadd.s32 s0, s3;
	s0 =	sld [smem:$0x3FA3]  }
0x30: {  	s3 =	sld [smem:$0x3FA6]  }
0x31: {  	[smem:$0x3FAF] =	sst s10  }
0x32: {  	s10 =	sld [smem:$0x3FAD];
	_ =	sdelay $0x3  }
0x33: {  	p0 =	seq.s32 s10, $0x1;
	s10 =	sld [smem:$0x3FAF];
	_ =	sdelay $0x3  }
0x34: {  	[smem:$0x3FAF] =	sst s10  }
0x35: {  	s10 =	sld [smem:$0x3FAE];
	_ =	sdelay $0x3  }
0x36: {  	p1 =	seq.s32 s10, $0x1;
	s10 =	sld [smem:$0x3FAF];
	_ =	sdelay $0x3  }
0x37: {  	[smem:$0x3FAF] =	sst s10  }
0x38: {  	s10 =	sld [smem:$0x3FB0]  }
0x39: {  	_ = 	snop;
	(pc) =	sbr.ind lr, $3  }
0x3a: {  	_ = 	snop  }
0x3b: {  	_ = 	snop  }
0x3c: {  	p2 =	seq.s32 s10, $0x1;
	s10 =	sld [smem:$0x3FAF]  }
0x3d: {  	_ =	shalt  }
0x3e: {  	_ =	shalt  }
0x3f: {  	_ =	shalt  }
0x40: {  	_ =	shalt  }
0x41: {  	_ =	shalt  }
0x42: {  	_ =	shalt  }
0x43: {  	_ =	shalt  }
0x44: {  	_ =	shalt  }
0x45: {  	_ =	shalt  }
0x46: {  	_ =	shalt  }
0x47: {  	_ =	shalt  }
0x48: {  	_ =	shalt  }
0x49: {  	_ =	shalt  }
0x4a: {  	_ =	shalt  }
0x4b: {  	_ =	shalt  }
0x4c: {  	_ =	shalt  }
0x4d: {  	_ =	shalt  }
0x4e: {  	_ =	shalt  }
0x4f: {  	_ =	shalt  }
0x50: {  	_ =	shalt  }
0x51: {  	_ =	shalt  }
0x52: {  	_ =	shalt  }
0x53: {  	_ =	shalt  }
0x54: {  	_ =	shalt  }
0x55: {  	_ =	shalt  }
0x56: {  	_ =	shalt  }
0x57: {  	_ =	shalt  }
0x58: {  	_ =	shalt  }
0x59: {  	_ =	shalt  }
0x5a: {  	_ =	shalt  }
0x5b: {  	_ =	shalt  }
0x5c: {  	_ =	shalt  }
0x5d: {  	_ =	shalt  }
0x5e: {  	_ =	shalt  }
0x5f: {  	_ =	shalt  }
0x60: {  	_ =	shalt  }
0x61: {  	_ =	shalt  }
0x62: {  	_ =	shalt  }
0x63: {  	_ =	shalt  }
0x64: {  	_ =	shalt  }
0x65: {  	_ =	shalt  }
0x66: {  	_ =	shalt  }
0x67: {  	_ =	shalt  }
0x68: {  	_ =	shalt  }
0x69: {  	_ =	shalt  }
0x6a: {  	_ =	shalt  }
0x6b: {  	_ =	shalt  }
0x6c: {  	_ =	shalt  }
0x6d: {  	_ =	shalt  }
0x6e: {  	_ =	shalt  }
0x6f: {  	_ =	shalt  }
0x70: {  	_ =	shalt  }
0x71: {  	_ =	shalt  }
0x72: {  	_ =	shalt  }
0x73: {  	_ =	shalt  }
0x74: {  	_ =	shalt  }
0x75: {  	_ =	shalt  }
0x76: {  	_ =	shalt  }
0x77: {  	_ =	shalt  }
0x78: {  	_ =	shalt  }
0x79: {  	_ =	shalt  }
0x7a: {  	_ =	shalt  }
0x7b: {  	_ =	shalt  }
0x7c: {  	_ =	shalt  }
0x7d: {  	_ =	shalt  }
0x7e: {  	_ =	shalt  }
0x7f: {  	_ =	shalt  }
0x80: {  	_ =	shalt  }
0x81: {  	_ =	shalt  }
0x82: {  	_ =	shalt  }
0x83: {  	_ =	shalt  }
0x84: {  	_ =	shalt  }
0x85: {  	_ =	shalt  }
0x86: {  	_ =	shalt  }
0x87: {  	_ =	shalt  }
.Lfunc_end0:
.L_simem_size_0:
called_computation_lowered:
.L_overlay_start_0:
0x88: {  	s2 =	sld [smem:$0x3FD9]  }
0x89: {  	s3 =	sld [smem:$0x3FFE];
	_ =	sdelay $0x1  }
0x8a: {  	s1 =	srdreg.scid  }
0x8b: {  	s0 =	sand.u32 $0x1, s1  }
0x8c: {  	s17 =	sshll.u32 s0, $0xA;
	s2 =	sadd.s32 s3, s2  }
0x8d: {  	s2 =	sadd.s32 s2, s17  }
0x8e: {  	[smem:$0x3FBB] =	sst s2  }
0x8f: {  	_ = 	snop  }
0x90: {  	s2 =	sld [smem:$0x3FC9];
	(tm) =	ssettm $0x1  }
0x91: {  	s18 =	sld [smem:$0x3FFB];
	_ =	sdelay $0x3  }
0x92: {  	_ =	strace s18  }
0x93: {  	s3 =	sld [smem:$0x3FFC];
	_ =	sdelay $0x3  }
0x94: {  	_ =	strace s3  }
0x95: {  	s3 =	sld [smem:$0x3FFD];
	_ =	sdelay $0x3  }
0x96: {  	_ =	strace s3  }
0x97: {  	_ =	strace $0x8FFFFFFF  }
0x98: {  	s19 =	sld [smem:$0x3FDB];
	_ =	sdelay $0x1  }
0x99: {  	s4 =	simm.s32 $_scs_section_size  }
0x9a: {  	s5 =	simm.s32 $_size__tile_overlayer_lowered;
	s6 =	simm.s32 $_tile_overlayer_lowered  }
0x9b: {  	s22 =	simm.s32 $0x1BFF;
	s21 =	sshll.u32 s6, $0x1;
	s3 =	sadd.s32 s4, s19  }
0x9c: {  	s7 =	simm.s32 $0x0;
	s20 =	sshll.u32 s5, $0x1;
	s5 =	sadd.s32 s21, s3  }
0x9d: {  	[timem:s7], [sflag:s22] =	dma.local [hbm:s5], s20  }
0x9e: {  	_ =	swait.ge [sflag:s22], s20  }
0x9f: {  	s4 =	ssub.s32 $0x0, s20;
	[sflag:s22] =	ssyncset.done $0x0  }
0xa0: {  	[sflag:s22] =	ssyncadd.s32 s4;
	_ =	sdelay $0x1  }
0xa1: {  	s23 =	simm.s32 $0x1B8B  }
0xa2: {  	_ =	swait.ge [sflag:s23], $0x1  }
0xa3: {  	[sflag:s23] =	ssyncset.done $0x0  }
0xa4: {  	s25 =	simm.s32 $0x1B8E;
	s24 =	sld [smem:$0x3FFE];
	[sflag:s23] =	ssyncadd.s32 $0xFFFFFFFF  }
0xa5: {  	s26 =	simm.s32 $execute0_lowered;
	[smem:$0x3FD2] =	sst s25  }
0xa6: {  	s5 =	sshll.u32 s26, $0x1;
	_ =	strace $0x80000046;
	[dreg:$0x1] =	wrdreg $0xFFFFFFFF  }
0xa7: {  	s28 =	simm.s32 $_size_execute0_lowered;
	s3 =	sadd.s32 s3, s5;
	[dreg:$0x0] =	wrdreg $0x0  }
0xa8: {  	s5 =	sshll.u32 s28, $0x1;
	[dreg:$0x2] =	wrdreg s3  }
0xa9: {  	[dreg:$0x3] =	wrdreg s5  }
0xaa: {  	[dreg:$0x4] =	wrdreg $0xC0  }
0xab: {  	_ =	task [dreg:s7], $0x5FFFF  }
0xac: {  	[dreg:$0x1] =	wrdreg $0xFFFFFFFF  }
0xad: {  	[dreg:$0x0] =	wrdreg $0x60  }
0xae: {  	[dreg:$0x2] =	wrdreg s2  }
0xaf: {  	[dreg:$0x3] =	wrdreg s24  }
0xb0: {  	[dreg:$0x4] =	wrdreg $0x9  }
0xb1: {  	_ =	task.clear_ibuf [dreg:s7], $0x5FFFF;
	_ =	strace $0x90000046  }
0xb2: {  	s29 =	simm.s32 $0x9;
	_ =	strace $0x80000048  }
0xb3: {  	_ =	swait.ge [sflag:s29], $0x1  }
0xb4: {  	[sflag:s29] =	ssyncadd.s32 $0xFFFFFFFF  }
0xb5: {  	_ =	strace $0x90000048  }
0xb6: {  	_ =	sfence  }
0xb7: {  	s30 =	sld [smem:$0x0];
	_ =	sdelay $0x2  }
0xb8: {  	s31 =	sshll.u32 s1, $0xD;
	s1 =	sshrl.u32 s1, $0x2  }
0xb9: {  	s3 =	sand.u32 $0x4000, s31;
	s1 =	sadd.s32 s1, s30  }
0xba: {  	s0 =	sor.u32 s3, s0;
	s1 =	sshll.u32 s1, $0x11  }
0xbb: {  	s0 =	sor.u32 s1, s0  }
0xbc: {  	s0 =	sadd.s32 $0x8F2B, s0  }
0xbd: {  	[sflag:s0] =	ssyncadd.remote.s32 $0x1  }
0xbe: {  	_ =	sfence.sel $0xFFFF  }
0xbf: {  	[dreg:$0x0] =	wrdreg $0xFFFFFFFF;
	(pc) =	sbr.abs _section_cstart, $3  }
0xc0: {  	[dreg:$0x1] =	wrdreg $0xFFFFFFFF  }
0xc1: {  	_ =	task.clear_ibuf [dreg:s7], $0x2FFFF;
	_ =	strace $0x9FFFFFFF  }
0xc2: {  	(tm) =	ssettm $0x7FFFFFFF  }
0xc3: {  	_ =	shalt  }
tec
execute0_lowered:
.L_overlay_start_1:
0x0: {  	(tag) =	ssettag $0x1  }
0x1: {  	s1 =	srdreg.scid;
	s0 =	stileid.u32  }
0x2: {  	s2 =	rddreg [dreg:$0x0];
	s6 =	sand.u32 $0x1, s1;
	s30 =	sshll.u32 s0, $0x1  }
0x3: {  	s9 =	rddreg [dreg:$0x1];
	s7 =	sor.u32 s6, s30  }
0x4: {  	s3 =	simm.s32 $0x0;
	s1 =	rddreg [dreg:$0x2];
	s4 =	smul.u32 $0x32, s7  }
0x5: {  	s8 =	simm.s32 $0x1;
	[smem:$0x7FF] =	sst s3  }
0x6: {  	_ =	strace $0x80000047;
	s11 =	ssub.s32 $0x2, s6;
	s4 =	sadd.s32 s4, s9  }
0x7: {  	s6 =	simm.s32 $0x190;
	s5 =	sadd.s32 $0x5A00, s4;
	s4 =	simm.s32 $0x2  }
0x8: {  	[tilespmem:s3], [sflag:$0x2] =	stream.linear.gather [hbm4b:s5+s3], $0x190, $0x38;
	[tilespmem:$0xCA00] =	vst v63  }
0x9: {  	s10 =	smul.u32 $0x1900, s7;
	s12 =	sshrl.u32 s11, $0x1;
	_ =	swait.ge [sflag:s4], $0x190  }
0xa: {  	s7 =	simm.s32 $0x200;
	s31 =	ssub.s32 s11, s12;
	[sflag:s4] =	ssyncset.done $0x0  }
0xb: {  	s9 =	sadd.s32 s10, s9;
	s10 =	smax.u32 s31, $0x1;
	[sflag:s4] =	ssyncadd.s32 $0xFFFFFE70  }
0xc: {  	[tilespmem:s7], [sflag:$0x1] =	stream.indirect.gather [hbm4b:s2+s6], $0x80, s3, s6, $0xb8;
	[tilespmem:$0xCA00] =	vst v63  }
0xd: {  	p0 =	sne.s32 s10, $0x1;
	_ =	swait.ge [sflag:s8], $0xC800  }
.Ltmp0:
0xe: {  	[sflag:s8] =	ssyncset.done $0x0;
	(pc) =	sbr.rel @!p0 .LBB2_2-.Ltmp0, $4  }
0xf: {  	s9 =	sadd.s32 $0xF800, s9;
	[sflag:s8] =	ssyncadd.s32 $0xFFFF3800  }
0x10: {  	[hbm4b:s9+s3] =	stream.linear.scatter [tilespmem:s7], [sflag:$0x2], $0xC800, $0x38;
	[tilespmem:$0xCA00] =	vst v63  }
0x11: {  	_ =	swait.ge [sflag:s4], $0xC800  }
0x12: {  	s10 =	sadd.s32 $0xFFFFFFFF, s10;
	[sflag:s4] =	ssyncset.done $0x0  }
.LBB2_1:
0x13: {  	p0 =	sne.s32 s10, $0x1;
	s10 =	sadd.s32 $0xFFFFFFFF, s10;
	[sflag:s4] =	ssyncadd.s32 $0xFFFF3800  }
0x14: {  	[tilespmem:s3], [sflag:$0x2] =	stream.linear.gather [hbm4b:s5+s3], $0x190, $0x38;
	[tilespmem:$0xCA00] =	vst v63  }
0x15: {  	_ =	swait.ge [sflag:s4], $0x190  }
0x16: {  	[sflag:s4] =	ssyncset.done $0x0  }
0x17: {  	[sflag:s4] =	ssyncadd.s32 $0xFFFFFE70  }
0x18: {  	[tilespmem:s7], [sflag:$0x1] =	stream.indirect.gather [hbm4b:s2+s6], $0x80, s3, s6, $0xb8;
	[tilespmem:$0xCA00] =	vst v63  }
0x19: {  	_ =	swait.ge [sflag:s8], $0xC800  }
.Ltmp1:
0x1a: {  	[sflag:s8] =	ssyncset.done $0x0;
	(pc) =	sbr.rel @p0 .LBB2_1-.Ltmp1, $4  }
0x1b: {  	[sflag:s8] =	ssyncadd.s32 $0xFFFF3800  }
0x1c: {  	[hbm4b:s9+s3] =	stream.linear.scatter [tilespmem:s7], [sflag:$0x2], $0xC800, $0x38;
	[tilespmem:$0xCA00] =	vst v63  }
0x1d: {  	_ =	swait.ge [sflag:s4], $0xC800  }
0x1e: {  	[sflag:s4] =	ssyncset.done $0x0  }
.LBB2_2:
0x1f: {  	[sflag:s4] =	ssyncadd.s32 $0xFFFF3800  }
0x20: {  	_ =	sfence.sel $0x180000  }
0x21: {  	[bflag:$0x0] =	sbarrier.arrive $0xFFFF  }
0x22: {  	p0 =	sne.s32 s0, $0x0;
	_ =	strace $0x90000047  }
0x23: {  	s0 =	sadd.s32 @!p0 $0x100000, s1;
	[bflag:$0x2] =	sbarrier.arrive $0xFFFF  }
0x24: {  	[sflag:s0] =	ssyncadd.tile.s32 @!p0 $0x1;
	_ =	shalt  }
.Lfunc_end2:
_tile_overlayer_lowered:
.L_overlay_start_2:
0x25: {  	(tag) =	ssettag $0x2  }
0x26: {  	s0 =	rddreg [dreg:$0x0];
	s2 =	stileid.u32  }
0x27: {  	s1 =	rddreg [dreg:$0x1];
	p0 =	sne.s32 s2, $0x0  }
0x28: {  	s3 =	rddreg [dreg:$0x2];
	[bflag:$0x3] =	sbarrier.arrive $0xFFFF;
	s2 =	simm.s32 @!p0 $0x1C02  }
0x29: {  	[timem:s3], [sflag:s2] =	dma.local @!p0 [hbm:s0], s1  }
0x2a: {  	s0 =	simm.s32 @!p0 $0x2  }
0x2b: {  	_ =	swait.ge @!p0 [sflag:s0], s1  }
0x2c: {  	s1 =	ssub.s32 @!p0 $0x0, s1;
	[sflag:s0] =	ssyncset.done @!p0 $0x0  }
0x2d: {  	[sflag:s0] =	ssyncadd.s32 @!p0 s1  }
0x2e: {  	[bflag:$0x3] =	sbarrier.arrive $0xFFFF  }
0x2f: {  	_ =	shalt  }

// kernel: kernel.17.cloned.1.call-start
scs
__scs_entry_jumppad:
0x0: {  	(pc) =	sbr.rel $0x88, $3  }
0x1: {  	(tag) =	ssettag $0x0;
	lr =	simm.s32 $0x1  }
0x2: {  	[smem:$0x3F94] =	sst lr;
	_ =	strace $0xD0000000  }
0x3: {  	_ = 	snop  }
0x4: {  	_ = 	snop  }
0x5: {  	_ = 	snop  }
0x6: {  	_ = 	snop  }
0x7: {  	_ = 	snop  }
__scs_overlays_trampoline_lowered:
0x8: {  	[smem:$0x3FA3] =	sst s0  }
0x9: {  	[smem:$0x3FA4] =	sst s1  }
0xa: {  	[smem:$0x3FA5] =	sst s2  }
0xb: {  	[smem:$0x3FA6] =	sst s3  }
0xc: {  	[smem:$0x3FA7] =	sst s4  }
0xd: {  	[smem:$0x3FA8] =	sst s5  }
0xe: {  	[smem:$0x3FA9] =	sst s6  }
0xf: {  	[smem:$0x3FAA] =	sst s7  }
0x10: {  	[smem:$0x3FAB] =	sst s8  }
0x11: {  	[smem:$0x3FAC] =	sst s9;
	s0 =	simm.s32 @!p0 $0x0  }
0x12: {  	s1 =	sld [smem:$0x3F92];
	s0 =	simm.s32 @p0 $0x1  }
0x13: {  	[smem:$0x3FAD] =	sst s0;
	s0 =	simm.s32 @!p1 $0x0  }
0x14: {  	s2 =	sld [smem:$0x3F91];
	s0 =	simm.s32 @p1 $0x1  }
0x15: {  	[smem:$0x3FAE] =	sst s0;
	s0 =	simm.s32 @!p2 $0x0  }
0x16: {  	s3 =	sld [smem:$0x3FDB];
	s0 =	simm.s32 @p2 $0x1  }
0x17: {  	s4 =	simm.s32 $0x1BF5;
	[smem:$0x3FB0] =	sst s0  }
0x18: {  	s0 =	sld [smem:$0x3F93];
	_ =	swait.ge [sflag:s4], $0x0  }
0x19: {  	s7 =	sld [smem:$0x3F94]  }
0x1a: {  	s8 =	sadd.s32 $0xFFFFE003, lr  }
0x1b: {  	s9 =	sadd.s32 $0xFFFFFEF7, lr;
	s5 =	simm.s32 $0xFFFFFFFF;
	p2 =	slt.u32 s8, $0xFFFFF086  }
0x1c: {  	p1 =	slt.u32 s9, $0xF7A;
	s5 =	simm.s32 @!p2 $0x0  }
0x1d: {  	s5 =	simm.s32 @p1 $0x1;
	p0 =	seq.s32 s7, s2  }
0x1e: {  	s7 =	smul.u32 @!p0 $0xF7A, s2;
	p2 =	seq.s32 @!p0 s5, $0x0  }
0x1f: {  	s9 =	smul.u32 $0xF7A, s1;
	s8 =	simm.s32 @!p0 $0x1BF5;
	p2 =	por !p2, p0  }
0x20: {  	[sflag:s8] =	ssyncset.s32 @!p0 $0xFFFFF086;
	s6 =	sadd.s32 @!p0 s3, s7;
	s7 =	simm.s32 @!p0 $0x108  }
0x21: {  	s3 =	sadd.s32 s3, s9;
	s6 =	sadd.s32 @!p0 $0x88, s6;
	s7 =	simm.s32 @p2 $0x1082  }
0x22: {  	[simem:s7], [sflag:s8] =	dma.local @!p0 [hbm:s6], $0xF7A  }
0x23: {  	s9 =	sor.u32 $0xD0000000, s2;
	s6 =	simm.s32 $0x108;
	_ =	swait.ge @!p0 [sflag:s8], $0x0  }
0x24: {  	s3 =	sadd.s32 $0x88, s3;
	s6 =	simm.s32 @!p1 $0x1082;
	[sflag:s4] =	ssyncset.s32 $0xFFFFF086  }
0x25: {  	[simem:s6], [sflag:s4] =	dma.local [hbm:s3], $0xF7A  }
0x26: {  	[smem:$0x3F94] =	sst s1;
	(tag) =	ssettag s2;
	_ =	strace s9  }
0x27: {  	s1 =	sld [smem:$0x3FA4]  }
0x28: {  	s2 =	sld [smem:$0x3FA5]  }
0x29: {  	s4 =	sld [smem:$0x3FA7]  }
0x2a: {  	p0 =	seq.s32 s5, $0x0;
	s5 =	sld [smem:$0x3FA8]  }
0x2b: {  	s6 =	sld [smem:$0x3FA9]  }
0x2c: {  	s7 =	sld [smem:$0x3FAA]  }
0x2d: {  	s3 =	simm.s32 $0x108;
	s8 =	sld [smem:$0x3FAB]  }
0x2e: {  	s3 =	simm.s32 @!p0 $0x1082;
	s9 =	sld [smem:$0x3FAC]  }
0x2f: {  	lr =	sadd.s32 s0, s3;
	s0 =	sld [smem:$0x3FA3]  }
0x30: {  	s3 =	sld [smem:$0x3FA6]  }
0x31: {  	[smem:$0x3FAF] =	sst s10  }
0x32: {  	s10 =	sld [smem:$0x3FAD];
	_ =	sdelay $0x3  }
0x33: {  	p0 =	seq.s32 s10, $0x1;
	s10 =	sld [smem:$0x3FAF];
	_ =	sdelay $0x3  }
0x34: {  	[smem:$0x3FAF] =	sst s10  }
0x35: {  	s10 =	sld [smem:$0x3FAE];
	_ =	sdelay $0x3  }
0x36: {  	p1 =	seq.s32 s10, $0x1;
	s10 =	sld [smem:$0x3FAF];
	_ =	sdelay $0x3  }
0x37: {  	[smem:$0x3FAF] =	sst s10  }
0x38: {  	s10 =	sld [smem:$0x3FB0]  }
0x39: {  	_ = 	snop;
	(pc) =	sbr.ind lr, $3  }
0x3a: {  	_ = 	snop  }
0x3b: {  	_ = 	snop  }
0x3c: {  	p2 =	seq.s32 s10, $0x1;
	s10 =	sld [smem:$0x3FAF]  }
0x3d: {  	_ =	shalt  }
0x3e: {  	_ =	shalt  }
0x3f: {  	_ =	shalt  }
0x40: {  	_ =	shalt  }
0x41: {  	_ =	shalt  }
0x42: {  	_ =	shalt  }
0x43: {  	_ =	shalt  }
0x44: {  	_ =	shalt  }
0x45: {  	_ =	shalt  }
0x46: {  	_ =	shalt  }
0x47: {  	_ =	shalt  }
0x48: {  	_ =	shalt  }
0x49: {  	_ =	shalt  }
0x4a: {  	_ =	shalt  }
0x4b: {  	_ =	shalt  }
0x4c: {  	_ =	shalt  }
0x4d: {  	_ =	shalt  }
0x4e: {  	_ =	shalt  }
0x4f: {  	_ =	shalt  }
0x50: {  	_ =	shalt  }
0x51: {  	_ =	shalt  }
0x52: {  	_ =	shalt  }
0x53: {  	_ =	shalt  }
0x54: {  	_ =	shalt  }
0x55: {  	_ =	shalt  }
0x56: {  	_ =	shalt  }
0x57: {  	_ =	shalt  }
0x58: {  	_ =	shalt  }
0x59: {  	_ =	shalt  }
0x5a: {  	_ =	shalt  }
0x5b: {  	_ =	shalt  }
0x5c: {  	_ =	shalt  }
0x5d: {  	_ =	shalt  }
0x5e: {  	_ =	shalt  }
0x5f: {  	_ =	shalt  }
0x60: {  	_ =	shalt  }
0x61: {  	_ =	shalt  }
0x62: {  	_ =	shalt  }
0x63: {  	_ =	shalt  }
0x64: {  	_ =	shalt  }
0x65: {  	_ =	shalt  }
0x66: {  	_ =	shalt  }
0x67: {  	_ =	shalt  }
0x68: {  	_ =	shalt  }
0x69: {  	_ =	shalt  }
0x6a: {  	_ =	shalt  }
0x6b: {  	_ =	shalt  }
0x6c: {  	_ =	shalt  }
0x6d: {  	_ =	shalt  }
0x6e: {  	_ =	shalt  }
0x6f: {  	_ =	shalt  }
0x70: {  	_ =	shalt  }
0x71: {  	_ =	shalt  }
0x72: {  	_ =	shalt  }
0x73: {  	_ =	shalt  }
0x74: {  	_ =	shalt  }
0x75: {  	_ =	shalt  }
0x76: {  	_ =	shalt  }
0x77: {  	_ =	shalt  }
0x78: {  	_ =	shalt  }
0x79: {  	_ =	shalt  }
0x7a: {  	_ =	shalt  }
0x7b: {  	_ =	shalt  }
0x7c: {  	_ =	shalt  }
0x7d: {  	_ =	shalt  }
0x7e: {  	_ =	shalt  }
0x7f: {  	_ =	shalt  }
0x80: {  	_ =	shalt  }
0x81: {  	_ =	shalt  }
0x82: {  	_ =	shalt  }
0x83: {  	_ =	shalt  }
0x84: {  	_ =	shalt  }
0x85: {  	_ =	shalt  }
0x86: {  	_ =	shalt  }
0x87: {  	_ =	shalt  }
.Lfunc_end0:
.L_simem_size_0:
called_computation.1_lowered:
.L_overlay_start_0:
0x88: {  	s2 =	sld [smem:$0x3FD9]  }
0x89: {  	s3 =	sld [smem:$0x3FFE];
	_ =	sdelay $0x1  }
0x8a: {  	s1 =	srdreg.scid  }
0x8b: {  	s0 =	sand.u32 $0x1, s1  }
0x8c: {  	s17 =	sshll.u32 s0, $0xA;
	s2 =	sadd.s32 s3, s2  }
0x8d: {  	s2 =	sadd.s32 s2, s17  }
0x8e: {  	[smem:$0x3FBB] =	sst s2  }
0x8f: {  	_ = 	snop  }
0x90: {  	s18 =	sld [smem:$0x3FC9];
	(tm) =	ssettm $0x1  }
0x91: {  	s19 =	sld [smem:$0x3FFB];
	_ =	sdelay $0x3  }
0x92: {  	_ =	strace s19  }
0x93: {  	s2 =	sld [smem:$0x3FFC];
	_ =	sdelay $0x3  }
0x94: {  	_ =	strace s2  }
0x95: {  	s2 =	sld [smem:$0x3FFD];
	_ =	sdelay $0x3  }
0x96: {  	_ =	strace s2  }
0x97: {  	_ =	strace $0x8FFFFFFF  }
0x98: {  	s20 =	sld [smem:$0x3FDB];
	_ =	sdelay $0x1  }
0x99: {  	s4 =	simm.s32 $_scs_section_size  }
0x9a: {  	s5 =	simm.s32 $_size__tile_overlayer_lowered;
	s6 =	simm.s32 $_tile_overlayer_lowered  }
0x9b: {  	s7 =	simm.s32 $0x1BFF;
	s21 =	sshll.u32 s6, $0x1;
	s4 =	sadd.s32 s4, s20  }
0x9c: {  	s22 =	simm.s32 $0x0;
	s5 =	sshll.u32 s5, $0x1;
	s6 =	sadd.s32 s21, s4  }
0x9d: {  	[timem:s22], [sflag:s7] =	dma.local [hbm:s6], s5  }
0x9e: {  	_ =	swait.ge [sflag:s7], s5  }
0x9f: {  	s5 =	ssub.s32 $0x0, s5;
	[sflag:s7] =	ssyncset.done $0x0  }
0xa0: {  	[sflag:s7] =	ssyncadd.s32 s5;
	_ =	sdelay $0x1  }
0xa1: {  	s23 =	simm.s32 $0x1B8B  }
0xa2: {  	_ =	swait.ge [sflag:s23], $0x1  }
0xa3: {  	[sflag:s23] =	ssyncset.done $0x0  }
0xa4: {  	[sflag:s23] =	ssyncadd.s32 $0xFFFFFFFF  }
0xa5: {  	s5 =	sld [smem:$0x0]  }
0xa6: {  	s6 =	sand.u32 $0xFFFFFFFE, s1  }
0xa7: {  	p0 =	sne.s32 s1, s6  }
0xa8: {  	s6 =	sshll.u32 @p0 s6, $0xE  }
0xa9: {  	s6 =	sadd.s32 @p0 $0x11B8D, s6;
	s7 =	sshll.u32 @p0 s5, $0x11  }
0xaa: {  	s6 =	sor.u32 @p0 s7, s6  }
0xab: {  	[sflag:s6] =	ssyncadd.remote.s32 @p0 $0x1;
	_ =	sdelay $0x1  }
0xac: {  	s6 =	simm.s32 @p0 $0x1B8D  }
0xad: {  	_ =	swait.eq @p0 [sflag:s6], $0x1  }
0xae: {  	[sflag:s6] =	ssyncadd.s32 @p0 $0xFFFFFFFF  }
0xaf: {  	s7 =	sshll.u32 @!p0 s1, $0xE  }
0xb0: {  	s7 =	sor.u32 @!p0 $0x4000, s7;
	s6 =	simm.s32 @!p0 $0x1B8D  }
0xb1: {  	s5 =	sshll.u32 @!p0 s5, $0x11;
	s7 =	sadd.s32 @!p0 $0x11B8D, s7;
	_ =	swait.eq @!p0 [sflag:s6], $0x1  }
0xb2: {  	s5 =	sor.u32 @!p0 s5, s7;
	[sflag:s6] =	ssyncadd.s32 @!p0 $0xFFFFFFFF  }
0xb3: {  	s25 =	simm.s32 $0x1B8E;
	s24 =	sld [smem:$0x3FFE];
	[sflag:s5] =	ssyncadd.remote.s32 @!p0 $0x1  }
0xb4: {  	s26 =	simm.s32 $execute0_lowered;
	[smem:$0x3FD2] =	sst s25  }
0xb5: {  	s6 =	sshll.u32 s26, $0x1;
	_ =	strace $0x80000049;
	[dreg:$0x1] =	wrdreg $0xFFFFFFFF  }
0xb6: {  	s28 =	simm.s32 $_size_execute0_lowered;
	s4 =	sadd.s32 s4, s6;
	[dreg:$0x0] =	wrdreg $0x0  }
0xb7: {  	s6 =	sshll.u32 s28, $0x1;
	[dreg:$0x2] =	wrdreg s4  }
0xb8: {  	[dreg:$0x3] =	wrdreg s6  }
0xb9: {  	[dreg:$0x4] =	wrdreg $0xC0  }
0xba: {  	_ =	task [dreg:s22], $0x5FFFF  }
0xbb: {  	[dreg:$0x1] =	wrdreg $0xFFFFFFFF  }
0xbc: {  	[dreg:$0x0] =	wrdreg $0x60  }
0xbd: {  	[dreg:$0x2] =	wrdreg s18  }
0xbe: {  	[dreg:$0x3] =	wrdreg s24  }
0xbf: {  	[dreg:$0x4] =	wrdreg $0xA  }
0xc0: {  	_ =	task.clear_ibuf [dreg:s22], $0x5FFFF;
	_ =	strace $0x90000049  }
0xc1: {  	s29 =	simm.s32 $0xA;
	_ =	strace $0x8000004B  }
0xc2: {  	_ =	swait.ge [sflag:s29], $0x1  }
0xc3: {  	[sflag:s29] =	ssyncadd.s32 $0xFFFFFFFF  }
0xc4: {  	_ =	strace $0x9000004B  }
0xc5: {  	_ =	sfence  }
0xc6: {  	s30 =	sld [smem:$0x0];
	_ =	sdelay $0x2  }
0xc7: {  	s31 =	sshll.u32 s1, $0xD;
	s1 =	sshrl.u32 s1, $0x2  }
0xc8: {  	s4 =	sand.u32 $0x4000, s31;
	s1 =	sadd.s32 s1, s30  }
0xc9: {  	s0 =	sor.u32 s4, s0;
	s1 =	sshll.u32 s1, $0x11  }
0xca: {  	s0 =	sor.u32 s1, s0  }
0xcb: {  	s0 =	sadd.s32 $0x8F2B, s0  }
0xcc: {  	[sflag:s0] =	ssyncadd.remote.s32 $0x1  }
0xcd: {  	_ =	sfence.sel $0xFFFF  }
0xce: {  	[dreg:$0x0] =	wrdreg $0xFFFFFFFF;
	(pc) =	sbr.abs _section_cstart, $3  }
0xcf: {  	[dreg:$0x1] =	wrdreg $0xFFFFFFFF  }
0xd0: {  	_ =	task.clear_ibuf [dreg:s22], $0x2FFFF;
	_ =	strace $0x9FFFFFFF  }
0xd1: {  	(tm) =	ssettm $0x7FFFFFFF  }
tec
execute0_lowered:
.L_overlay_start_1:
0x0: {  	(tag) =	ssettag $0x1  }
0x1: {  	s1 =	srdreg.scid;
	s0 =	stileid.u32  }
0x2: {  	s16 =	sand.u32 $0x1, s1;
	s30 =	sshll.u32 s0, $0x1  }
0x3: {  	s11 =	sor.u32 s16, s30  }
0x4: {  	s2 =	rddreg [dreg:$0x0];
	s4 =	smul.u32 $0x640, s11  }
0x5: {  	s10 =	rddreg [dreg:$0x1]  }
0x6: {  	s3 =	simm.s32 $0x0;
	s1 =	rddreg [dreg:$0x2];
	s4 =	sshrl.u32 s4, $0x3  }
0x7: {  	[smem:$0x7FF] =	sst s3;
	s4 =	sadd.s32 s10, s4  }
0x8: {  	_ =	strace $0x8000004A;
	s5 =	sadd.s32 $0x6040, s4;
	s4 =	simm.s32 $0x3  }
0x9: {  	[tilespmem:s3], [sflag:$0x3] =	stream.linear.gather [hbm4b:s5+s3], $0x640, $0x38;
	[tilespmem:$0x19680] =	vst v63  }
0xa: {  	_ =	swait.ge [sflag:s4], $0x640  }
0xb: {  	[sflag:s4] =	ssyncset.done $0x0  }
0xc: {  	s6 =	simm.s32 $0x190;
	s7 =	simm.s32 $0x680;
	[sflag:s4] =	ssyncadd.s32 $0xFFFFF9C0  }
0xd: {  	[tilespmem:s7], [sflag:$0x1] =	stream.indirect.gather [hbm4b:s2+s6], $0x80, s3, s6, $0xb8;
	[tilespmem:$0x19680] =	vst v63  }
0xe: {  	s8 =	simm.s32 $0xCE80;
	s9 =	simm.s32 $0x1  }
0xf: {  	[tilespmem:s8], [sflag:$0x2] =	stream.indirect.gather [hbm4b:s2+s6], $0x80, s6, s6, $0xb8;
	[tilespmem:$0x19680] =	vst v63  }
0x10: {  	s12 =	smul.u32 $0x6400, s11;
	_ =	swait.ge [sflag:s9], $0xC800  }
0x11: {  	s13 =	sadd.s32 $0x41800, s10;
	[sflag:s9] =	ssyncset.done $0x0  }
0x12: {  	s10 =	sadd.s32 s13, s12;
	[sflag:s9] =	ssyncadd.s32 $0xFFFF3800  }
0x13: {  	[hbm4b:s10+s3] =	stream.linear.scatter [tilespmem:s7], [sflag:$0x3], $0xC800, $0x38;
	[tilespmem:$0x19680] =	vst v63  }
0x14: {  	_ =	swait.ge [sflag:s4], $0xC800  }
0x15: {  	s14 =	smul.u32 $0x32000, s11;
	[sflag:s4] =	ssyncset.done $0x0  }
0x16: {  	s11 =	simm.s32 $0x320;
	s12 =	simm.s32 $0x2;
	[sflag:s4] =	ssyncadd.s32 $0xFFFF3800  }
0x17: {  	[tilespmem:s7], [sflag:$0x1] =	stream.indirect.gather [hbm4b:s2+s6], $0x80, s11, s6, $0xb8;
	[tilespmem:$0x19680] =	vst v63  }
0x18: {  	s14 =	sshrl.u32 s14, $0x3;
	_ =	swait.ge [sflag:s12], $0xC800  }
0x19: {  	s17 =	sadd.s32 s13, s14;
	[sflag:s12] =	ssyncset.done $0x0  }
0x1a: {  	s13 =	sadd.s32 $0x1900, s17;
	[sflag:s12] =	ssyncadd.s32 $0xFFFF3800  }
0x1b: {  	[hbm4b:s13+s3] =	stream.linear.scatter [tilespmem:s8], [sflag:$0x3], $0xC800, $0x38;
	[tilespmem:$0x19680] =	vst v63  }
0x1c: {  	_ =	swait.ge [sflag:s4], $0xC800  }
0x1d: {  	[sflag:s4] =	ssyncset.done $0x0  }
0x1e: {  	s14 =	simm.s32 $0x4B0;
	[sflag:s4] =	ssyncadd.s32 $0xFFFF3800  }
0x1f: {  	[tilespmem:s8], [sflag:$0x2] =	stream.indirect.gather [hbm4b:s2+s6], $0x80, s14, s6, $0xb8;
	[tilespmem:$0x19680] =	vst v63  }
0x20: {  	_ =	swait.ge [sflag:s9], $0xC800  }
0x21: {  	[sflag:s9] =	ssyncset.done $0x0  }
0x22: {  	s16 =	ssub.s32 $0x2, s16;
	s15 =	sadd.s32 $0x3200, s17;
	[sflag:s9] =	ssyncadd.s32 $0xFFFF3800  }
0x23: {  	[hbm4b:s15+s3] =	stream.linear.scatter [tilespmem:s7], [sflag:$0x3], $0xC800, $0x38;
	[tilespmem:$0x19680] =	vst v63  }
0x24: {  	s18 =	sshrl.u32 s16, $0x1;
	_ =	swait.ge [sflag:s4], $0xC800  }
0x25: {  	s18 =	ssub.s32 s16, s18;
	[sflag:s4] =	ssyncset.done $0x0  }
0x26: {  	s31 =	smax.u32 s18, $0x1;
	[sflag:s4] =	ssyncadd.s32 $0xFFFF3800  }
0x27: {  	p0 =	sne.s32 s31, $0x1;
	_ =	swait.ge [sflag:s12], $0xC800  }
.Ltmp0:
0x28: {  	[sflag:s12] =	ssyncset.done $0x0;
	(pc) =	sbr.rel @!p0 .LBB2_2-.Ltmp0, $4  }
0x29: {  	s16 =	sadd.s32 $0x4B00, s17;
	[sflag:s12] =	ssyncadd.s32 $0xFFFF3800  }
0x2a: {  	[hbm4b:s16+s3] =	stream.linear.scatter [tilespmem:s8], [sflag:$0x3], $0xC800, $0x38;
	[tilespmem:$0x19680] =	vst v63  }
0x2b: {  	_ =	swait.ge [sflag:s4], $0xC800  }
0x2c: {  	s17 =	sadd.s32 $0xFFFFFFFF, s31;
	[sflag:s4] =	ssyncset.done $0x0  }
.LBB2_1:
0x2d: {  	p0 =	sne.s32 s17, $0x1;
	s17 =	sadd.s32 $0xFFFFFFFF, s17;
	[sflag:s4] =	ssyncadd.s32 $0xFFFF3800  }
0x2e: {  	[tilespmem:s3], [sflag:$0x3] =	stream.linear.gather [hbm4b:s5+s3], $0x640, $0x38;
	[tilespmem:$0x19680] =	vst v63  }
0x2f: {  	_ =	swait.ge [sflag:s4], $0x640  }
0x30: {  	[sflag:s4] =	ssyncset.done $0x0  }
0x31: {  	[sflag:s4] =	ssyncadd.s32 $0xFFFFF9C0  }
0x32: {  	[tilespmem:s7], [sflag:$0x1] =	stream.indirect.gather [hbm4b:s2+s6], $0x80, s3, s6, $0xb8;
	[tilespmem:$0x19680] =	vst v63  }
0x33: {  	_ = 	snop  }
0x34: {  	[tilespmem:s8], [sflag:$0x2] =	stream.indirect.gather [hbm4b:s2+s6], $0x80, s6, s6, $0xb8;
	[tilespmem:$0x19680] =	vst v63  }
0x35: {  	_ =	swait.ge [sflag:s9], $0xC800  }
0x36: {  	[sflag:s9] =	ssyncset.done $0x0  }
0x37: {  	[sflag:s9] =	ssyncadd.s32 $0xFFFF3800  }
0x38: {  	[hbm4b:s10+s3] =	stream.linear.scatter [tilespmem:s7], [sflag:$0x3], $0xC800, $0x38;
	[tilespmem:$0x19680] =	vst v63  }
0x39: {  	_ =	swait.ge [sflag:s4], $0xC800  }
0x3a: {  	[sflag:s4] =	ssyncset.done $0x0  }
0x3b: {  	[sflag:s4] =	ssyncadd.s32 $0xFFFF3800  }
0x3c: {  	[tilespmem:s7], [sflag:$0x1] =	stream.indirect.gather [hbm4b:s2+s6], $0x80, s11, s6, $0xb8;
	[tilespmem:$0x19680] =	vst v63  }
0x3d: {  	_ =	swait.ge [sflag:s12], $0xC800  }
0x3e: {  	[sflag:s12] =	ssyncset.done $0x0  }
0x3f: {  	[sflag:s12] =	ssyncadd.s32 $0xFFFF3800  }
0x40: {  	[hbm4b:s13+s3] =	stream.linear.scatter [tilespmem:s8], [sflag:$0x3], $0xC800, $0x38;
	[tilespmem:$0x19680] =	vst v63  }
0x41: {  	_ =	swait.ge [sflag:s4], $0xC800  }
0x42: {  	[sflag:s4] =	ssyncset.done $0x0  }
0x43: {  	[sflag:s4] =	ssyncadd.s32 $0xFFFF3800  }
0x44: {  	[tilespmem:s8], [sflag:$0x2] =	stream.indirect.gather [hbm4b:s2+s6], $0x80, s14, s6, $0xb8;
	[tilespmem:$0x19680] =	vst v63  }
0x45: {  	_ =	swait.ge [sflag:s9], $0xC800  }
0x46: {  	[sflag:s9] =	ssyncset.done $0x0  }
0x47: {  	[sflag:s9] =	ssyncadd.s32 $0xFFFF3800  }
0x48: {  	[hbm4b:s15+s3] =	stream.linear.scatter [tilespmem:s7], [sflag:$0x3], $0xC800, $0x38;
	[tilespmem:$0x19680] =	vst v63  }
0x49: {  	_ =	swait.ge [sflag:s4], $0xC800  }
0x4a: {  	[sflag:s4] =	ssyncset.done $0x0  }
0x4b: {  	[sflag:s4] =	ssyncadd.s32 $0xFFFF3800  }
0x4c: {  	_ =	swait.ge [sflag:s12], $0xC800  }
.Ltmp1:
0x4d: {  	[sflag:s12] =	ssyncset.done $0x0;
	(pc) =	sbr.rel @p0 .LBB2_1-.Ltmp1, $4  }
0x4e: {  	[sflag:s12] =	ssyncadd.s32 $0xFFFF3800  }
0x4f: {  	[hbm4b:s16+s3] =	stream.linear.scatter [tilespmem:s8], [sflag:$0x3], $0xC800, $0x38;
	[tilespmem:$0x19680] =	vst v63  }
0x50: {  	_ =	swait.ge [sflag:s4], $0xC800  }
0x51: {  	[sflag:s4] =	ssyncset.done $0x0  }
.LBB2_2:
0x52: {  	[sflag:s4] =	ssyncadd.s32 $0xFFFF3800  }
0x53: {  	_ =	sfence.sel $0x180000  }
0x54: {  	[bflag:$0x0] =	sbarrier.arrive $0xFFFF  }
0x55: {  	p0 =	sne.s32 s0, $0x0;
	_ =	strace $0x9000004A  }
0x56: {  	s0 =	sadd.s32 @!p0 $0x100000, s1;
	[bflag:$0x2] =	sbarrier.arrive $0xFFFF  }
0x57: {  	[sflag:s0] =	ssyncadd.tile.s32 @!p0 $0x1;
	_ =	shalt  }
.Lfunc_end2:
_tile_overlayer_lowered:
.L_overlay_start_2:
0x58: {  	(tag) =	ssettag $0x2  }
0x59: {  	s0 =	rddreg [dreg:$0x0];
	s2 =	stileid.u32  }
0x5a: {  	s1 =	rddreg [dreg:$0x1];
	p0 =	sne.s32 s2, $0x0  }
0x5b: {  	s3 =	rddreg [dreg:$0x2];
	[bflag:$0x3] =	sbarrier.arrive $0xFFFF;
	s2 =	simm.s32 @!p0 $0x1C03  }
0x5c: {  	[timem:s3], [sflag:s2] =	dma.local @!p0 [hbm:s0], s1  }
0x5d: {  	s0 =	simm.s32 @!p0 $0x3  }
0x5e: {  	_ =	swait.ge @!p0 [sflag:s0], s1  }
0x5f: {  	s1 =	ssub.s32 @!p0 $0x0, s1;
	[sflag:s0] =	ssyncset.done @!p0 $0x0  }
0x60: {  	[sflag:s0] =	ssyncadd.s32 @!p0 s1  }
0x61: {  	[bflag:$0x3] =	sbarrier.arrive $0xFFFF  }
0x62: {  	_ =	shalt  }

// kernel: kernel.20.cloned.1.call-start
scs
__scs_entry_jumppad:
0x0: {  	(pc) =	sbr.rel $0x88, $3  }
0x1: {  	(tag) =	ssettag $0x0;
	lr =	simm.s32 $0x1  }
0x2: {  	[smem:$0x3F94] =	sst lr;
	_ =	strace $0xD0000000  }
0x3: {  	_ = 	snop  }
0x4: {  	_ = 	snop  }
0x5: {  	_ = 	snop  }
0x6: {  	_ = 	snop  }
0x7: {  	_ = 	snop  }
__scs_overlays_trampoline_lowered:
0x8: {  	[smem:$0x3FA3] =	sst s0  }
0x9: {  	[smem:$0x3FA4] =	sst s1  }
0xa: {  	[smem:$0x3FA5] =	sst s2  }
0xb: {  	[smem:$0x3FA6] =	sst s3  }
0xc: {  	[smem:$0x3FA7] =	sst s4  }
0xd: {  	[smem:$0x3FA8] =	sst s5  }
0xe: {  	[smem:$0x3FA9] =	sst s6  }
0xf: {  	[smem:$0x3FAA] =	sst s7  }
0x10: {  	[smem:$0x3FAB] =	sst s8  }
0x11: {  	[smem:$0x3FAC] =	sst s9;
	s0 =	simm.s32 @!p0 $0x0  }
0x12: {  	s1 =	sld [smem:$0x3F92];
	s0 =	simm.s32 @p0 $0x1  }
0x13: {  	[smem:$0x3FAD] =	sst s0;
	s0 =	simm.s32 @!p1 $0x0  }
0x14: {  	s2 =	sld [smem:$0x3F91];
	s0 =	simm.s32 @p1 $0x1  }
0x15: {  	[smem:$0x3FAE] =	sst s0;
	s0 =	simm.s32 @!p2 $0x0  }
0x16: {  	s3 =	sld [smem:$0x3FDB];
	s0 =	simm.s32 @p2 $0x1  }
0x17: {  	s4 =	simm.s32 $0x1BF5;
	[smem:$0x3FB0] =	sst s0  }
0x18: {  	s0 =	sld [smem:$0x3F93];
	_ =	swait.ge [sflag:s4], $0x0  }
0x19: {  	s7 =	sld [smem:$0x3F94]  }
0x1a: {  	s8 =	sadd.s32 $0xFFFFE003, lr  }
0x1b: {  	s9 =	sadd.s32 $0xFFFFFEF7, lr;
	s5 =	simm.s32 $0xFFFFFFFF;
	p2 =	slt.u32 s8, $0xFFFFF086  }
0x1c: {  	p1 =	slt.u32 s9, $0xF7A;
	s5 =	simm.s32 @!p2 $0x0  }
0x1d: {  	s5 =	simm.s32 @p1 $0x1;
	p0 =	seq.s32 s7, s2  }
0x1e: {  	s7 =	smul.u32 @!p0 $0xF7A, s2;
	p2 =	seq.s32 @!p0 s5, $0x0  }
0x1f: {  	s9 =	smul.u32 $0xF7A, s1;
	s8 =	simm.s32 @!p0 $0x1BF5;
	p2 =	por !p2, p0  }
0x20: {  	[sflag:s8] =	ssyncset.s32 @!p0 $0xFFFFF086;
	s6 =	sadd.s32 @!p0 s3, s7;
	s7 =	simm.s32 @!p0 $0x108  }
0x21: {  	s3 =	sadd.s32 s3, s9;
	s6 =	sadd.s32 @!p0 $0x88, s6;
	s7 =	simm.s32 @p2 $0x1082  }
0x22: {  	[simem:s7], [sflag:s8] =	dma.local @!p0 [hbm:s6], $0xF7A  }
0x23: {  	s9 =	sor.u32 $0xD0000000, s2;
	s6 =	simm.s32 $0x108;
	_ =	swait.ge @!p0 [sflag:s8], $0x0  }
0x24: {  	s3 =	sadd.s32 $0x88, s3;
	s6 =	simm.s32 @!p1 $0x1082;
	[sflag:s4] =	ssyncset.s32 $0xFFFFF086  }
0x25: {  	[simem:s6], [sflag:s4] =	dma.local [hbm:s3], $0xF7A  }
0x26: {  	[smem:$0x3F94] =	sst s1;
	(tag) =	ssettag s2;
	_ =	strace s9  }
0x27: {  	s1 =	sld [smem:$0x3FA4]  }
0x28: {  	s2 =	sld [smem:$0x3FA5]  }
0x29: {  	s4 =	sld [smem:$0x3FA7]  }
0x2a: {  	p0 =	seq.s32 s5, $0x0;
	s5 =	sld [smem:$0x3FA8]  }
0x2b: {  	s6 =	sld [smem:$0x3FA9]  }
0x2c: {  	s7 =	sld [smem:$0x3FAA]  }
0x2d: {  	s3 =	simm.s32 $0x108;
	s8 =	sld [smem:$0x3FAB]  }
0x2e: {  	s3 =	simm.s32 @!p0 $0x1082;
	s9 =	sld [smem:$0x3FAC]  }
0x2f: {  	lr =	sadd.s32 s0, s3;
	s0 =	sld [smem:$0x3FA3]  }
0x30: {  	s3 =	sld [smem:$0x3FA6]  }
0x31: {  	[smem:$0x3FAF] =	sst s10  }
0x32: {  	s10 =	sld [smem:$0x3FAD];
	_ =	sdelay $0x3  }
0x33: {  	p0 =	seq.s32 s10, $0x1;
	s10 =	sld [smem:$0x3FAF];
	_ =	sdelay $0x3  }
0x34: {  	[smem:$0x3FAF] =	sst s10  }
0x35: {  	s10 =	sld [smem:$0x3FAE];
	_ =	sdelay $0x3  }
0x36: {  	p1 =	seq.s32 s10, $0x1;
	s10 =	sld [smem:$0x3FAF];
	_ =	sdelay $0x3  }
0x37: {  	[smem:$0x3FAF] =	sst s10  }
0x38: {  	s10 =	sld [smem:$0x3FB0]  }
0x39: {  	_ = 	snop;
	(pc) =	sbr.ind lr, $3  }
0x3a: {  	_ = 	snop  }
0x3b: {  	_ = 	snop  }
0x3c: {  	p2 =	seq.s32 s10, $0x1;
	s10 =	sld [smem:$0x3FAF]  }
0x3d: {  	_ =	shalt  }
0x3e: {  	_ =	shalt  }
0x3f: {  	_ =	shalt  }
0x40: {  	_ =	shalt  }
0x41: {  	_ =	shalt  }
0x42: {  	_ =	shalt  }
0x43: {  	_ =	shalt  }
0x44: {  	_ =	shalt  }
0x45: {  	_ =	shalt  }
0x46: {  	_ =	shalt  }
0x47: {  	_ =	shalt  }
0x48: {  	_ =	shalt  }
0x49: {  	_ =	shalt  }
0x4a: {  	_ =	shalt  }
0x4b: {  	_ =	shalt  }
0x4c: {  	_ =	shalt  }
0x4d: {  	_ =	shalt  }
0x4e: {  	_ =	shalt  }
0x4f: {  	_ =	shalt  }
0x50: {  	_ =	shalt  }
0x51: {  	_ =	shalt  }
0x52: {  	_ =	shalt  }
0x53: {  	_ =	shalt  }
0x54: {  	_ =	shalt  }
0x55: {  	_ =	shalt  }
0x56: {  	_ =	shalt  }
0x57: {  	_ =	shalt  }
0x58: {  	_ =	shalt  }
0x59: {  	_ =	shalt  }
0x5a: {  	_ =	shalt  }
0x5b: {  	_ =	shalt  }
0x5c: {  	_ =	shalt  }
0x5d: {  	_ =	shalt  }
0x5e: {  	_ =	shalt  }
0x5f: {  	_ =	shalt  }
0x60: {  	_ =	shalt  }
0x61: {  	_ =	shalt  }
0x62: {  	_ =	shalt  }
0x63: {  	_ =	shalt  }
0x64: {  	_ =	shalt  }
0x65: {  	_ =	shalt  }
0x66: {  	_ =	shalt  }
0x67: {  	_ =	shalt  }
0x68: {  	_ =	shalt  }
0x69: {  	_ =	shalt  }
0x6a: {  	_ =	shalt  }
0x6b: {  	_ =	shalt  }
0x6c: {  	_ =	shalt  }
0x6d: {  	_ =	shalt  }
0x6e: {  	_ =	shalt  }
0x6f: {  	_ =	shalt  }
0x70: {  	_ =	shalt  }
0x71: {  	_ =	shalt  }
0x72: {  	_ =	shalt  }
0x73: {  	_ =	shalt  }
0x74: {  	_ =	shalt  }
0x75: {  	_ =	shalt  }
0x76: {  	_ =	shalt  }
0x77: {  	_ =	shalt  }
0x78: {  	_ =	shalt  }
0x79: {  	_ =	shalt  }
0x7a: {  	_ =	shalt  }
0x7b: {  	_ =	shalt  }
0x7c: {  	_ =	shalt  }
0x7d: {  	_ =	shalt  }
0x7e: {  	_ =	shalt  }
0x7f: {  	_ =	shalt  }
0x80: {  	_ =	shalt  }
0x81: {  	_ =	shalt  }
0x82: {  	_ =	shalt  }
0x83: {  	_ =	shalt  }
0x84: {  	_ =	shalt  }
0x85: {  	_ =	shalt  }
0x86: {  	_ =	shalt  }
0x87: {  	_ =	shalt  }
.Lfunc_end0:
.L_simem_size_0:
called_computation.2_lowered:
.L_overlay_start_0:
0x88: {  	s2 =	sld [smem:$0x3FD9]  }
0x89: {  	s3 =	sld [smem:$0x3FFE];
	_ =	sdelay $0x1  }
0x8a: {  	s1 =	srdreg.scid  }
0x8b: {  	s0 =	sand.u32 $0x1, s1  }
0x8c: {  	s17 =	sshll.u32 s0, $0xA;
	s2 =	sadd.s32 s3, s2  }
0x8d: {  	s2 =	sadd.s32 s2, s17  }
0x8e: {  	[smem:$0x3FBB] =	sst s2  }
0x8f: {  	_ = 	snop  }
0x90: {  	s18 =	sld [smem:$0x3FC9];
	(tm) =	ssettm $0x1  }
0x91: {  	s19 =	sld [smem:$0x3FFB];
	_ =	sdelay $0x3  }
0x92: {  	_ =	strace s19  }
0x93: {  	s2 =	sld [smem:$0x3FFC];
	_ =	sdelay $0x3  }
0x94: {  	_ =	strace s2  }
0x95: {  	s2 =	sld [smem:$0x3FFD];
	_ =	sdelay $0x3  }
0x96: {  	_ =	strace s2  }
0x97: {  	_ =	strace $0x8FFFFFFF  }
0x98: {  	s20 =	sld [smem:$0x3FDB];
	_ =	sdelay $0x1  }
0x99: {  	s4 =	simm.s32 $_scs_section_size  }
0x9a: {  	s5 =	simm.s32 $_size__tile_overlayer_lowered;
	s6 =	simm.s32 $_tile_overlayer_lowered  }
0x9b: {  	s7 =	simm.s32 $0x1BFF;
	s21 =	sshll.u32 s6, $0x1;
	s4 =	sadd.s32 s4, s20  }
0x9c: {  	s22 =	simm.s32 $0x0;
	s5 =	sshll.u32 s5, $0x1;
	s6 =	sadd.s32 s21, s4  }
0x9d: {  	[timem:s22], [sflag:s7] =	dma.local [hbm:s6], s5  }
0x9e: {  	_ =	swait.ge [sflag:s7], s5  }
0x9f: {  	s5 =	ssub.s32 $0x0, s5;
	[sflag:s7] =	ssyncset.done $0x0  }
0xa0: {  	[sflag:s7] =	ssyncadd.s32 s5;
	_ =	sdelay $0x1  }
0xa1: {  	s23 =	simm.s32 $0x1B8B  }
0xa2: {  	_ =	swait.ge [sflag:s23], $0x1  }
0xa3: {  	[sflag:s23] =	ssyncset.done $0x0  }
0xa4: {  	[sflag:s23] =	ssyncadd.s32 $0xFFFFFFFF  }
0xa5: {  	s5 =	sld [smem:$0x0]  }
0xa6: {  	s6 =	sand.u32 $0xFFFFFFFE, s1  }
0xa7: {  	p0 =	sne.s32 s1, s6  }
0xa8: {  	s6 =	sshll.u32 @p0 s6, $0xE  }
0xa9: {  	s6 =	sadd.s32 @p0 $0x11B8D, s6;
	s7 =	sshll.u32 @p0 s5, $0x11  }
0xaa: {  	s6 =	sor.u32 @p0 s7, s6  }
0xab: {  	[sflag:s6] =	ssyncadd.remote.s32 @p0 $0x1;
	_ =	sdelay $0x1  }
0xac: {  	s6 =	simm.s32 @p0 $0x1B8D  }
0xad: {  	_ =	swait.eq @p0 [sflag:s6], $0x1  }
0xae: {  	[sflag:s6] =	ssyncadd.s32 @p0 $0xFFFFFFFF  }
0xaf: {  	s7 =	sshll.u32 @!p0 s1, $0xE  }
0xb0: {  	s7 =	sor.u32 @!p0 $0x4000, s7;
	s6 =	simm.s32 @!p0 $0x1B8D  }
0xb1: {  	s5 =	sshll.u32 @!p0 s5, $0x11;
	s7 =	sadd.s32 @!p0 $0x11B8D, s7;
	_ =	swait.eq @!p0 [sflag:s6], $0x1  }
0xb2: {  	s5 =	sor.u32 @!p0 s5, s7;
	[sflag:s6] =	ssyncadd.s32 @!p0 $0xFFFFFFFF  }
0xb3: {  	s25 =	simm.s32 $0x1B8E;
	s24 =	sld [smem:$0x3FFE];
	[sflag:s5] =	ssyncadd.remote.s32 @!p0 $0x1  }
0xb4: {  	s26 =	simm.s32 $execute0_lowered;
	[smem:$0x3FD2] =	sst s25  }
0xb5: {  	s6 =	sshll.u32 s26, $0x1;
	_ =	strace $0x8000004C;
	[dreg:$0x1] =	wrdreg $0xFFFFFFFF  }
0xb6: {  	s28 =	simm.s32 $_size_execute0_lowered;
	s4 =	sadd.s32 s4, s6;
	[dreg:$0x0] =	wrdreg $0x0  }
0xb7: {  	s6 =	sshll.u32 s28, $0x1;
	[dreg:$0x2] =	wrdreg s4  }
0xb8: {  	[dreg:$0x3] =	wrdreg s6  }
0xb9: {  	[dreg:$0x4] =	wrdreg $0xC0  }
0xba: {  	_ =	task [dreg:s22], $0x5FFFF  }
0xbb: {  	[dreg:$0x1] =	wrdreg $0xFFFFFFFF  }
0xbc: {  	[dreg:$0x0] =	wrdreg $0x60  }
0xbd: {  	[dreg:$0x2] =	wrdreg s18  }
0xbe: {  	[dreg:$0x3] =	wrdreg s24  }
0xbf: {  	[dreg:$0x4] =	wrdreg $0xB  }
0xc0: {  	_ =	task.clear_ibuf [dreg:s22], $0x5FFFF;
	_ =	strace $0x9000004C  }
0xc1: {  	s29 =	simm.s32 $0xB;
	_ =	strace $0x8000004E  }
0xc2: {  	_ =	swait.ge [sflag:s29], $0x1  }
0xc3: {  	[sflag:s29] =	ssyncadd.s32 $0xFFFFFFFF  }
0xc4: {  	_ =	strace $0x9000004E  }
0xc5: {  	_ =	sfence  }
0xc6: {  	s30 =	sld [smem:$0x0];
	_ =	sdelay $0x2  }
0xc7: {  	s31 =	sshll.u32 s1, $0xD;
	s1 =	sshrl.u32 s1, $0x2  }
0xc8: {  	s4 =	sand.u32 $0x4000, s31;
	s1 =	sadd.s32 s1, s30  }
0xc9: {  	s0 =	sor.u32 s4, s0;
	s1 =	sshll.u32 s1, $0x11  }
0xca: {  	s0 =	sor.u32 s1, s0  }
0xcb: {  	s0 =	sadd.s32 $0x8F2B, s0  }
0xcc: {  	[sflag:s0] =	ssyncadd.remote.s32 $0x1  }
0xcd: {  	_ =	sfence.sel $0xFFFF  }
0xce: {  	[dreg:$0x0] =	wrdreg $0xFFFFFFFF;
	(pc) =	sbr.abs _section_cstart, $3  }
0xcf: {  	[dreg:$0x1] =	wrdreg $0xFFFFFFFF  }
0xd0: {  	_ =	task.clear_ibuf [dreg:s22], $0x2FFFF;
	_ =	strace $0x9FFFFFFF  }
0xd1: {  	(tm) =	ssettm $0x7FFFFFFF  }
tec
execute0_lowered:
.L_overlay_start_1:
0x0: {  	(tag) =	ssettag $0x1  }
0x1: {  	s1 =	srdreg.scid;
	s0 =	stileid.u32  }
0x2: {  	s18 =	sand.u32 $0x1, s1;
	s30 =	sshll.u32 s0, $0x1  }
0x3: {  	s11 =	sor.u32 s18, s30  }
0x4: {  	s2 =	rddreg [dreg:$0x0];
	s4 =	smul.u32 $0x7D0, s11  }
0x5: {  	s10 =	rddreg [dreg:$0x1]  }
0x6: {  	s3 =	simm.s32 $0x0;
	s1 =	rddreg [dreg:$0x2];
	s4 =	sshrl.u32 s4, $0x3  }
0x7: {  	[smem:$0x7FF] =	sst s3;
	s4 =	sadd.s32 s10, s4  }
0x8: {  	_ =	strace $0x8000004D;
	s5 =	sadd.s32 $0x7940, s4;
	s4 =	simm.s32 $0x3  }
0x9: {  	[tilespmem:s3], [sflag:$0x3] =	stream.linear.gather [hbm4b:s5+s3], $0x7D0, $0x38;
	[tilespmem:$0x19800] =	vst v63  }
0xa: {  	_ =	swait.ge [sflag:s4], $0x7D0  }
0xb: {  	[sflag:s4] =	ssyncset.done $0x0  }
0xc: {  	s6 =	simm.s32 $0x190;
	s7 =	simm.s32 $0x800;
	[sflag:s4] =	ssyncadd.s32 $0xFFFFF830  }
0xd: {  	[tilespmem:s7], [sflag:$0x1] =	stream.indirect.gather [hbm4b:s2+s6], $0x80, s3, s6, $0xb8;
	[tilespmem:$0x19800] =	vst v63  }
0xe: {  	s8 =	simm.s32 $0xD000;
	s9 =	simm.s32 $0x1  }
0xf: {  	[tilespmem:s8], [sflag:$0x2] =	stream.indirect.gather [hbm4b:s2+s6], $0x80, s6, s6, $0xb8;
	[tilespmem:$0x19800] =	vst v63  }
0x10: {  	s12 =	smul.u32 $0x7D00, s11;
	_ =	swait.ge [sflag:s9], $0xC800  }
0x11: {  	s13 =	sadd.s32 $0x109800, s10;
	[sflag:s9] =	ssyncset.done $0x0  }
0x12: {  	s10 =	sadd.s32 s13, s12;
	[sflag:s9] =	ssyncadd.s32 $0xFFFF3800  }
0x13: {  	[hbm4b:s10+s3] =	stream.linear.scatter [tilespmem:s7], [sflag:$0x3], $0xC800, $0x38;
	[tilespmem:$0x19800] =	vst v63  }
0x14: {  	_ =	swait.ge [sflag:s4], $0xC800  }
0x15: {  	s14 =	smul.u32 $0x3E800, s11;
	[sflag:s4] =	ssyncset.done $0x0  }
0x16: {  	s11 =	simm.s32 $0x320;
	s12 =	simm.s32 $0x2;
	[sflag:s4] =	ssyncadd.s32 $0xFFFF3800  }
0x17: {  	[tilespmem:s7], [sflag:$0x1] =	stream.indirect.gather [hbm4b:s2+s6], $0x80, s11, s6, $0xb8;
	[tilespmem:$0x19800] =	vst v63  }
0x18: {  	s14 =	sshrl.u32 s14, $0x3;
	_ =	swait.ge [sflag:s12], $0xC800  }
0x19: {  	s19 =	sadd.s32 s13, s14;
	[sflag:s12] =	ssyncset.done $0x0  }
0x1a: {  	s13 =	sadd.s32 $0x1900, s19;
	[sflag:s12] =	ssyncadd.s32 $0xFFFF3800  }
0x1b: {  	[hbm4b:s13+s3] =	stream.linear.scatter [tilespmem:s8], [sflag:$0x3], $0xC800, $0x38;
	[tilespmem:$0x19800] =	vst v63  }
0x1c: {  	_ =	swait.ge [sflag:s4], $0xC800  }
0x1d: {  	[sflag:s4] =	ssyncset.done $0x0  }
0x1e: {  	s14 =	simm.s32 $0x4B0;
	[sflag:s4] =	ssyncadd.s32 $0xFFFF3800  }
0x1f: {  	[tilespmem:s8], [sflag:$0x2] =	stream.indirect.gather [hbm4b:s2+s6], $0x80, s14, s6, $0xb8;
	[tilespmem:$0x19800] =	vst v63  }
0x20: {  	_ =	swait.ge [sflag:s9], $0xC800  }
0x21: {  	[sflag:s9] =	ssyncset.done $0x0  }
0x22: {  	s15 =	sadd.s32 $0x3200, s19;
	[sflag:s9] =	ssyncadd.s32 $0xFFFF3800  }
0x23: {  	[hbm4b:s15+s3] =	stream.linear.scatter [tilespmem:s7], [sflag:$0x3], $0xC800, $0x38;
	[tilespmem:$0x19800] =	vst v63  }
0x24: {  	_ =	swait.ge [sflag:s4], $0xC800  }
0x25: {  	[sflag:s4] =	ssyncset.done $0x0  }
0x26: {  	s16 =	simm.s32 $0x640;
	[sflag:s4] =	ssyncadd.s32 $0xFFFF3800  }
0x27: {  	[tilespmem:s7], [sflag:$0x1] =	stream.indirect.gather [hbm4b:s2+s6], $0x80, s16, s6, $0xb8;
	[tilespmem:$0x19800] =	vst v63  }
0x28: {  	_ =	swait.ge [sflag:s12], $0xC800  }
0x29: {  	[sflag:s12] =	ssyncset.done $0x0  }
0x2a: {  	s18 =	ssub.s32 $0x2, s18;
	s17 =	sadd.s32 $0x4B00, s19;
	[sflag:s12] =	ssyncadd.s32 $0xFFFF3800  }
0x2b: {  	[hbm4b:s17+s3] =	stream.linear.scatter [tilespmem:s8], [sflag:$0x3], $0xC800, $0x38;
	[tilespmem:$0x19800] =	vst v63  }
0x2c: {  	s20 =	sshrl.u32 s18, $0x1;
	_ =	swait.ge [sflag:s4], $0xC800  }
0x2d: {  	s20 =	ssub.s32 s18, s20;
	[sflag:s4] =	ssyncset.done $0x0  }
0x2e: {  	s31 =	smax.u32 s20, $0x1;
	[sflag:s4] =	ssyncadd.s32 $0xFFFF3800  }
0x2f: {  	p0 =	sne.s32 s31, $0x1;
	_ =	swait.ge [sflag:s9], $0xC800  }
.Ltmp0:
0x30: {  	[sflag:s9] =	ssyncset.done $0x0;
	(pc) =	sbr.rel @!p0 .LBB2_2-.Ltmp0, $4  }
0x31: {  	s18 =	sadd.s32 $0x6400, s19;
	[sflag:s9] =	ssyncadd.s32 $0xFFFF3800  }
0x32: {  	[hbm4b:s18+s3] =	stream.linear.scatter [tilespmem:s7], [sflag:$0x3], $0xC800, $0x38;
	[tilespmem:$0x19800] =	vst v63  }
0x33: {  	_ =	swait.ge [sflag:s4], $0xC800  }
0x34: {  	s19 =	sadd.s32 $0xFFFFFFFF, s31;
	[sflag:s4] =	ssyncset.done $0x0  }
.LBB2_1:
0x35: {  	p0 =	sne.s32 s19, $0x1;
	s19 =	sadd.s32 $0xFFFFFFFF, s19;
	[sflag:s4] =	ssyncadd.s32 $0xFFFF3800  }
0x36: {  	[tilespmem:s3], [sflag:$0x3] =	stream.linear.gather [hbm4b:s5+s3], $0x7D0, $0x38;
	[tilespmem:$0x19800] =	vst v63  }
0x37: {  	_ =	swait.ge [sflag:s4], $0x7D0  }
0x38: {  	[sflag:s4] =	ssyncset.done $0x0  }
0x39: {  	[sflag:s4] =	ssyncadd.s32 $0xFFFFF830  }
0x3a: {  	[tilespmem:s7], [sflag:$0x1] =	stream.indirect.gather [hbm4b:s2+s6], $0x80, s3, s6, $0xb8;
	[tilespmem:$0x19800] =	vst v63  }
0x3b: {  	_ = 	snop  }
0x3c: {  	[tilespmem:s8], [sflag:$0x2] =	stream.indirect.gather [hbm4b:s2+s6], $0x80, s6, s6, $0xb8;
	[tilespmem:$0x19800] =	vst v63  }
0x3d: {  	_ =	swait.ge [sflag:s9], $0xC800  }
0x3e: {  	[sflag:s9] =	ssyncset.done $0x0  }
0x3f: {  	[sflag:s9] =	ssyncadd.s32 $0xFFFF3800  }
0x40: {  	[hbm4b:s10+s3] =	stream.linear.scatter [tilespmem:s7], [sflag:$0x3], $0xC800, $0x38;
	[tilespmem:$0x19800] =	vst v63  }
0x41: {  	_ =	swait.ge [sflag:s4], $0xC800  }
0x42: {  	[sflag:s4] =	ssyncset.done $0x0  }
0x43: {  	[sflag:s4] =	ssyncadd.s32 $0xFFFF3800  }
0x44: {  	[tilespmem:s7], [sflag:$0x1] =	stream.indirect.gather [hbm4b:s2+s6], $0x80, s11, s6, $0xb8;
	[tilespmem:$0x19800] =	vst v63  }
0x45: {  	_ =	swait.ge [sflag:s12], $0xC800  }
0x46: {  	[sflag:s12] =	ssyncset.done $0x0  }
0x47: {  	[sflag:s12] =	ssyncadd.s32 $0xFFFF3800  }
0x48: {  	[hbm4b:s13+s3] =	stream.linear.scatter [tilespmem:s8], [sflag:$0x3], $0xC800, $0x38;
	[tilespmem:$0x19800] =	vst v63  }
0x49: {  	_ =	swait.ge [sflag:s4], $0xC800  }
0x4a: {  	[sflag:s4] =	ssyncset.done $0x0  }
0x4b: {  	[sflag:s4] =	ssyncadd.s32 $0xFFFF3800  }
0x4c: {  	[tilespmem:s8], [sflag:$0x2] =	stream.indirect.gather [hbm4b:s2+s6], $0x80, s14, s6, $0xb8;
	[tilespmem:$0x19800] =	vst v63  }
0x4d: {  	_ =	swait.ge [sflag:s9], $0xC800  }
0x4e: {  	[sflag:s9] =	ssyncset.done $0x0  }
0x4f: {  	[sflag:s9] =	ssyncadd.s32 $0xFFFF3800  }
0x50: {  	[hbm4b:s15+s3] =	stream.linear.scatter [tilespmem:s7], [sflag:$0x3], $0xC800, $0x38;
	[tilespmem:$0x19800] =	vst v63  }
0x51: {  	_ =	swait.ge [sflag:s4], $0xC800  }
0x52: {  	[sflag:s4] =	ssyncset.done $0x0  }
0x53: {  	[sflag:s4] =	ssyncadd.s32 $0xFFFF3800  }
0x54: {  	[tilespmem:s7], [sflag:$0x1] =	stream.indirect.gather [hbm4b:s2+s6], $0x80, s16, s6, $0xb8;
	[tilespmem:$0x19800] =	vst v63  }
0x55: {  	_ =	swait.ge [sflag:s12], $0xC800  }
0x56: {  	[sflag:s12] =	ssyncset.done $0x0  }
0x57: {  	[sflag:s12] =	ssyncadd.s32 $0xFFFF3800  }
0x58: {  	[hbm4b:s17+s3] =	stream.linear.scatter [tilespmem:s8], [sflag:$0x3], $0xC800, $0x38;
	[tilespmem:$0x19800] =	vst v63  }
0x59: {  	_ =	swait.ge [sflag:s4], $0xC800  }
0x5a: {  	[sflag:s4] =	ssyncset.done $0x0  }
0x5b: {  	[sflag:s4] =	ssyncadd.s32 $0xFFFF3800  }
0x5c: {  	_ =	swait.ge [sflag:s9], $0xC800  }
.Ltmp1:
0x5d: {  	[sflag:s9] =	ssyncset.done $0x0;
	(pc) =	sbr.rel @p0 .LBB2_1-.Ltmp1, $4  }
0x5e: {  	[sflag:s9] =	ssyncadd.s32 $0xFFFF3800  }
0x5f: {  	[hbm4b:s18+s3] =	stream.linear.scatter [tilespmem:s7], [sflag:$0x3], $0xC800, $0x38;
	[tilespmem:$0x19800] =	vst v63  }
0x60: {  	_ =	swait.ge [sflag:s4], $0xC800  }
0x61: {  	[sflag:s4] =	ssyncset.done $0x0  }
.LBB2_2:
0x62: {  	[sflag:s4] =	ssyncadd.s32 $0xFFFF3800  }
0x63: {  	_ =	sfence.sel $0x180000  }
0x64: {  	[bflag:$0x0] =	sbarrier.arrive $0xFFFF  }
0x65: {  	p0 =	sne.s32 s0, $0x0;
	_ =	strace $0x9000004D  }
0x66: {  	s0 =	sadd.s32 @!p0 $0x100000, s1;
	[bflag:$0x2] =	sbarrier.arrive $0xFFFF  }
0x67: {  	[sflag:s0] =	ssyncadd.tile.s32 @!p0 $0x1;
	_ =	shalt  }
.Lfunc_end2:
_tile_overlayer_lowered:
.L_overlay_start_2:
0x68: {  	(tag) =	ssettag $0x2  }
0x69: {  	s0 =	rddreg [dreg:$0x0];
	s2 =	stileid.u32  }
0x6a: {  	s1 =	rddreg [dreg:$0x1];
	p0 =	sne.s32 s2, $0x0  }
0x6b: {  	s3 =	rddreg [dreg:$0x2];
	[bflag:$0x3] =	sbarrier.arrive $0xFFFF;
	s2 =	simm.s32 @!p0 $0x1C03  }
0x6c: {  	[timem:s3], [sflag:s2] =	dma.local @!p0 [hbm:s0], s1  }
0x6d: {  	s0 =	simm.s32 @!p0 $0x3  }
0x6e: {  	_ =	swait.ge @!p0 [sflag:s0], s1  }
0x6f: {  	s1 =	ssub.s32 @!p0 $0x0, s1;
	[sflag:s0] =	ssyncset.done @!p0 $0x0  }
0x70: {  	[sflag:s0] =	ssyncadd.s32 @!p0 s1  }
0x71: {  	[bflag:$0x3] =	sbarrier.arrive $0xFFFF  }
0x72: {  	_ =	shalt  }

// kernel: kernel.23.cloned.1.call-start
scs
__scs_entry_jumppad:
0x0: {  	(pc) =	sbr.rel $0x88, $3  }
0x1: {  	(tag) =	ssettag $0x0;
	lr =	simm.s32 $0x1  }
0x2: {  	[smem:$0x3F94] =	sst lr;
	_ =	strace $0xD0000000  }
0x3: {  	_ = 	snop  }
0x4: {  	_ = 	snop  }
0x5: {  	_ = 	snop  }
0x6: {  	_ = 	snop  }
0x7: {  	_ = 	snop  }
__scs_overlays_trampoline_lowered:
0x8: {  	[smem:$0x3FA3] =	sst s0  }
0x9: {  	[smem:$0x3FA4] =	sst s1  }
0xa: {  	[smem:$0x3FA5] =	sst s2  }
0xb: {  	[smem:$0x3FA6] =	sst s3  }
0xc: {  	[smem:$0x3FA7] =	sst s4  }
0xd: {  	[smem:$0x3FA8] =	sst s5  }
0xe: {  	[smem:$0x3FA9] =	sst s6  }
0xf: {  	[smem:$0x3FAA] =	sst s7  }
0x10: {  	[smem:$0x3FAB] =	sst s8  }
0x11: {  	[smem:$0x3FAC] =	sst s9;
	s0 =	simm.s32 @!p0 $0x0  }
0x12: {  	s1 =	sld [smem:$0x3F92];
	s0 =	simm.s32 @p0 $0x1  }
0x13: {  	[smem:$0x3FAD] =	sst s0;
	s0 =	simm.s32 @!p1 $0x0  }
0x14: {  	s2 =	sld [smem:$0x3F91];
	s0 =	simm.s32 @p1 $0x1  }
0x15: {  	[smem:$0x3FAE] =	sst s0;
	s0 =	simm.s32 @!p2 $0x0  }
0x16: {  	s3 =	sld [smem:$0x3FDB];
	s0 =	simm.s32 @p2 $0x1  }
0x17: {  	s4 =	simm.s32 $0x1BF5;
	[smem:$0x3FB0] =	sst s0  }
0x18: {  	s0 =	sld [smem:$0x3F93];
	_ =	swait.ge [sflag:s4], $0x0  }
0x19: {  	s7 =	sld [smem:$0x3F94]  }
0x1a: {  	s8 =	sadd.s32 $0xFFFFE003, lr  }
0x1b: {  	s9 =	sadd.s32 $0xFFFFFEF7, lr;
	s5 =	simm.s32 $0xFFFFFFFF;
	p2 =	slt.u32 s8, $0xFFFFF086  }
0x1c: {  	p1 =	slt.u32 s9, $0xF7A;
	s5 =	simm.s32 @!p2 $0x0  }
0x1d: {  	s5 =	simm.s32 @p1 $0x1;
	p0 =	seq.s32 s7, s2  }
0x1e: {  	s7 =	smul.u32 @!p0 $0xF7A, s2;
	p2 =	seq.s32 @!p0 s5, $0x0  }
0x1f: {  	s9 =	smul.u32 $0xF7A, s1;
	s8 =	simm.s32 @!p0 $0x1BF5;
	p2 =	por !p2, p0  }
0x20: {  	[sflag:s8] =	ssyncset.s32 @!p0 $0xFFFFF086;
	s6 =	sadd.s32 @!p0 s3, s7;
	s7 =	simm.s32 @!p0 $0x108  }
0x21: {  	s3 =	sadd.s32 s3, s9;
	s6 =	sadd.s32 @!p0 $0x88, s6;
	s7 =	simm.s32 @p2 $0x1082  }
0x22: {  	[simem:s7], [sflag:s8] =	dma.local @!p0 [hbm:s6], $0xF7A  }
0x23: {  	s9 =	sor.u32 $0xD0000000, s2;
	s6 =	simm.s32 $0x108;
	_ =	swait.ge @!p0 [sflag:s8], $0x0  }
0x24: {  	s3 =	sadd.s32 $0x88, s3;
	s6 =	simm.s32 @!p1 $0x1082;
	[sflag:s4] =	ssyncset.s32 $0xFFFFF086  }
0x25: {  	[simem:s6], [sflag:s4] =	dma.local [hbm:s3], $0xF7A  }
0x26: {  	[smem:$0x3F94] =	sst s1;
	(tag) =	ssettag s2;
	_ =	strace s9  }
0x27: {  	s1 =	sld [smem:$0x3FA4]  }
0x28: {  	s2 =	sld [smem:$0x3FA5]  }
0x29: {  	s4 =	sld [smem:$0x3FA7]  }
0x2a: {  	p0 =	seq.s32 s5, $0x0;
	s5 =	sld [smem:$0x3FA8]  }
0x2b: {  	s6 =	sld [smem:$0x3FA9]  }
0x2c: {  	s7 =	sld [smem:$0x3FAA]  }
0x2d: {  	s3 =	simm.s32 $0x108;
	s8 =	sld [smem:$0x3FAB]  }
0x2e: {  	s3 =	simm.s32 @!p0 $0x1082;
	s9 =	sld [smem:$0x3FAC]  }
0x2f: {  	lr =	sadd.s32 s0, s3;
	s0 =	sld [smem:$0x3FA3]  }
0x30: {  	s3 =	sld [smem:$0x3FA6]  }
0x31: {  	[smem:$0x3FAF] =	sst s10  }
0x32: {  	s10 =	sld [smem:$0x3FAD];
	_ =	sdelay $0x3  }
0x33: {  	p0 =	seq.s32 s10, $0x1;
	s10 =	sld [smem:$0x3FAF];
	_ =	sdelay $0x3  }
0x34: {  	[smem:$0x3FAF] =	sst s10  }
0x35: {  	s10 =	sld [smem:$0x3FAE];
	_ =	sdelay $0x3  }
0x36: {  	p1 =	seq.s32 s10, $0x1;
	s10 =	sld [smem:$0x3FAF];
	_ =	sdelay $0x3  }
0x37: {  	[smem:$0x3FAF] =	sst s10  }
0x38: {  	s10 =	sld [smem:$0x3FB0]  }
0x39: {  	_ = 	snop;
	(pc) =	sbr.ind lr, $3  }
0x3a: {  	_ = 	snop  }
0x3b: {  	_ = 	snop  }
0x3c: {  	p2 =	seq.s32 s10, $0x1;
	s10 =	sld [smem:$0x3FAF]  }
0x3d: {  	_ =	shalt  }
0x3e: {  	_ =	shalt  }
0x3f: {  	_ =	shalt  }
0x40: {  	_ =	shalt  }
0x41: {  	_ =	shalt  }
0x42: {  	_ =	shalt  }
0x43: {  	_ =	shalt  }
0x44: {  	_ =	shalt  }
0x45: {  	_ =	shalt  }
0x46: {  	_ =	shalt  }
0x47: {  	_ =	shalt  }
0x48: {  	_ =	shalt  }
0x49: {  	_ =	shalt  }
0x4a: {  	_ =	shalt  }
0x4b: {  	_ =	shalt  }
0x4c: {  	_ =	shalt  }
0x4d: {  	_ =	shalt  }
0x4e: {  	_ =	shalt  }
0x4f: {  	_ =	shalt  }
0x50: {  	_ =	shalt  }
0x51: {  	_ =	shalt  }
0x52: {  	_ =	shalt  }
0x53: {  	_ =	shalt  }
0x54: {  	_ =	shalt  }
0x55: {  	_ =	shalt  }
0x56: {  	_ =	shalt  }
0x57: {  	_ =	shalt  }
0x58: {  	_ =	shalt  }
0x59: {  	_ =	shalt  }
0x5a: {  	_ =	shalt  }
0x5b: {  	_ =	shalt  }
0x5c: {  	_ =	shalt  }
0x5d: {  	_ =	shalt  }
0x5e: {  	_ =	shalt  }
0x5f: {  	_ =	shalt  }
0x60: {  	_ =	shalt  }
0x61: {  	_ =	shalt  }
0x62: {  	_ =	shalt  }
0x63: {  	_ =	shalt  }
0x64: {  	_ =	shalt  }
0x65: {  	_ =	shalt  }
0x66: {  	_ =	shalt  }
0x67: {  	_ =	shalt  }
0x68: {  	_ =	shalt  }
0x69: {  	_ =	shalt  }
0x6a: {  	_ =	shalt  }
0x6b: {  	_ =	shalt  }
0x6c: {  	_ =	shalt  }
0x6d: {  	_ =	shalt  }
0x6e: {  	_ =	shalt  }
0x6f: {  	_ =	shalt  }
0x70: {  	_ =	shalt  }
0x71: {  	_ =	shalt  }
0x72: {  	_ =	shalt  }
0x73: {  	_ =	shalt  }
0x74: {  	_ =	shalt  }
0x75: {  	_ =	shalt  }
0x76: {  	_ =	shalt  }
0x77: {  	_ =	shalt  }
0x78: {  	_ =	shalt  }
0x79: {  	_ =	shalt  }
0x7a: {  	_ =	shalt  }
0x7b: {  	_ =	shalt  }
0x7c: {  	_ =	shalt  }
0x7d: {  	_ =	shalt  }
0x7e: {  	_ =	shalt  }
0x7f: {  	_ =	shalt  }
0x80: {  	_ =	shalt  }
0x81: {  	_ =	shalt  }
0x82: {  	_ =	shalt  }
0x83: {  	_ =	shalt  }
0x84: {  	_ =	shalt  }
0x85: {  	_ =	shalt  }
0x86: {  	_ =	shalt  }
0x87: {  	_ =	shalt  }
.Lfunc_end0:
.L_simem_size_0:
called_computation.3_lowered:
.L_overlay_start_0:
0x88: {  	s2 =	sld [smem:$0x3FD9]  }
0x89: {  	s3 =	sld [smem:$0x3FFE];
	_ =	sdelay $0x1  }
0x8a: {  	s1 =	srdreg.scid  }
0x8b: {  	s0 =	sand.u32 $0x1, s1  }
0x8c: {  	s17 =	sshll.u32 s0, $0xA;
	s2 =	sadd.s32 s3, s2  }
0x8d: {  	s2 =	sadd.s32 s2, s17  }
0x8e: {  	[smem:$0x3FBB] =	sst s2  }
0x8f: {  	_ = 	snop  }
0x90: {  	s18 =	sld [smem:$0x3FC9];
	(tm) =	ssettm $0x1  }
0x91: {  	s19 =	sld [smem:$0x3FFB];
	_ =	sdelay $0x3  }
0x92: {  	_ =	strace s19  }
0x93: {  	s2 =	sld [smem:$0x3FFC];
	_ =	sdelay $0x3  }
0x94: {  	_ =	strace s2  }
0x95: {  	s2 =	sld [smem:$0x3FFD];
	_ =	sdelay $0x3  }
0x96: {  	_ =	strace s2  }
0x97: {  	_ =	strace $0x8FFFFFFF  }
0x98: {  	s20 =	sld [smem:$0x3FDB];
	_ =	sdelay $0x1  }
0x99: {  	s4 =	simm.s32 $_scs_section_size  }
0x9a: {  	s5 =	simm.s32 $_size__tile_overlayer_lowered;
	s6 =	simm.s32 $_tile_overlayer_lowered  }
0x9b: {  	s7 =	simm.s32 $0x1BFF;
	s21 =	sshll.u32 s6, $0x1;
	s4 =	sadd.s32 s4, s20  }
0x9c: {  	s22 =	simm.s32 $0x0;
	s5 =	sshll.u32 s5, $0x1;
	s6 =	sadd.s32 s21, s4  }
0x9d: {  	[timem:s22], [sflag:s7] =	dma.local [hbm:s6], s5  }
0x9e: {  	_ =	swait.ge [sflag:s7], s5  }
0x9f: {  	s5 =	ssub.s32 $0x0, s5;
	[sflag:s7] =	ssyncset.done $0x0  }
0xa0: {  	[sflag:s7] =	ssyncadd.s32 s5;
	_ =	sdelay $0x1  }
0xa1: {  	s23 =	simm.s32 $0x1B8B  }
0xa2: {  	_ =	swait.ge [sflag:s23], $0x1  }
0xa3: {  	[sflag:s23] =	ssyncset.done $0x0  }
0xa4: {  	[sflag:s23] =	ssyncadd.s32 $0xFFFFFFFF  }
0xa5: {  	s5 =	sld [smem:$0x0]  }
0xa6: {  	s6 =	sand.u32 $0xFFFFFFFE, s1  }
0xa7: {  	p0 =	sne.s32 s1, s6  }
0xa8: {  	s6 =	sshll.u32 @p0 s6, $0xE  }
0xa9: {  	s6 =	sadd.s32 @p0 $0x11B8D, s6;
	s7 =	sshll.u32 @p0 s5, $0x11  }
0xaa: {  	s6 =	sor.u32 @p0 s7, s6  }
0xab: {  	[sflag:s6] =	ssyncadd.remote.s32 @p0 $0x1;
	_ =	sdelay $0x1  }
0xac: {  	s6 =	simm.s32 @p0 $0x1B8D  }
0xad: {  	_ =	swait.eq @p0 [sflag:s6], $0x1  }
0xae: {  	[sflag:s6] =	ssyncadd.s32 @p0 $0xFFFFFFFF  }
0xaf: {  	s7 =	sshll.u32 @!p0 s1, $0xE  }
0xb0: {  	s7 =	sor.u32 @!p0 $0x4000, s7;
	s6 =	simm.s32 @!p0 $0x1B8D  }
0xb1: {  	s5 =	sshll.u32 @!p0 s5, $0x11;
	s7 =	sadd.s32 @!p0 $0x11B8D, s7;
	_ =	swait.eq @!p0 [sflag:s6], $0x1  }
0xb2: {  	s5 =	sor.u32 @!p0 s5, s7;
	[sflag:s6] =	ssyncadd.s32 @!p0 $0xFFFFFFFF  }
0xb3: {  	s25 =	simm.s32 $0x1B8E;
	s24 =	sld [smem:$0x3FFE];
	[sflag:s5] =	ssyncadd.remote.s32 @!p0 $0x1  }
0xb4: {  	s26 =	simm.s32 $execute0_lowered;
	[smem:$0x3FD2] =	sst s25  }
0xb5: {  	s6 =	sshll.u32 s26, $0x1;
	_ =	strace $0x8000004F;
	[dreg:$0x1] =	wrdreg $0xFFFFFFFF  }
0xb6: {  	s28 =	simm.s32 $_size_execute0_lowered;
	s4 =	sadd.s32 s4, s6;
	[dreg:$0x0] =	wrdreg $0x0  }
0xb7: {  	s6 =	sshll.u32 s28, $0x1;
	[dreg:$0x2] =	wrdreg s4  }
0xb8: {  	[dreg:$0x3] =	wrdreg s6  }
0xb9: {  	[dreg:$0x4] =	wrdreg $0xC0  }
0xba: {  	_ =	task [dreg:s22], $0x5FFFF  }
0xbb: {  	[dreg:$0x1] =	wrdreg $0xFFFFFFFF  }
0xbc: {  	[dreg:$0x0] =	wrdreg $0x60  }
0xbd: {  	[dreg:$0x2] =	wrdreg s18  }
0xbe: {  	[dreg:$0x3] =	wrdreg s24  }
0xbf: {  	[dreg:$0x4] =	wrdreg $0xC  }
0xc0: {  	_ =	task.clear_ibuf [dreg:s22], $0x5FFFF;
	_ =	strace $0x9000004F  }
0xc1: {  	s29 =	simm.s32 $0xC;
	_ =	strace $0x80000051  }
0xc2: {  	_ =	swait.ge [sflag:s29], $0x1  }
0xc3: {  	[sflag:s29] =	ssyncadd.s32 $0xFFFFFFFF  }
0xc4: {  	_ =	strace $0x90000051  }
0xc5: {  	_ =	sfence  }
0xc6: {  	s30 =	sld [smem:$0x0];
	_ =	sdelay $0x2  }
0xc7: {  	s31 =	sshll.u32 s1, $0xD;
	s1 =	sshrl.u32 s1, $0x2  }
0xc8: {  	s4 =	sand.u32 $0x4000, s31;
	s1 =	sadd.s32 s1, s30  }
0xc9: {  	s0 =	sor.u32 s4, s0;
	s1 =	sshll.u32 s1, $0x11  }
0xca: {  	s0 =	sor.u32 s1, s0  }
0xcb: {  	s0 =	sadd.s32 $0x8F2B, s0  }
0xcc: {  	[sflag:s0] =	ssyncadd.remote.s32 $0x1  }
0xcd: {  	_ =	sfence.sel $0xFFFF  }
0xce: {  	[dreg:$0x0] =	wrdreg $0xFFFFFFFF;
	(pc) =	sbr.abs _section_cstart, $3  }
0xcf: {  	[dreg:$0x1] =	wrdreg $0xFFFFFFFF  }
0xd0: {  	_ =	task.clear_ibuf [dreg:s22], $0x2FFFF;
	_ =	strace $0x9FFFFFFF  }
0xd1: {  	(tm) =	ssettm $0x7FFFFFFF  }
tec
execute0_lowered:
.L_overlay_start_1:
0x0: {  	(tag) =	ssettag $0x1  }
0x1: {  	s1 =	srdreg.scid;
	s0 =	stileid.u32  }
0x2: {  	s18 =	sand.u32 $0x1, s1;
	s30 =	sshll.u32 s0, $0x1  }
0x3: {  	s11 =	sor.u32 s18, s30  }
0x4: {  	s2 =	rddreg [dreg:$0x0];
	s4 =	smul.u32 $0x7D0, s11  }
0x5: {  	s10 =	rddreg [dreg:$0x1]  }
0x6: {  	s3 =	simm.s32 $0x0;
	s1 =	rddreg [dreg:$0x2];
	s4 =	sshrl.u32 s4, $0x3  }
0x7: {  	[smem:$0x7FF] =	sst s3;
	s4 =	sadd.s32 s10, s4  }
0x8: {  	_ =	strace $0x80000050;
	s5 =	sadd.s32 $0x9880, s4;
	s4 =	simm.s32 $0x3  }
0x9: {  	[tilespmem:s3], [sflag:$0x3] =	stream.linear.gather [hbm4b:s5+s3], $0x7D0, $0x38;
	[tilespmem:$0x19800] =	vst v63  }
0xa: {  	_ =	swait.ge [sflag:s4], $0x7D0  }
0xb: {  	[sflag:s4] =	ssyncset.done $0x0  }
0xc: {  	s6 =	simm.s32 $0x190;
	s7 =	simm.s32 $0x800;
	[sflag:s4] =	ssyncadd.s32 $0xFFFFF830  }
0xd: {  	[tilespmem:s7], [sflag:$0x1] =	stream.indirect.gather [hbm4b:s2+s6], $0x80, s3, s6, $0xb8;
	[tilespmem:$0x19800] =	vst v63  }
0xe: {  	s8 =	simm.s32 $0xD000;
	s9 =	simm.s32 $0x1  }
0xf: {  	[tilespmem:s8], [sflag:$0x2] =	stream.indirect.gather [hbm4b:s2+s6], $0x80, s6, s6, $0xb8;
	[tilespmem:$0x19800] =	vst v63  }
0x10: {  	s12 =	smul.u32 $0x7D00, s11;
	_ =	swait.ge [sflag:s9], $0xC800  }
0x11: {  	s13 =	sadd.s32 $0x203800, s10;
	[sflag:s9] =	ssyncset.done $0x0  }
0x12: {  	s10 =	sadd.s32 s13, s12;
	[sflag:s9] =	ssyncadd.s32 $0xFFFF3800  }
0x13: {  	[hbm4b:s10+s3] =	stream.linear.scatter [tilespmem:s7], [sflag:$0x3], $0xC800, $0x38;
	[tilespmem:$0x19800] =	vst v63  }
0x14: {  	_ =	swait.ge [sflag:s4], $0xC800  }
0x15: {  	s14 =	smul.u32 $0x3E800, s11;
	[sflag:s4] =	ssyncset.done $0x0  }
0x16: {  	s11 =	simm.s32 $0x320;
	s12 =	simm.s32 $0x2;
	[sflag:s4] =	ssyncadd.s32 $0xFFFF3800  }
0x17: {  	[tilespmem:s7], [sflag:$0x1] =	stream.indirect.gather [hbm4b:s2+s6], $0x80, s11, s6, $0xb8;
	[tilespmem:$0x19800] =	vst v63  }
0x18: {  	s14 =	sshrl.u32 s14, $0x3;
	_ =	swait.ge [sflag:s12], $0xC800  }
0x19: {  	s19 =	sadd.s32 s13, s14;
	[sflag:s12] =	ssyncset.done $0x0  }
0x1a: {  	s13 =	sadd.s32 $0x1900, s19;
	[sflag:s12] =	ssyncadd.s32 $0xFFFF3800  }
0x1b: {  	[hbm4b:s13+s3] =	stream.linear.scatter [tilespmem:s8], [sflag:$0x3], $0xC800, $0x38;
	[tilespmem:$0x19800] =	vst v63  }
0x1c: {  	_ =	swait.ge [sflag:s4], $0xC800  }
0x1d: {  	[sflag:s4] =	ssyncset.done $0x0  }
0x1e: {  	s14 =	simm.s32 $0x4B0;
	[sflag:s4] =	ssyncadd.s32 $0xFFFF3800  }
0x1f: {  	[tilespmem:s8], [sflag:$0x2] =	stream.indirect.gather [hbm4b:s2+s6], $0x80, s14, s6, $0xb8;
	[tilespmem:$0x19800] =	vst v63  }
0x20: {  	_ =	swait.ge [sflag:s9], $0xC800  }
0x21: {  	[sflag:s9] =	ssyncset.done $0x0  }
0x22: {  	s15 =	sadd.s32 $0x3200, s19;
	[sflag:s9] =	ssyncadd.s32 $0xFFFF3800  }
0x23: {  	[hbm4b:s15+s3] =	stream.linear.scatter [tilespmem:s7], [sflag:$0x3], $0xC800, $0x38;
	[tilespmem:$0x19800] =	vst v63  }
0x24: {  	_ =	swait.ge [sflag:s4], $0xC800  }
0x25: {  	[sflag:s4] =	ssyncset.done $0x0  }
0x26: {  	s16 =	simm.s32 $0x640;
	[sflag:s4] =	ssyncadd.s32 $0xFFFF3800  }
0x27: {  	[tilespmem:s7], [sflag:$0x1] =	stream.indirect.gather [hbm4b:s2+s6], $0x80, s16, s6, $0xb8;
	[tilespmem:$0x19800] =	vst v63  }
0x28: {  	_ =	swait.ge [sflag:s12], $0xC800  }
0x29: {  	[sflag:s12] =	ssyncset.done $0x0  }
0x2a: {  	s18 =	ssub.s32 $0x2, s18;
	s17 =	sadd.s32 $0x4B00, s19;
	[sflag:s12] =	ssyncadd.s32 $0xFFFF3800  }
0x2b: {  	[hbm4b:s17+s3] =	stream.linear.scatter [tilespmem:s8], [sflag:$0x3], $0xC800, $0x38;
	[tilespmem:$0x19800] =	vst v63  }
0x2c: {  	s20 =	sshrl.u32 s18, $0x1;
	_ =	swait.ge [sflag:s4], $0xC800  }
0x2d: {  	s20 =	ssub.s32 s18, s20;
	[sflag:s4] =	ssyncset.done $0x0  }
0x2e: {  	s31 =	smax.u32 s20, $0x1;
	[sflag:s4] =	ssyncadd.s32 $0xFFFF3800  }
0x2f: {  	p0 =	sne.s32 s31, $0x1;
	_ =	swait.ge [sflag:s9], $0xC800  }
.Ltmp0:
0x30: {  	[sflag:s9] =	ssyncset.done $0x0;
	(pc) =	sbr.rel @!p0 .LBB2_2-.Ltmp0, $4  }
0x31: {  	s18 =	sadd.s32 $0x6400, s19;
	[sflag:s9] =	ssyncadd.s32 $0xFFFF3800  }
0x32: {  	[hbm4b:s18+s3] =	stream.linear.scatter [tilespmem:s7], [sflag:$0x3], $0xC800, $0x38;
	[tilespmem:$0x19800] =	vst v63  }
0x33: {  	_ =	swait.ge [sflag:s4], $0xC800  }
0x34: {  	s19 =	sadd.s32 $0xFFFFFFFF, s31;
	[sflag:s4] =	ssyncset.done $0x0  }
.LBB2_1:
0x35: {  	p0 =	sne.s32 s19, $0x1;
	s19 =	sadd.s32 $0xFFFFFFFF, s19;
	[sflag:s4] =	ssyncadd.s32 $0xFFFF3800  }
0x36: {  	[tilespmem:s3], [sflag:$0x3] =	stream.linear.gather [hbm4b:s5+s3], $0x7D0, $0x38;
	[tilespmem:$0x19800] =	vst v63  }
0x37: {  	_ =	swait.ge [sflag:s4], $0x7D0  }
0x38: {  	[sflag:s4] =	ssyncset.done $0x0  }
0x39: {  	[sflag:s4] =	ssyncadd.s32 $0xFFFFF830  }
0x3a: {  	[tilespmem:s7], [sflag:$0x1] =	stream.indirect.gather [hbm4b:s2+s6], $0x80, s3, s6, $0xb8;
	[tilespmem:$0x19800] =	vst v63  }
0x3b: {  	_ = 	snop  }
0x3c: {  	[tilespmem:s8], [sflag:$0x2] =	stream.indirect.gather [hbm4b:s2+s6], $0x80, s6, s6, $0xb8;
	[tilespmem:$0x19800] =	vst v63  }
0x3d: {  	_ =	swait.ge [sflag:s9], $0xC800  }
0x3e: {  	[sflag:s9] =	ssyncset.done $0x0  }
0x3f: {  	[sflag:s9] =	ssyncadd.s32 $0xFFFF3800  }
0x40: {  	[hbm4b:s10+s3] =	stream.linear.scatter [tilespmem:s7], [sflag:$0x3], $0xC800, $0x38;
	[tilespmem:$0x19800] =	vst v63  }
0x41: {  	_ =	swait.ge [sflag:s4], $0xC800  }
0x42: {  	[sflag:s4] =	ssyncset.done $0x0  }
0x43: {  	[sflag:s4] =	ssyncadd.s32 $0xFFFF3800  }
0x44: {  	[tilespmem:s7], [sflag:$0x1] =	stream.indirect.gather [hbm4b:s2+s6], $0x80, s11, s6, $0xb8;
	[tilespmem:$0x19800] =	vst v63  }
0x45: {  	_ =	swait.ge [sflag:s12], $0xC800  }
0x46: {  	[sflag:s12] =	ssyncset.done $0x0  }
0x47: {  	[sflag:s12] =	ssyncadd.s32 $0xFFFF3800  }
0x48: {  	[hbm4b:s13+s3] =	stream.linear.scatter [tilespmem:s8], [sflag:$0x3], $0xC800, $0x38;
	[tilespmem:$0x19800] =	vst v63  }
0x49: {  	_ =	swait.ge [sflag:s4], $0xC800  }
0x4a: {  	[sflag:s4] =	ssyncset.done $0x0  }
0x4b: {  	[sflag:s4] =	ssyncadd.s32 $0xFFFF3800  }
0x4c: {  	[tilespmem:s8], [sflag:$0x2] =	stream.indirect.gather [hbm4b:s2+s6], $0x80, s14, s6, $0xb8;
	[tilespmem:$0x19800] =	vst v63  }
0x4d: {  	_ =	swait.ge [sflag:s9], $0xC800  }
0x4e: {  	[sflag:s9] =	ssyncset.done $0x0  }
0x4f: {  	[sflag:s9] =	ssyncadd.s32 $0xFFFF3800  }
0x50: {  	[hbm4b:s15+s3] =	stream.linear.scatter [tilespmem:s7], [sflag:$0x3], $0xC800, $0x38;
	[tilespmem:$0x19800] =	vst v63  }
0x51: {  	_ =	swait.ge [sflag:s4], $0xC800  }
0x52: {  	[sflag:s4] =	ssyncset.done $0x0  }
0x53: {  	[sflag:s4] =	ssyncadd.s32 $0xFFFF3800  }
0x54: {  	[tilespmem:s7], [sflag:$0x1] =	stream.indirect.gather [hbm4b:s2+s6], $0x80, s16, s6, $0xb8;
	[tilespmem:$0x19800] =	vst v63  }
0x55: {  	_ =	swait.ge [sflag:s12], $0xC800  }
0x56: {  	[sflag:s12] =	ssyncset.done $0x0  }
0x57: {  	[sflag:s12] =	ssyncadd.s32 $0xFFFF3800  }
0x58: {  	[hbm4b:s17+s3] =	stream.linear.scatter [tilespmem:s8], [sflag:$0x3], $0xC800, $0x38;
	[tilespmem:$0x19800] =	vst v63  }
0x59: {  	_ =	swait.ge [sflag:s4], $0xC800  }
0x5a: {  	[sflag:s4] =	ssyncset.done $0x0  }
0x5b: {  	[sflag:s4] =	ssyncadd.s32 $0xFFFF3800  }
0x5c: {  	_ =	swait.ge [sflag:s9], $0xC800  }
.Ltmp1:
0x5d: {  	[sflag:s9] =	ssyncset.done $0x0;
	(pc) =	sbr.rel @p0 .LBB2_1-.Ltmp1, $4  }
0x5e: {  	[sflag:s9] =	ssyncadd.s32 $0xFFFF3800  }
0x5f: {  	[hbm4b:s18+s3] =	stream.linear.scatter [tilespmem:s7], [sflag:$0x3], $0xC800, $0x38;
	[tilespmem:$0x19800] =	vst v63  }
0x60: {  	_ =	swait.ge [sflag:s4], $0xC800  }
0x61: {  	[sflag:s4] =	ssyncset.done $0x0  }
.LBB2_2:
0x62: {  	[sflag:s4] =	ssyncadd.s32 $0xFFFF3800  }
0x63: {  	_ =	sfence.sel $0x180000  }
0x64: {  	[bflag:$0x0] =	sbarrier.arrive $0xFFFF  }
0x65: {  	p0 =	sne.s32 s0, $0x0;
	_ =	strace $0x90000050  }
0x66: {  	s0 =	sadd.s32 @!p0 $0x100000, s1;
	[bflag:$0x2] =	sbarrier.arrive $0xFFFF  }
0x67: {  	[sflag:s0] =	ssyncadd.tile.s32 @!p0 $0x1;
	_ =	shalt  }
.Lfunc_end2:
_tile_overlayer_lowered:
.L_overlay_start_2:
0x68: {  	(tag) =	ssettag $0x2  }
0x69: {  	s0 =	rddreg [dreg:$0x0];
	s2 =	stileid.u32  }
0x6a: {  	s1 =	rddreg [dreg:$0x1];
	p0 =	sne.s32 s2, $0x0  }
0x6b: {  	s3 =	rddreg [dreg:$0x2];
	[bflag:$0x3] =	sbarrier.arrive $0xFFFF;
	s2 =	simm.s32 @!p0 $0x1C03  }
0x6c: {  	[timem:s3], [sflag:s2] =	dma.local @!p0 [hbm:s0], s1  }
0x6d: {  	s0 =	simm.s32 @!p0 $0x3  }
0x6e: {  	_ =	swait.ge @!p0 [sflag:s0], s1  }
0x6f: {  	s1 =	ssub.s32 @!p0 $0x0, s1;
	[sflag:s0] =	ssyncset.done @!p0 $0x0  }
0x70: {  	[sflag:s0] =	ssyncadd.s32 @!p0 s1  }
0x71: {  	[bflag:$0x3] =	sbarrier.arrive $0xFFFF  }
0x72: {  	_ =	shalt  }

// kernel: kernel.26.cloned.1.call-start
scs
__scs_entry_jumppad:
0x0: {  	(pc) =	sbr.rel $0x88, $3  }
0x1: {  	(tag) =	ssettag $0x0;
	lr =	simm.s32 $0x1  }
0x2: {  	[smem:$0x3F94] =	sst lr;
	_ =	strace $0xD0000000  }
0x3: {  	_ = 	snop  }
0x4: {  	_ = 	snop  }
0x5: {  	_ = 	snop  }
0x6: {  	_ = 	snop  }
0x7: {  	_ = 	snop  }
__scs_overlays_trampoline_lowered:
0x8: {  	[smem:$0x3FA3] =	sst s0  }
0x9: {  	[smem:$0x3FA4] =	sst s1  }
0xa: {  	[smem:$0x3FA5] =	sst s2  }
0xb: {  	[smem:$0x3FA6] =	sst s3  }
0xc: {  	[smem:$0x3FA7] =	sst s4  }
0xd: {  	[smem:$0x3FA8] =	sst s5  }
0xe: {  	[smem:$0x3FA9] =	sst s6  }
0xf: {  	[smem:$0x3FAA] =	sst s7  }
0x10: {  	[smem:$0x3FAB] =	sst s8  }
0x11: {  	[smem:$0x3FAC] =	sst s9;
	s0 =	simm.s32 @!p0 $0x0  }
0x12: {  	s1 =	sld [smem:$0x3F92];
	s0 =	simm.s32 @p0 $0x1  }
0x13: {  	[smem:$0x3FAD] =	sst s0;
	s0 =	simm.s32 @!p1 $0x0  }
0x14: {  	s2 =	sld [smem:$0x3F91];
	s0 =	simm.s32 @p1 $0x1  }
0x15: {  	[smem:$0x3FAE] =	sst s0;
	s0 =	simm.s32 @!p2 $0x0  }
0x16: {  	s3 =	sld [smem:$0x3FDB];
	s0 =	simm.s32 @p2 $0x1  }
0x17: {  	s4 =	simm.s32 $0x1BF5;
	[smem:$0x3FB0] =	sst s0  }
0x18: {  	s0 =	sld [smem:$0x3F93];
	_ =	swait.ge [sflag:s4], $0x0  }
0x19: {  	s7 =	sld [smem:$0x3F94]  }
0x1a: {  	s8 =	sadd.s32 $0xFFFFE003, lr  }
0x1b: {  	s9 =	sadd.s32 $0xFFFFFEF7, lr;
	s5 =	simm.s32 $0xFFFFFFFF;
	p2 =	slt.u32 s8, $0xFFFFF086  }
0x1c: {  	p1 =	slt.u32 s9, $0xF7A;
	s5 =	simm.s32 @!p2 $0x0  }
0x1d: {  	s5 =	simm.s32 @p1 $0x1;
	p0 =	seq.s32 s7, s2  }
0x1e: {  	s7 =	smul.u32 @!p0 $0xF7A, s2;
	p2 =	seq.s32 @!p0 s5, $0x0  }
0x1f: {  	s9 =	smul.u32 $0xF7A, s1;
	s8 =	simm.s32 @!p0 $0x1BF5;
	p2 =	por !p2, p0  }
0x20: {  	[sflag:s8] =	ssyncset.s32 @!p0 $0xFFFFF086;
	s6 =	sadd.s32 @!p0 s3, s7;
	s7 =	simm.s32 @!p0 $0x108  }
0x21: {  	s3 =	sadd.s32 s3, s9;
	s6 =	sadd.s32 @!p0 $0x88, s6;
	s7 =	simm.s32 @p2 $0x1082  }
0x22: {  	[simem:s7], [sflag:s8] =	dma.local @!p0 [hbm:s6], $0xF7A  }
0x23: {  	s9 =	sor.u32 $0xD0000000, s2;
	s6 =	simm.s32 $0x108;
	_ =	swait.ge @!p0 [sflag:s8], $0x0  }
0x24: {  	s3 =	sadd.s32 $0x88, s3;
	s6 =	simm.s32 @!p1 $0x1082;
	[sflag:s4] =	ssyncset.s32 $0xFFFFF086  }
0x25: {  	[simem:s6], [sflag:s4] =	dma.local [hbm:s3], $0xF7A  }
0x26: {  	[smem:$0x3F94] =	sst s1;
	(tag) =	ssettag s2;
	_ =	strace s9  }
0x27: {  	s1 =	sld [smem:$0x3FA4]  }
0x28: {  	s2 =	sld [smem:$0x3FA5]  }
0x29: {  	s4 =	sld [smem:$0x3FA7]  }
0x2a: {  	p0 =	seq.s32 s5, $0x0;
	s5 =	sld [smem:$0x3FA8]  }
0x2b: {  	s6 =	sld [smem:$0x3FA9]  }
0x2c: {  	s7 =	sld [smem:$0x3FAA]  }
0x2d: {  	s3 =	simm.s32 $0x108;
	s8 =	sld [smem:$0x3FAB]  }
0x2e: {  	s3 =	simm.s32 @!p0 $0x1082;
	s9 =	sld [smem:$0x3FAC]  }
0x2f: {  	lr =	sadd.s32 s0, s3;
	s0 =	sld [smem:$0x3FA3]  }
0x30: {  	s3 =	sld [smem:$0x3FA6]  }
0x31: {  	[smem:$0x3FAF] =	sst s10  }
0x32: {  	s10 =	sld [smem:$0x3FAD];
	_ =	sdelay $0x3  }
0x33: {  	p0 =	seq.s32 s10, $0x1;
	s10 =	sld [smem:$0x3FAF];
	_ =	sdelay $0x3  }
0x34: {  	[smem:$0x3FAF] =	sst s10  }
0x35: {  	s10 =	sld [smem:$0x3FAE];
	_ =	sdelay $0x3  }
0x36: {  	p1 =	seq.s32 s10, $0x1;
	s10 =	sld [smem:$0x3FAF];
	_ =	sdelay $0x3  }
0x37: {  	[smem:$0x3FAF] =	sst s10  }
0x38: {  	s10 =	sld [smem:$0x3FB0]  }
0x39: {  	_ = 	snop;
	(pc) =	sbr.ind lr, $3  }
0x3a: {  	_ = 	snop  }
0x3b: {  	_ = 	snop  }
0x3c: {  	p2 =	seq.s32 s10, $0x1;
	s10 =	sld [smem:$0x3FAF]  }
0x3d: {  	_ =	shalt  }
0x3e: {  	_ =	shalt  }
0x3f: {  	_ =	shalt  }
0x40: {  	_ =	shalt  }
0x41: {  	_ =	shalt  }
0x42: {  	_ =	shalt  }
0x43: {  	_ =	shalt  }
0x44: {  	_ =	shalt  }
0x45: {  	_ =	shalt  }
0x46: {  	_ =	shalt  }
0x47: {  	_ =	shalt  }
0x48: {  	_ =	shalt  }
0x49: {  	_ =	shalt  }
0x4a: {  	_ =	shalt  }
0x4b: {  	_ =	shalt  }
0x4c: {  	_ =	shalt  }
0x4d: {  	_ =	shalt  }
0x4e: {  	_ =	shalt  }
0x4f: {  	_ =	shalt  }
0x50: {  	_ =	shalt  }
0x51: {  	_ =	shalt  }
0x52: {  	_ =	shalt  }
0x53: {  	_ =	shalt  }
0x54: {  	_ =	shalt  }
0x55: {  	_ =	shalt  }
0x56: {  	_ =	shalt  }
0x57: {  	_ =	shalt  }
0x58: {  	_ =	shalt  }
0x59: {  	_ =	shalt  }
0x5a: {  	_ =	shalt  }
0x5b: {  	_ =	shalt  }
0x5c: {  	_ =	shalt  }
0x5d: {  	_ =	shalt  }
0x5e: {  	_ =	shalt  }
0x5f: {  	_ =	shalt  }
0x60: {  	_ =	shalt  }
0x61: {  	_ =	shalt  }
0x62: {  	_ =	shalt  }
0x63: {  	_ =	shalt  }
0x64: {  	_ =	shalt  }
0x65: {  	_ =	shalt  }
0x66: {  	_ =	shalt  }
0x67: {  	_ =	shalt  }
0x68: {  	_ =	shalt  }
0x69: {  	_ =	shalt  }
0x6a: {  	_ =	shalt  }
0x6b: {  	_ =	shalt  }
0x6c: {  	_ =	shalt  }
0x6d: {  	_ =	shalt  }
0x6e: {  	_ =	shalt  }
0x6f: {  	_ =	shalt  }
0x70: {  	_ =	shalt  }
0x71: {  	_ =	shalt  }
0x72: {  	_ =	shalt  }
0x73: {  	_ =	shalt  }
0x74: {  	_ =	shalt  }
0x75: {  	_ =	shalt  }
0x76: {  	_ =	shalt  }
0x77: {  	_ =	shalt  }
0x78: {  	_ =	shalt  }
0x79: {  	_ =	shalt  }
0x7a: {  	_ =	shalt  }
0x7b: {  	_ =	shalt  }
0x7c: {  	_ =	shalt  }
0x7d: {  	_ =	shalt  }
0x7e: {  	_ =	shalt  }
0x7f: {  	_ =	shalt  }
0x80: {  	_ =	shalt  }
0x81: {  	_ =	shalt  }
0x82: {  	_ =	shalt  }
0x83: {  	_ =	shalt  }
0x84: {  	_ =	shalt  }
0x85: {  	_ =	shalt  }
0x86: {  	_ =	shalt  }
0x87: {  	_ =	shalt  }
.Lfunc_end0:
.L_simem_size_0:
called_computation.4_lowered:
.L_overlay_start_0:
0x88: {  	s2 =	sld [smem:$0x3FD9]  }
0x89: {  	s3 =	sld [smem:$0x3FFE];
	_ =	sdelay $0x1  }
0x8a: {  	s1 =	srdreg.scid  }
0x8b: {  	s0 =	sand.u32 $0x1, s1  }
0x8c: {  	s17 =	sshll.u32 s0, $0xA;
	s2 =	sadd.s32 s3, s2  }
0x8d: {  	s2 =	sadd.s32 s2, s17  }
0x8e: {  	[smem:$0x3FBB] =	sst s2  }
0x8f: {  	_ = 	snop  }
0x90: {  	s18 =	sld [smem:$0x3FC9];
	(tm) =	ssettm $0x1  }
0x91: {  	s19 =	sld [smem:$0x3FFB];
	_ =	sdelay $0x3  }
0x92: {  	_ =	strace s19  }
0x93: {  	s2 =	sld [smem:$0x3FFC];
	_ =	sdelay $0x3  }
0x94: {  	_ =	strace s2  }
0x95: {  	s2 =	sld [smem:$0x3FFD];
	_ =	sdelay $0x3  }
0x96: {  	_ =	strace s2  }
0x97: {  	_ =	strace $0x8FFFFFFF  }
0x98: {  	s20 =	sld [smem:$0x3FDB];
	_ =	sdelay $0x1  }
0x99: {  	s4 =	simm.s32 $_scs_section_size  }
0x9a: {  	s5 =	simm.s32 $_size__tile_overlayer_lowered;
	s6 =	simm.s32 $_tile_overlayer_lowered  }
0x9b: {  	s7 =	simm.s32 $0x1BFF;
	s21 =	sshll.u32 s6, $0x1;
	s4 =	sadd.s32 s4, s20  }
0x9c: {  	s22 =	simm.s32 $0x0;
	s5 =	sshll.u32 s5, $0x1;
	s6 =	sadd.s32 s21, s4  }
0x9d: {  	[timem:s22], [sflag:s7] =	dma.local [hbm:s6], s5  }
0x9e: {  	_ =	swait.ge [sflag:s7], s5  }
0x9f: {  	s5 =	ssub.s32 $0x0, s5;
	[sflag:s7] =	ssyncset.done $0x0  }
0xa0: {  	[sflag:s7] =	ssyncadd.s32 s5;
	_ =	sdelay $0x1  }
0xa1: {  	s23 =	simm.s32 $0x1B8B  }
0xa2: {  	_ =	swait.ge [sflag:s23], $0x1  }
0xa3: {  	[sflag:s23] =	ssyncset.done $0x0  }
0xa4: {  	[sflag:s23] =	ssyncadd.s32 $0xFFFFFFFF  }
0xa5: {  	s5 =	sld [smem:$0x0]  }
0xa6: {  	s6 =	sand.u32 $0xFFFFFFFE, s1  }
0xa7: {  	p0 =	sne.s32 s1, s6  }
0xa8: {  	s6 =	sshll.u32 @p0 s6, $0xE  }
0xa9: {  	s6 =	sadd.s32 @p0 $0x11B8D, s6;
	s7 =	sshll.u32 @p0 s5, $0x11  }
0xaa: {  	s6 =	sor.u32 @p0 s7, s6  }
0xab: {  	[sflag:s6] =	ssyncadd.remote.s32 @p0 $0x1;
	_ =	sdelay $0x1  }
0xac: {  	s6 =	simm.s32 @p0 $0x1B8D  }
0xad: {  	_ =	swait.eq @p0 [sflag:s6], $0x1  }
0xae: {  	[sflag:s6] =	ssyncadd.s32 @p0 $0xFFFFFFFF  }
0xaf: {  	s7 =	sshll.u32 @!p0 s1, $0xE  }
0xb0: {  	s7 =	sor.u32 @!p0 $0x4000, s7;
	s6 =	simm.s32 @!p0 $0x1B8D  }
0xb1: {  	s5 =	sshll.u32 @!p0 s5, $0x11;
	s7 =	sadd.s32 @!p0 $0x11B8D, s7;
	_ =	swait.eq @!p0 [sflag:s6], $0x1  }
0xb2: {  	s5 =	sor.u32 @!p0 s5, s7;
	[sflag:s6] =	ssyncadd.s32 @!p0 $0xFFFFFFFF  }
0xb3: {  	s25 =	simm.s32 $0x1B8E;
	s24 =	sld [smem:$0x3FFE];
	[sflag:s5] =	ssyncadd.remote.s32 @!p0 $0x1  }
0xb4: {  	s26 =	simm.s32 $execute0_lowered;
	[smem:$0x3FD2] =	sst s25  }
0xb5: {  	s6 =	sshll.u32 s26, $0x1;
	_ =	strace $0x80000052;
	[dreg:$0x1] =	wrdreg $0xFFFFFFFF  }
0xb6: {  	s28 =	simm.s32 $_size_execute0_lowered;
	s4 =	sadd.s32 s4, s6;
	[dreg:$0x0] =	wrdreg $0x0  }
0xb7: {  	s6 =	sshll.u32 s28, $0x1;
	[dreg:$0x2] =	wrdreg s4  }
0xb8: {  	[dreg:$0x3] =	wrdreg s6  }
0xb9: {  	[dreg:$0x4] =	wrdreg $0xC0  }
0xba: {  	_ =	task [dreg:s22], $0x5FFFF  }
0xbb: {  	[dreg:$0x1] =	wrdreg $0xFFFFFFFF  }
0xbc: {  	[dreg:$0x0] =	wrdreg $0x60  }
0xbd: {  	[dreg:$0x2] =	wrdreg s18  }
0xbe: {  	[dreg:$0x3] =	wrdreg s24  }
0xbf: {  	[dreg:$0x4] =	wrdreg $0xD  }
0xc0: {  	_ =	task.clear_ibuf [dreg:s22], $0x5FFFF;
	_ =	strace $0x90000052  }
0xc1: {  	s29 =	simm.s32 $0xD;
	_ =	strace $0x80000054  }
0xc2: {  	_ =	swait.ge [sflag:s29], $0x1  }
0xc3: {  	[sflag:s29] =	ssyncadd.s32 $0xFFFFFFFF  }
0xc4: {  	_ =	strace $0x90000054  }
0xc5: {  	_ =	sfence  }
0xc6: {  	s30 =	sld [smem:$0x0];
	_ =	sdelay $0x2  }
0xc7: {  	s31 =	sshll.u32 s1, $0xD;
	s1 =	sshrl.u32 s1, $0x2  }
0xc8: {  	s4 =	sand.u32 $0x4000, s31;
	s1 =	sadd.s32 s1, s30  }
0xc9: {  	s0 =	sor.u32 s4, s0;
	s1 =	sshll.u32 s1, $0x11  }
0xca: {  	s0 =	sor.u32 s1, s0  }
0xcb: {  	s0 =	sadd.s32 $0x8F2B, s0  }
0xcc: {  	[sflag:s0] =	ssyncadd.remote.s32 $0x1  }
0xcd: {  	_ =	sfence.sel $0xFFFF  }
0xce: {  	[dreg:$0x0] =	wrdreg $0xFFFFFFFF;
	(pc) =	sbr.abs _section_cstart, $3  }
0xcf: {  	[dreg:$0x1] =	wrdreg $0xFFFFFFFF  }
0xd0: {  	_ =	task.clear_ibuf [dreg:s22], $0x2FFFF;
	_ =	strace $0x9FFFFFFF  }
0xd1: {  	(tm) =	ssettm $0x7FFFFFFF  }
tec
execute0_lowered:
.L_overlay_start_1:
0x0: {  	(tag) =	ssettag $0x1  }
0x1: {  	s1 =	srdreg.scid;
	s0 =	stileid.u32  }
0x2: {  	s18 =	sand.u32 $0x1, s1;
	s30 =	sshll.u32 s0, $0x1  }
0x3: {  	s11 =	sor.u32 s18, s30  }
0x4: {  	s2 =	rddreg [dreg:$0x0];
	s4 =	smul.u32 $0x7D0, s11  }
0x5: {  	s10 =	rddreg [dreg:$0x1]  }
0x6: {  	s3 =	simm.s32 $0x0;
	s1 =	rddreg [dreg:$0x2];
	s4 =	sshrl.u32 s4, $0x3  }
0x7: {  	[smem:$0x7FF] =	sst s3;
	s4 =	sadd.s32 s10, s4  }
0x8: {  	_ =	strace $0x80000053;
	s5 =	sadd.s32 $0xB7C0, s4;
	s4 =	simm.s32 $0x3  }
0x9: {  	[tilespmem:s3], [sflag:$0x3] =	stream.linear.gather [hbm4b:s5+s3], $0x7D0, $0x38;
	[tilespmem:$0x19800] =	vst v63  }
0xa: {  	_ =	swait.ge [sflag:s4], $0x7D0  }
0xb: {  	[sflag:s4] =	ssyncset.done $0x0  }
0xc: {  	s6 =	simm.s32 $0x190;
	s7 =	simm.s32 $0x800;
	[sflag:s4] =	ssyncadd.s32 $0xFFFFF830  }
0xd: {  	[tilespmem:s7], [sflag:$0x1] =	stream.indirect.gather [hbm4b:s2+s6], $0x80, s3, s6, $0xb8;
	[tilespmem:$0x19800] =	vst v63  }
0xe: {  	s8 =	simm.s32 $0xD000;
	s9 =	simm.s32 $0x1  }
0xf: {  	[tilespmem:s8], [sflag:$0x2] =	stream.indirect.gather [hbm4b:s2+s6], $0x80, s6, s6, $0xb8;
	[tilespmem:$0x19800] =	vst v63  }
0x10: {  	s12 =	smul.u32 $0x7D00, s11;
	_ =	swait.ge [sflag:s9], $0xC800  }
0x11: {  	s13 =	sadd.s32 $0x2FD800, s10;
	[sflag:s9] =	ssyncset.done $0x0  }
0x12: {  	s10 =	sadd.s32 s13, s12;
	[sflag:s9] =	ssyncadd.s32 $0xFFFF3800  }
0x13: {  	[hbm4b:s10+s3] =	stream.linear.scatter [tilespmem:s7], [sflag:$0x3], $0xC800, $0x38;
	[tilespmem:$0x19800] =	vst v63  }
0x14: {  	_ =	swait.ge [sflag:s4], $0xC800  }
0x15: {  	s14 =	smul.u32 $0x3E800, s11;
	[sflag:s4] =	ssyncset.done $0x0  }
0x16: {  	s11 =	simm.s32 $0x320;
	s12 =	simm.s32 $0x2;
	[sflag:s4] =	ssyncadd.s32 $0xFFFF3800  }
0x17: {  	[tilespmem:s7], [sflag:$0x1] =	stream.indirect.gather [hbm4b:s2+s6], $0x80, s11, s6, $0xb8;
	[tilespmem:$0x19800] =	vst v63  }
0x18: {  	s14 =	sshrl.u32 s14, $0x3;
	_ =	swait.ge [sflag:s12], $0xC800  }
0x19: {  	s19 =	sadd.s32 s13, s14;
	[sflag:s12] =	ssyncset.done $0x0  }
0x1a: {  	s13 =	sadd.s32 $0x1900, s19;
	[sflag:s12] =	ssyncadd.s32 $0xFFFF3800  }
0x1b: {  	[hbm4b:s13+s3] =	stream.linear.scatter [tilespmem:s8], [sflag:$0x3], $0xC800, $0x38;
	[tilespmem:$0x19800] =	vst v63  }
0x1c: {  	_ =	swait.ge [sflag:s4], $0xC800  }
0x1d: {  	[sflag:s4] =	ssyncset.done $0x0  }
0x1e: {  	s14 =	simm.s32 $0x4B0;
	[sflag:s4] =	ssyncadd.s32 $0xFFFF3800  }
0x1f: {  	[tilespmem:s8], [sflag:$0x2] =	stream.indirect.gather [hbm4b:s2+s6], $0x80, s14, s6, $0xb8;
	[tilespmem:$0x19800] =	vst v63  }
0x20: {  	_ =	swait.ge [sflag:s9], $0xC800  }
0x21: {  	[sflag:s9] =	ssyncset.done $0x0  }
0x22: {  	s15 =	sadd.s32 $0x3200, s19;
	[sflag:s9] =	ssyncadd.s32 $0xFFFF3800  }
0x23: {  	[hbm4b:s15+s3] =	stream.linear.scatter [tilespmem:s7], [sflag:$0x3], $0xC800, $0x38;
	[tilespmem:$0x19800] =	vst v63  }
0x24: {  	_ =	swait.ge [sflag:s4], $0xC800  }
0x25: {  	[sflag:s4] =	ssyncset.done $0x0  }
0x26: {  	s16 =	simm.s32 $0x640;
	[sflag:s4] =	ssyncadd.s32 $0xFFFF3800  }
0x27: {  	[tilespmem:s7], [sflag:$0x1] =	stream.indirect.gather [hbm4b:s2+s6], $0x80, s16, s6, $0xb8;
	[tilespmem:$0x19800] =	vst v63  }
0x28: {  	_ =	swait.ge [sflag:s12], $0xC800  }
0x29: {  	[sflag:s12] =	ssyncset.done $0x0  }
0x2a: {  	s18 =	ssub.s32 $0x2, s18;
	s17 =	sadd.s32 $0x4B00, s19;
	[sflag:s12] =	ssyncadd.s32 $0xFFFF3800  }
0x2b: {  	[hbm4b:s17+s3] =	stream.linear.scatter [tilespmem:s8], [sflag:$0x3], $0xC800, $0x38;
	[tilespmem:$0x19800] =	vst v63  }
0x2c: {  	s20 =	sshrl.u32 s18, $0x1;
	_ =	swait.ge [sflag:s4], $0xC800  }
0x2d: {  	s20 =	ssub.s32 s18, s20;
	[sflag:s4] =	ssyncset.done $0x0  }
0x2e: {  	s31 =	smax.u32 s20, $0x1;
	[sflag:s4] =	ssyncadd.s32 $0xFFFF3800  }
0x2f: {  	p0 =	sne.s32 s31, $0x1;
	_ =	swait.ge [sflag:s9], $0xC800  }
.Ltmp0:
0x30: {  	[sflag:s9] =	ssyncset.done $0x0;
	(pc) =	sbr.rel @!p0 .LBB2_2-.Ltmp0, $4  }
0x31: {  	s18 =	sadd.s32 $0x6400, s19;
	[sflag:s9] =	ssyncadd.s32 $0xFFFF3800  }
0x32: {  	[hbm4b:s18+s3] =	stream.linear.scatter [tilespmem:s7], [sflag:$0x3], $0xC800, $0x38;
	[tilespmem:$0x19800] =	vst v63  }
0x33: {  	_ =	swait.ge [sflag:s4], $0xC800  }
0x34: {  	s19 =	sadd.s32 $0xFFFFFFFF, s31;
	[sflag:s4] =	ssyncset.done $0x0  }
.LBB2_1:
0x35: {  	p0 =	sne.s32 s19, $0x1;
	s19 =	sadd.s32 $0xFFFFFFFF, s19;
	[sflag:s4] =	ssyncadd.s32 $0xFFFF3800  }
0x36: {  	[tilespmem:s3], [sflag:$0x3] =	stream.linear.gather [hbm4b:s5+s3], $0x7D0, $0x38;
	[tilespmem:$0x19800] =	vst v63  }
0x37: {  	_ =	swait.ge [sflag:s4], $0x7D0  }
0x38: {  	[sflag:s4] =	ssyncset.done $0x0  }
0x39: {  	[sflag:s4] =	ssyncadd.s32 $0xFFFFF830  }
0x3a: {  	[tilespmem:s7], [sflag:$0x1] =	stream.indirect.gather [hbm4b:s2+s6], $0x80, s3, s6, $0xb8;
	[tilespmem:$0x19800] =	vst v63  }
0x3b: {  	_ = 	snop  }
0x3c: {  	[tilespmem:s8], [sflag:$0x2] =	stream.indirect.gather [hbm4b:s2+s6], $0x80, s6, s6, $0xb8;
	[tilespmem:$0x19800] =	vst v63  }
0x3d: {  	_ =	swait.ge [sflag:s9], $0xC800  }
0x3e: {  	[sflag:s9] =	ssyncset.done $0x0  }
0x3f: {  	[sflag:s9] =	ssyncadd.s32 $0xFFFF3800  }
0x40: {  	[hbm4b:s10+s3] =	stream.linear.scatter [tilespmem:s7], [sflag:$0x3], $0xC800, $0x38;
	[tilespmem:$0x19800] =	vst v63  }
0x41: {  	_ =	swait.ge [sflag:s4], $0xC800  }
0x42: {  	[sflag:s4] =	ssyncset.done $0x0  }
0x43: {  	[sflag:s4] =	ssyncadd.s32 $0xFFFF3800  }
0x44: {  	[tilespmem:s7], [sflag:$0x1] =	stream.indirect.gather [hbm4b:s2+s6], $0x80, s11, s6, $0xb8;
	[tilespmem:$0x19800] =	vst v63  }
0x45: {  	_ =	swait.ge [sflag:s12], $0xC800  }
0x46: {  	[sflag:s12] =	ssyncset.done $0x0  }
0x47: {  	[sflag:s12] =	ssyncadd.s32 $0xFFFF3800  }
0x48: {  	[hbm4b:s13+s3] =	stream.linear.scatter [tilespmem:s8], [sflag:$0x3], $0xC800, $0x38;
	[tilespmem:$0x19800] =	vst v63  }
0x49: {  	_ =	swait.ge [sflag:s4], $0xC800  }
0x4a: {  	[sflag:s4] =	ssyncset.done $0x0  }
0x4b: {  	[sflag:s4] =	ssyncadd.s32 $0xFFFF3800  }
0x4c: {  	[tilespmem:s8], [sflag:$0x2] =	stream.indirect.gather [hbm4b:s2+s6], $0x80, s14, s6, $0xb8;
	[tilespmem:$0x19800] =	vst v63  }
0x4d: {  	_ =	swait.ge [sflag:s9], $0xC800  }
0x4e: {  	[sflag:s9] =	ssyncset.done $0x0  }
0x4f: {  	[sflag:s9] =	ssyncadd.s32 $0xFFFF3800  }
0x50: {  	[hbm4b:s15+s3] =	stream.linear.scatter [tilespmem:s7], [sflag:$0x3], $0xC800, $0x38;
	[tilespmem:$0x19800] =	vst v63  }
0x51: {  	_ =	swait.ge [sflag:s4], $0xC800  }
0x52: {  	[sflag:s4] =	ssyncset.done $0x0  }
0x53: {  	[sflag:s4] =	ssyncadd.s32 $0xFFFF3800  }
0x54: {  	[tilespmem:s7], [sflag:$0x1] =	stream.indirect.gather [hbm4b:s2+s6], $0x80, s16, s6, $0xb8;
	[tilespmem:$0x19800] =	vst v63  }
0x55: {  	_ =	swait.ge [sflag:s12], $0xC800  }
0x56: {  	[sflag:s12] =	ssyncset.done $0x0  }
0x57: {  	[sflag:s12] =	ssyncadd.s32 $0xFFFF3800  }
0x58: {  	[hbm4b:s17+s3] =	stream.linear.scatter [tilespmem:s8], [sflag:$0x3], $0xC800, $0x38;
	[tilespmem:$0x19800] =	vst v63  }
0x59: {  	_ =	swait.ge [sflag:s4], $0xC800  }
0x5a: {  	[sflag:s4] =	ssyncset.done $0x0  }
0x5b: {  	[sflag:s4] =	ssyncadd.s32 $0xFFFF3800  }
0x5c: {  	_ =	swait.ge [sflag:s9], $0xC800  }
.Ltmp1:
0x5d: {  	[sflag:s9] =	ssyncset.done $0x0;
	(pc) =	sbr.rel @p0 .LBB2_1-.Ltmp1, $4  }
0x5e: {  	[sflag:s9] =	ssyncadd.s32 $0xFFFF3800  }
0x5f: {  	[hbm4b:s18+s3] =	stream.linear.scatter [tilespmem:s7], [sflag:$0x3], $0xC800, $0x38;
	[tilespmem:$0x19800] =	vst v63  }
0x60: {  	_ =	swait.ge [sflag:s4], $0xC800  }
0x61: {  	[sflag:s4] =	ssyncset.done $0x0  }
.LBB2_2:
0x62: {  	[sflag:s4] =	ssyncadd.s32 $0xFFFF3800  }
0x63: {  	_ =	sfence.sel $0x180000  }
0x64: {  	[bflag:$0x0] =	sbarrier.arrive $0xFFFF  }
0x65: {  	p0 =	sne.s32 s0, $0x0;
	_ =	strace $0x90000053  }
0x66: {  	s0 =	sadd.s32 @!p0 $0x100000, s1;
	[bflag:$0x2] =	sbarrier.arrive $0xFFFF  }
0x67: {  	[sflag:s0] =	ssyncadd.tile.s32 @!p0 $0x1;
	_ =	shalt  }
.Lfunc_end2:
_tile_overlayer_lowered:
.L_overlay_start_2:
0x68: {  	(tag) =	ssettag $0x2  }
0x69: {  	s0 =	rddreg [dreg:$0x0];
	s2 =	stileid.u32  }
0x6a: {  	s1 =	rddreg [dreg:$0x1];
	p0 =	sne.s32 s2, $0x0  }
0x6b: {  	s3 =	rddreg [dreg:$0x2];
	[bflag:$0x3] =	sbarrier.arrive $0xFFFF;
	s2 =	simm.s32 @!p0 $0x1C03  }
0x6c: {  	[timem:s3], [sflag:s2] =	dma.local @!p0 [hbm:s0], s1  }
0x6d: {  	s0 =	simm.s32 @!p0 $0x3  }
0x6e: {  	_ =	swait.ge @!p0 [sflag:s0], s1  }
0x6f: {  	s1 =	ssub.s32 @!p0 $0x0, s1;
	[sflag:s0] =	ssyncset.done @!p0 $0x0  }
0x70: {  	[sflag:s0] =	ssyncadd.s32 @!p0 s1  }
0x71: {  	[bflag:$0x3] =	sbarrier.arrive $0xFFFF  }
0x72: {  	_ =	shalt  }

// kernel: kernel.29.cloned.1.call-start
scs
__scs_entry_jumppad:
0x0: {  	(pc) =	sbr.rel $0x88, $3  }
0x1: {  	(tag) =	ssettag $0x0;
	lr =	simm.s32 $0x1  }
0x2: {  	[smem:$0x3F94] =	sst lr;
	_ =	strace $0xD0000000  }
0x3: {  	_ = 	snop  }
0x4: {  	_ = 	snop  }
0x5: {  	_ = 	snop  }
0x6: {  	_ = 	snop  }
0x7: {  	_ = 	snop  }
__scs_overlays_trampoline_lowered:
0x8: {  	[smem:$0x3FA3] =	sst s0  }
0x9: {  	[smem:$0x3FA4] =	sst s1  }
0xa: {  	[smem:$0x3FA5] =	sst s2  }
0xb: {  	[smem:$0x3FA6] =	sst s3  }
0xc: {  	[smem:$0x3FA7] =	sst s4  }
0xd: {  	[smem:$0x3FA8] =	sst s5  }
0xe: {  	[smem:$0x3FA9] =	sst s6  }
0xf: {  	[smem:$0x3FAA] =	sst s7  }
0x10: {  	[smem:$0x3FAB] =	sst s8  }
0x11: {  	[smem:$0x3FAC] =	sst s9;
	s0 =	simm.s32 @!p0 $0x0  }
0x12: {  	s1 =	sld [smem:$0x3F92];
	s0 =	simm.s32 @p0 $0x1  }
0x13: {  	[smem:$0x3FAD] =	sst s0;
	s0 =	simm.s32 @!p1 $0x0  }
0x14: {  	s2 =	sld [smem:$0x3F91];
	s0 =	simm.s32 @p1 $0x1  }
0x15: {  	[smem:$0x3FAE] =	sst s0;
	s0 =	simm.s32 @!p2 $0x0  }
0x16: {  	s3 =	sld [smem:$0x3FDB];
	s0 =	simm.s32 @p2 $0x1  }
0x17: {  	s4 =	simm.s32 $0x1BF5;
	[smem:$0x3FB0] =	sst s0  }
0x18: {  	s0 =	sld [smem:$0x3F93];
	_ =	swait.ge [sflag:s4], $0x0  }
0x19: {  	s7 =	sld [smem:$0x3F94]  }
0x1a: {  	s8 =	sadd.s32 $0xFFFFE003, lr  }
0x1b: {  	s9 =	sadd.s32 $0xFFFFFEF7, lr;
	s5 =	simm.s32 $0xFFFFFFFF;
	p2 =	slt.u32 s8, $0xFFFFF086  }
0x1c: {  	p1 =	slt.u32 s9, $0xF7A;
	s5 =	simm.s32 @!p2 $0x0  }
0x1d: {  	s5 =	simm.s32 @p1 $0x1;
	p0 =	seq.s32 s7, s2  }
0x1e: {  	s7 =	smul.u32 @!p0 $0xF7A, s2;
	p2 =	seq.s32 @!p0 s5, $0x0  }
0x1f: {  	s9 =	smul.u32 $0xF7A, s1;
	s8 =	simm.s32 @!p0 $0x1BF5;
	p2 =	por !p2, p0  }
0x20: {  	[sflag:s8] =	ssyncset.s32 @!p0 $0xFFFFF086;
	s6 =	sadd.s32 @!p0 s3, s7;
	s7 =	simm.s32 @!p0 $0x108  }
0x21: {  	s3 =	sadd.s32 s3, s9;
	s6 =	sadd.s32 @!p0 $0x88, s6;
	s7 =	simm.s32 @p2 $0x1082  }
0x22: {  	[simem:s7], [sflag:s8] =	dma.local @!p0 [hbm:s6], $0xF7A  }
0x23: {  	s9 =	sor.u32 $0xD0000000, s2;
	s6 =	simm.s32 $0x108;
	_ =	swait.ge @!p0 [sflag:s8], $0x0  }
0x24: {  	s3 =	sadd.s32 $0x88, s3;
	s6 =	simm.s32 @!p1 $0x1082;
	[sflag:s4] =	ssyncset.s32 $0xFFFFF086  }
0x25: {  	[simem:s6], [sflag:s4] =	dma.local [hbm:s3], $0xF7A  }
0x26: {  	[smem:$0x3F94] =	sst s1;
	(tag) =	ssettag s2;
	_ =	strace s9  }
0x27: {  	s1 =	sld [smem:$0x3FA4]  }
0x28: {  	s2 =	sld [smem:$0x3FA5]  }
0x29: {  	s4 =	sld [smem:$0x3FA7]  }
0x2a: {  	p0 =	seq.s32 s5, $0x0;
	s5 =	sld [smem:$0x3FA8]  }
0x2b: {  	s6 =	sld [smem:$0x3FA9]  }
0x2c: {  	s7 =	sld [smem:$0x3FAA]  }
0x2d: {  	s3 =	simm.s32 $0x108;
	s8 =	sld [smem:$0x3FAB]  }
0x2e: {  	s3 =	simm.s32 @!p0 $0x1082;
	s9 =	sld [smem:$0x3FAC]  }
0x2f: {  	lr =	sadd.s32 s0, s3;
	s0 =	sld [smem:$0x3FA3]  }
0x30: {  	s3 =	sld [smem:$0x3FA6]  }
0x31: {  	[smem:$0x3FAF] =	sst s10  }
0x32: {  	s10 =	sld [smem:$0x3FAD];
	_ =	sdelay $0x3  }
0x33: {  	p0 =	seq.s32 s10, $0x1;
	s10 =	sld [smem:$0x3FAF];
	_ =	sdelay $0x3  }
0x34: {  	[smem:$0x3FAF] =	sst s10  }
0x35: {  	s10 =	sld [smem:$0x3FAE];
	_ =	sdelay $0x3  }
0x36: {  	p1 =	seq.s32 s10, $0x1;
	s10 =	sld [smem:$0x3FAF];
	_ =	sdelay $0x3  }
0x37: {  	[smem:$0x3FAF] =	sst s10  }
0x38: {  	s10 =	sld [smem:$0x3FB0]  }
0x39: {  	_ = 	snop;
	(pc) =	sbr.ind lr, $3  }
0x3a: {  	_ = 	snop  }
0x3b: {  	_ = 	snop  }
0x3c: {  	p2 =	seq.s32 s10, $0x1;
	s10 =	sld [smem:$0x3FAF]  }
0x3d: {  	_ =	shalt  }
0x3e: {  	_ =	shalt  }
0x3f: {  	_ =	shalt  }
0x40: {  	_ =	shalt  }
0x41: {  	_ =	shalt  }
0x42: {  	_ =	shalt  }
0x43: {  	_ =	shalt  }
0x44: {  	_ =	shalt  }
0x45: {  	_ =	shalt  }
0x46: {  	_ =	shalt  }
0x47: {  	_ =	shalt  }
0x48: {  	_ =	shalt  }
0x49: {  	_ =	shalt  }
0x4a: {  	_ =	shalt  }
0x4b: {  	_ =	shalt  }
0x4c: {  	_ =	shalt  }
0x4d: {  	_ =	shalt  }
0x4e: {  	_ =	shalt  }
0x4f: {  	_ =	shalt  }
0x50: {  	_ =	shalt  }
0x51: {  	_ =	shalt  }
0x52: {  	_ =	shalt  }
0x53: {  	_ =	shalt  }
0x54: {  	_ =	shalt  }
0x55: {  	_ =	shalt  }
0x56: {  	_ =	shalt  }
0x57: {  	_ =	shalt  }
0x58: {  	_ =	shalt  }
0x59: {  	_ =	shalt  }
0x5a: {  	_ =	shalt  }
0x5b: {  	_ =	shalt  }
0x5c: {  	_ =	shalt  }
0x5d: {  	_ =	shalt  }
0x5e: {  	_ =	shalt  }
0x5f: {  	_ =	shalt  }
0x60: {  	_ =	shalt  }
0x61: {  	_ =	shalt  }
0x62: {  	_ =	shalt  }
0x63: {  	_ =	shalt  }
0x64: {  	_ =	shalt  }
0x65: {  	_ =	shalt  }
0x66: {  	_ =	shalt  }
0x67: {  	_ =	shalt  }
0x68: {  	_ =	shalt  }
0x69: {  	_ =	shalt  }
0x6a: {  	_ =	shalt  }
0x6b: {  	_ =	shalt  }
0x6c: {  	_ =	shalt  }
0x6d: {  	_ =	shalt  }
0x6e: {  	_ =	shalt  }
0x6f: {  	_ =	shalt  }
0x70: {  	_ =	shalt  }
0x71: {  	_ =	shalt  }
0x72: {  	_ =	shalt  }
0x73: {  	_ =	shalt  }
0x74: {  	_ =	shalt  }
0x75: {  	_ =	shalt  }
0x76: {  	_ =	shalt  }
0x77: {  	_ =	shalt  }
0x78: {  	_ =	shalt  }
0x79: {  	_ =	shalt  }
0x7a: {  	_ =	shalt  }
0x7b: {  	_ =	shalt  }
0x7c: {  	_ =	shalt  }
0x7d: {  	_ =	shalt  }
0x7e: {  	_ =	shalt  }
0x7f: {  	_ =	shalt  }
0x80: {  	_ =	shalt  }
0x81: {  	_ =	shalt  }
0x82: {  	_ =	shalt  }
0x83: {  	_ =	shalt  }
0x84: {  	_ =	shalt  }
0x85: {  	_ =	shalt  }
0x86: {  	_ =	shalt  }
0x87: {  	_ =	shalt  }
.Lfunc_end0:
.L_simem_size_0:
called_computation.5_lowered:
.L_overlay_start_0:
0x88: {  	s2 =	sld [smem:$0x3FD9]  }
0x89: {  	s3 =	sld [smem:$0x3FFE];
	_ =	sdelay $0x1  }
0x8a: {  	s1 =	srdreg.scid  }
0x8b: {  	s0 =	sand.u32 $0x1, s1  }
0x8c: {  	s17 =	sshll.u32 s0, $0xA;
	s2 =	sadd.s32 s3, s2  }
0x8d: {  	s2 =	sadd.s32 s2, s17  }
0x8e: {  	[smem:$0x3FBB] =	sst s2  }
0x8f: {  	_ = 	snop  }
0x90: {  	s18 =	sld [smem:$0x3FC9];
	(tm) =	ssettm $0x1  }
0x91: {  	s19 =	sld [smem:$0x3FFB];
	_ =	sdelay $0x3  }
0x92: {  	_ =	strace s19  }
0x93: {  	s2 =	sld [smem:$0x3FFC];
	_ =	sdelay $0x3  }
0x94: {  	_ =	strace s2  }
0x95: {  	s2 =	sld [smem:$0x3FFD];
	_ =	sdelay $0x3  }
0x96: {  	_ =	strace s2  }
0x97: {  	_ =	strace $0x8FFFFFFF  }
0x98: {  	s20 =	sld [smem:$0x3FDB];
	_ =	sdelay $0x1  }
0x99: {  	s4 =	simm.s32 $_scs_section_size  }
0x9a: {  	s5 =	simm.s32 $_size__tile_overlayer_lowered;
	s6 =	simm.s32 $_tile_overlayer_lowered  }
0x9b: {  	s7 =	simm.s32 $0x1BFF;
	s21 =	sshll.u32 s6, $0x1;
	s4 =	sadd.s32 s4, s20  }
0x9c: {  	s22 =	simm.s32 $0x0;
	s5 =	sshll.u32 s5, $0x1;
	s6 =	sadd.s32 s21, s4  }
0x9d: {  	[timem:s22], [sflag:s7] =	dma.local [hbm:s6], s5  }
0x9e: {  	_ =	swait.ge [sflag:s7], s5  }
0x9f: {  	s5 =	ssub.s32 $0x0, s5;
	[sflag:s7] =	ssyncset.done $0x0  }
0xa0: {  	[sflag:s7] =	ssyncadd.s32 s5;
	_ =	sdelay $0x1  }
0xa1: {  	s23 =	simm.s32 $0x1B8B  }
0xa2: {  	_ =	swait.ge [sflag:s23], $0x1  }
0xa3: {  	[sflag:s23] =	ssyncset.done $0x0  }
0xa4: {  	[sflag:s23] =	ssyncadd.s32 $0xFFFFFFFF  }
0xa5: {  	s5 =	sld [smem:$0x0]  }
0xa6: {  	s6 =	sand.u32 $0xFFFFFFFE, s1  }
0xa7: {  	p0 =	sne.s32 s1, s6  }
0xa8: {  	s6 =	sshll.u32 @p0 s6, $0xE  }
0xa9: {  	s6 =	sadd.s32 @p0 $0x11B8D, s6;
	s7 =	sshll.u32 @p0 s5, $0x11  }
0xaa: {  	s6 =	sor.u32 @p0 s7, s6  }
0xab: {  	[sflag:s6] =	ssyncadd.remote.s32 @p0 $0x1;
	_ =	sdelay $0x1  }
0xac: {  	s6 =	simm.s32 @p0 $0x1B8D  }
0xad: {  	_ =	swait.eq @p0 [sflag:s6], $0x1  }
0xae: {  	[sflag:s6] =	ssyncadd.s32 @p0 $0xFFFFFFFF  }
0xaf: {  	s7 =	sshll.u32 @!p0 s1, $0xE  }
0xb0: {  	s7 =	sor.u32 @!p0 $0x4000, s7;
	s6 =	simm.s32 @!p0 $0x1B8D  }
0xb1: {  	s5 =	sshll.u32 @!p0 s5, $0x11;
	s7 =	sadd.s32 @!p0 $0x11B8D, s7;
	_ =	swait.eq @!p0 [sflag:s6], $0x1  }
0xb2: {  	s5 =	sor.u32 @!p0 s5, s7;
	[sflag:s6] =	ssyncadd.s32 @!p0 $0xFFFFFFFF  }
0xb3: {  	s25 =	simm.s32 $0x1B8E;
	s24 =	sld [smem:$0x3FFE];
	[sflag:s5] =	ssyncadd.remote.s32 @!p0 $0x1  }
0xb4: {  	s26 =	simm.s32 $execute0_lowered;
	[smem:$0x3FD2] =	sst s25  }
0xb5: {  	s6 =	sshll.u32 s26, $0x1;
	_ =	strace $0x80000055;
	[dreg:$0x1] =	wrdreg $0xFFFFFFFF  }
0xb6: {  	s28 =	simm.s32 $_size_execute0_lowered;
	s4 =	sadd.s32 s4, s6;
	[dreg:$0x0] =	wrdreg $0x0  }
0xb7: {  	s6 =	sshll.u32 s28, $0x1;
	[dreg:$0x2] =	wrdreg s4  }
0xb8: {  	[dreg:$0x3] =	wrdreg s6  }
0xb9: {  	[dreg:$0x4] =	wrdreg $0xC0  }
0xba: {  	_ =	task [dreg:s22], $0x5FFFF  }
0xbb: {  	[dreg:$0x1] =	wrdreg $0xFFFFFFFF  }
0xbc: {  	[dreg:$0x0] =	wrdreg $0x60  }
0xbd: {  	[dreg:$0x2] =	wrdreg s18  }
0xbe: {  	[dreg:$0x3] =	wrdreg s24  }
0xbf: {  	[dreg:$0x4] =	wrdreg $0xE  }
0xc0: {  	_ =	task.clear_ibuf [dreg:s22], $0x5FFFF;
	_ =	strace $0x90000055  }
0xc1: {  	s29 =	simm.s32 $0xE;
	_ =	strace $0x80000057  }
0xc2: {  	_ =	swait.ge [sflag:s29], $0x1  }
0xc3: {  	[sflag:s29] =	ssyncadd.s32 $0xFFFFFFFF  }
0xc4: {  	_ =	strace $0x90000057  }
0xc5: {  	_ =	sfence  }
0xc6: {  	s30 =	sld [smem:$0x0];
	_ =	sdelay $0x2  }
0xc7: {  	s31 =	sshll.u32 s1, $0xD;
	s1 =	sshrl.u32 s1, $0x2  }
0xc8: {  	s4 =	sand.u32 $0x4000, s31;
	s1 =	sadd.s32 s1, s30  }
0xc9: {  	s0 =	sor.u32 s4, s0;
	s1 =	sshll.u32 s1, $0x11  }
0xca: {  	s0 =	sor.u32 s1, s0  }
0xcb: {  	s0 =	sadd.s32 $0x8F2B, s0  }
0xcc: {  	[sflag:s0] =	ssyncadd.remote.s32 $0x1  }
0xcd: {  	_ =	sfence.sel $0xFFFF  }
0xce: {  	[dreg:$0x0] =	wrdreg $0xFFFFFFFF;
	(pc) =	sbr.abs _section_cstart, $3  }
0xcf: {  	[dreg:$0x1] =	wrdreg $0xFFFFFFFF  }
0xd0: {  	_ =	task.clear_ibuf [dreg:s22], $0x2FFFF;
	_ =	strace $0x9FFFFFFF  }
0xd1: {  	(tm) =	ssettm $0x7FFFFFFF  }
tec
execute0_lowered:
.L_overlay_start_1:
0x0: {  	(tag) =	ssettag $0x1  }
0x1: {  	s1 =	srdreg.scid;
	s0 =	stileid.u32  }
0x2: {  	s18 =	sand.u32 $0x1, s1;
	s30 =	sshll.u32 s0, $0x1  }
0x3: {  	s11 =	sor.u32 s18, s30  }
0x4: {  	s2 =	rddreg [dreg:$0x0];
	s4 =	smul.u32 $0x7D0, s11  }
0x5: {  	s10 =	rddreg [dreg:$0x1]  }
0x6: {  	s3 =	simm.s32 $0x0;
	s1 =	rddreg [dreg:$0x2];
	s4 =	sshrl.u32 s4, $0x3  }
0x7: {  	[smem:$0x7FF] =	sst s3;
	s4 =	sadd.s32 s10, s4  }
0x8: {  	_ =	strace $0x80000056;
	s5 =	sadd.s32 $0xD700, s4;
	s4 =	simm.s32 $0x3  }
0x9: {  	[tilespmem:s3], [sflag:$0x3] =	stream.linear.gather [hbm4b:s5+s3], $0x7D0, $0x38;
	[tilespmem:$0x19800] =	vst v63  }
0xa: {  	_ =	swait.ge [sflag:s4], $0x7D0  }
0xb: {  	[sflag:s4] =	ssyncset.done $0x0  }
0xc: {  	s6 =	simm.s32 $0x190;
	s7 =	simm.s32 $0x800;
	[sflag:s4] =	ssyncadd.s32 $0xFFFFF830  }
0xd: {  	[tilespmem:s7], [sflag:$0x1] =	stream.indirect.gather [hbm4b:s2+s6], $0x80, s3, s6, $0xb8;
	[tilespmem:$0x19800] =	vst v63  }
0xe: {  	s8 =	simm.s32 $0xD000;
	s9 =	simm.s32 $0x1  }
0xf: {  	[tilespmem:s8], [sflag:$0x2] =	stream.indirect.gather [hbm4b:s2+s6], $0x80, s6, s6, $0xb8;
	[tilespmem:$0x19800] =	vst v63  }
0x10: {  	s12 =	smul.u32 $0x7D00, s11;
	_ =	swait.ge [sflag:s9], $0xC800  }
0x11: {  	s13 =	sadd.s32 $0x3F7800, s10;
	[sflag:s9] =	ssyncset.done $0x0  }
0x12: {  	s10 =	sadd.s32 s13, s12;
	[sflag:s9] =	ssyncadd.s32 $0xFFFF3800  }
0x13: {  	[hbm4b:s10+s3] =	stream.linear.scatter [tilespmem:s7], [sflag:$0x3], $0xC800, $0x38;
	[tilespmem:$0x19800] =	vst v63  }
0x14: {  	_ =	swait.ge [sflag:s4], $0xC800  }
0x15: {  	s14 =	smul.u32 $0x3E800, s11;
	[sflag:s4] =	ssyncset.done $0x0  }
0x16: {  	s11 =	simm.s32 $0x320;
	s12 =	simm.s32 $0x2;
	[sflag:s4] =	ssyncadd.s32 $0xFFFF3800  }
0x17: {  	[tilespmem:s7], [sflag:$0x1] =	stream.indirect.gather [hbm4b:s2+s6], $0x80, s11, s6, $0xb8;
	[tilespmem:$0x19800] =	vst v63  }
0x18: {  	s14 =	sshrl.u32 s14, $0x3;
	_ =	swait.ge [sflag:s12], $0xC800  }
0x19: {  	s19 =	sadd.s32 s13, s14;
	[sflag:s12] =	ssyncset.done $0x0  }
0x1a: {  	s13 =	sadd.s32 $0x1900, s19;
	[sflag:s12] =	ssyncadd.s32 $0xFFFF3800  }
0x1b: {  	[hbm4b:s13+s3] =	stream.linear.scatter [tilespmem:s8], [sflag:$0x3], $0xC800, $0x38;
	[tilespmem:$0x19800] =	vst v63  }
0x1c: {  	_ =	swait.ge [sflag:s4], $0xC800  }
0x1d: {  	[sflag:s4] =	ssyncset.done $0x0  }
0x1e: {  	s14 =	simm.s32 $0x4B0;
	[sflag:s4] =	ssyncadd.s32 $0xFFFF3800  }
0x1f: {  	[tilespmem:s8], [sflag:$0x2] =	stream.indirect.gather [hbm4b:s2+s6], $0x80, s14, s6, $0xb8;
	[tilespmem:$0x19800] =	vst v63  }
0x20: {  	_ =	swait.ge [sflag:s9], $0xC800  }
0x21: {  	[sflag:s9] =	ssyncset.done $0x0  }
0x22: {  	s15 =	sadd.s32 $0x3200, s19;
	[sflag:s9] =	ssyncadd.s32 $0xFFFF3800  }
0x23: {  	[hbm4b:s15+s3] =	stream.linear.scatter [tilespmem:s7], [sflag:$0x3], $0xC800, $0x38;
	[tilespmem:$0x19800] =	vst v63  }
0x24: {  	_ =	swait.ge [sflag:s4], $0xC800  }
0x25: {  	[sflag:s4] =	ssyncset.done $0x0  }
0x26: {  	s16 =	simm.s32 $0x640;
	[sflag:s4] =	ssyncadd.s32 $0xFFFF3800  }
0x27: {  	[tilespmem:s7], [sflag:$0x1] =	stream.indirect.gather [hbm4b:s2+s6], $0x80, s16, s6, $0xb8;
	[tilespmem:$0x19800] =	vst v63  }
0x28: {  	_ =	swait.ge [sflag:s12], $0xC800  }
0x29: {  	[sflag:s12] =	ssyncset.done $0x0  }
0x2a: {  	s18 =	ssub.s32 $0x2, s18;
	s17 =	sadd.s32 $0x4B00, s19;
	[sflag:s12] =	ssyncadd.s32 $0xFFFF3800  }
0x2b: {  	[hbm4b:s17+s3] =	stream.linear.scatter [tilespmem:s8], [sflag:$0x3], $0xC800, $0x38;
	[tilespmem:$0x19800] =	vst v63  }
0x2c: {  	s20 =	sshrl.u32 s18, $0x1;
	_ =	swait.ge [sflag:s4], $0xC800  }
0x2d: {  	s20 =	ssub.s32 s18, s20;
	[sflag:s4] =	ssyncset.done $0x0  }
0x2e: {  	s31 =	smax.u32 s20, $0x1;
	[sflag:s4] =	ssyncadd.s32 $0xFFFF3800  }
0x2f: {  	p0 =	sne.s32 s31, $0x1;
	_ =	swait.ge [sflag:s9], $0xC800  }
.Ltmp0:
0x30: {  	[sflag:s9] =	ssyncset.done $0x0;
	(pc) =	sbr.rel @!p0 .LBB2_2-.Ltmp0, $4  }
0x31: {  	s18 =	sadd.s32 $0x6400, s19;
	[sflag:s9] =	ssyncadd.s32 $0xFFFF3800  }
0x32: {  	[hbm4b:s18+s3] =	stream.linear.scatter [tilespmem:s7], [sflag:$0x3], $0xC800, $0x38;
	[tilespmem:$0x19800] =	vst v63  }
0x33: {  	_ =	swait.ge [sflag:s4], $0xC800  }
0x34: {  	s19 =	sadd.s32 $0xFFFFFFFF, s31;
	[sflag:s4] =	ssyncset.done $0x0  }
.LBB2_1:
0x35: {  	p0 =	sne.s32 s19, $0x1;
	s19 =	sadd.s32 $0xFFFFFFFF, s19;
	[sflag:s4] =	ssyncadd.s32 $0xFFFF3800  }
0x36: {  	[tilespmem:s3], [sflag:$0x3] =	stream.linear.gather [hbm4b:s5+s3], $0x7D0, $0x38;
	[tilespmem:$0x19800] =	vst v63  }
0x37: {  	_ =	swait.ge [sflag:s4], $0x7D0  }
0x38: {  	[sflag:s4] =	ssyncset.done $0x0  }
0x39: {  	[sflag:s4] =	ssyncadd.s32 $0xFFFFF830  }
0x3a: {  	[tilespmem:s7], [sflag:$0x1] =	stream.indirect.gather [hbm4b:s2+s6], $0x80, s3, s6, $0xb8;
	[tilespmem:$0x19800] =	vst v63  }
0x3b: {  	_ = 	snop  }
0x3c: {  	[tilespmem:s8], [sflag:$0x2] =	stream.indirect.gather [hbm4b:s2+s6], $0x80, s6, s6, $0xb8;
	[tilespmem:$0x19800] =	vst v63  }
0x3d: {  	_ =	swait.ge [sflag:s9], $0xC800  }
0x3e: {  	[sflag:s9] =	ssyncset.done $0x0  }
0x3f: {  	[sflag:s9] =	ssyncadd.s32 $0xFFFF3800  }
0x40: {  	[hbm4b:s10+s3] =	stream.linear.scatter [tilespmem:s7], [sflag:$0x3], $0xC800, $0x38;
	[tilespmem:$0x19800] =	vst v63  }
0x41: {  	_ =	swait.ge [sflag:s4], $0xC800  }
0x42: {  	[sflag:s4] =	ssyncset.done $0x0  }
0x43: {  	[sflag:s4] =	ssyncadd.s32 $0xFFFF3800  }
0x44: {  	[tilespmem:s7], [sflag:$0x1] =	stream.indirect.gather [hbm4b:s2+s6], $0x80, s11, s6, $0xb8;
	[tilespmem:$0x19800] =	vst v63  }
0x45: {  	_ =	swait.ge [sflag:s12], $0xC800  }
0x46: {  	[sflag:s12] =	ssyncset.done $0x0  }
0x47: {  	[sflag:s12] =	ssyncadd.s32 $0xFFFF3800  }
0x48: {  	[hbm4b:s13+s3] =	stream.linear.scatter [tilespmem:s8], [sflag:$0x3], $0xC800, $0x38;
	[tilespmem:$0x19800] =	vst v63  }
0x49: {  	_ =	swait.ge [sflag:s4], $0xC800  }
0x4a: {  	[sflag:s4] =	ssyncset.done $0x0  }
0x4b: {  	[sflag:s4] =	ssyncadd.s32 $0xFFFF3800  }
0x4c: {  	[tilespmem:s8], [sflag:$0x2] =	stream.indirect.gather [hbm4b:s2+s6], $0x80, s14, s6, $0xb8;
	[tilespmem:$0x19800] =	vst v63  }
0x4d: {  	_ =	swait.ge [sflag:s9], $0xC800  }
0x4e: {  	[sflag:s9] =	ssyncset.done $0x0  }
0x4f: {  	[sflag:s9] =	ssyncadd.s32 $0xFFFF3800  }
0x50: {  	[hbm4b:s15+s3] =	stream.linear.scatter [tilespmem:s7], [sflag:$0x3], $0xC800, $0x38;
	[tilespmem:$0x19800] =	vst v63  }
0x51: {  	_ =	swait.ge [sflag:s4], $0xC800  }
0x52: {  	[sflag:s4] =	ssyncset.done $0x0  }
0x53: {  	[sflag:s4] =	ssyncadd.s32 $0xFFFF3800  }
0x54: {  	[tilespmem:s7], [sflag:$0x1] =	stream.indirect.gather [hbm4b:s2+s6], $0x80, s16, s6, $0xb8;
	[tilespmem:$0x19800] =	vst v63  }
0x55: {  	_ =	swait.ge [sflag:s12], $0xC800  }
0x56: {  	[sflag:s12] =	ssyncset.done $0x0  }
0x57: {  	[sflag:s12] =	ssyncadd.s32 $0xFFFF3800  }
0x58: {  	[hbm4b:s17+s3] =	stream.linear.scatter [tilespmem:s8], [sflag:$0x3], $0xC800, $0x38;
	[tilespmem:$0x19800] =	vst v63  }
0x59: {  	_ =	swait.ge [sflag:s4], $0xC800  }
0x5a: {  	[sflag:s4] =	ssyncset.done $0x0  }
0x5b: {  	[sflag:s4] =	ssyncadd.s32 $0xFFFF3800  }
0x5c: {  	_ =	swait.ge [sflag:s9], $0xC800  }
.Ltmp1:
0x5d: {  	[sflag:s9] =	ssyncset.done $0x0;
	(pc) =	sbr.rel @p0 .LBB2_1-.Ltmp1, $4  }
0x5e: {  	[sflag:s9] =	ssyncadd.s32 $0xFFFF3800  }
0x5f: {  	[hbm4b:s18+s3] =	stream.linear.scatter [tilespmem:s7], [sflag:$0x3], $0xC800, $0x38;
	[tilespmem:$0x19800] =	vst v63  }
0x60: {  	_ =	swait.ge [sflag:s4], $0xC800  }
0x61: {  	[sflag:s4] =	ssyncset.done $0x0  }
.LBB2_2:
0x62: {  	[sflag:s4] =	ssyncadd.s32 $0xFFFF3800  }
0x63: {  	_ =	sfence.sel $0x180000  }
0x64: {  	[bflag:$0x0] =	sbarrier.arrive $0xFFFF  }
0x65: {  	p0 =	sne.s32 s0, $0x0;
	_ =	strace $0x90000056  }
0x66: {  	s0 =	sadd.s32 @!p0 $0x100000, s1;
	[bflag:$0x2] =	sbarrier.arrive $0xFFFF  }
0x67: {  	[sflag:s0] =	ssyncadd.tile.s32 @!p0 $0x1;
	_ =	shalt  }
.Lfunc_end2:
_tile_overlayer_lowered:
.L_overlay_start_2:
0x68: {  	(tag) =	ssettag $0x2  }
0x69: {  	s0 =	rddreg [dreg:$0x0];
	s2 =	stileid.u32  }
0x6a: {  	s1 =	rddreg [dreg:$0x1];
	p0 =	sne.s32 s2, $0x0  }
0x6b: {  	s3 =	rddreg [dreg:$0x2];
	[bflag:$0x3] =	sbarrier.arrive $0xFFFF;
	s2 =	simm.s32 @!p0 $0x1C03  }
0x6c: {  	[timem:s3], [sflag:s2] =	dma.local @!p0 [hbm:s0], s1  }
0x6d: {  	s0 =	simm.s32 @!p0 $0x3  }
0x6e: {  	_ =	swait.ge @!p0 [sflag:s0], s1  }
0x6f: {  	s1 =	ssub.s32 @!p0 $0x0, s1;
	[sflag:s0] =	ssyncset.done @!p0 $0x0  }
0x70: {  	[sflag:s0] =	ssyncadd.s32 @!p0 s1  }
0x71: {  	[bflag:$0x3] =	sbarrier.arrive $0xFFFF  }
0x72: {  	_ =	shalt  }

</sc_bundles>
